<compile_context>
chip_gen: v7x
topology: tpu7x:2x2x1
jax: 0.10.2.dev20260603
libtpu: 0.0.44.dev20260713+nightly
codegen_flags: <defaults>
</compile_context>

<pallas_src>
import jax
import jax.numpy as jnp
from jax import lax
from jax.experimental import pallas as pl
from jax.experimental.pallas import tpu as pltpu
from jax.experimental.pallas import tpu_sc as plsc

_B = 16384
_E = 32
_NC = 2
_NS = 16
_NW = _NC * _NS
_PW = _B // _NW
_CH = 128
_NCH = _PW // _CH
_L = 16
_NG = _PW // _L


def _fire(tab_h, tile_v, buf, r, sem):
    tc = pl.multiple_of((r >> 7) * 128, 128)
    pltpu.async_copy(tab_h.at[pl.ds(0, _E), pl.ds(tc, 128)],
                     tile_v.at[buf], sem)


def _drain(tab_h, tile_v, buf, sem):
    pltpu.make_async_copy(tab_h.at[pl.ds(0, _E), pl.ds(0, 128)],
                          tile_v.at[buf], sem).wait()


def _body(user_h, item_h, uembT_h, iembT_h, ubias_h, ibias_h, out_h,
          uidx_v, iidx_v, utile_v, itile_v, ub_v, ib_v, part_v, res_v, sem,
          bsem):
    wid = lax.axis_index("s") * _NC + lax.axis_index("c")
    base = wid * _PW

    pltpu.sync_copy(user_h.at[pl.ds(base, _PW)], uidx_v)
    pltpu.sync_copy(item_h.at[pl.ds(base, _PW)], iidx_v)

    bias_copies = []
    for c in range(_NCH):
        sl = pl.ds(c * _CH, _CH)
        bias_copies.append(pltpu.async_copy(ubias_h.at[uidx_v.at[sl]], ub_v.at[sl], bsem))
        bias_copies.append(pltpu.async_copy(ibias_h.at[iidx_v.at[sl]], ib_v.at[sl], bsem))

    lane = lax.iota(jnp.int32, _L)
    half_cs = [h * _L + lane for h in range(2)]

    v0u = uidx_v[pl.ds(0, _L)]
    v0i = iidx_v[pl.ds(0, _L)]
    for pp in range(3):
        _fire(uembT_h, utile_v, pp, v0u[pp], sem)
        _fire(iembT_h, itile_v, pp, v0i[pp], sem)

    def group(g, carry):
        p0 = g * _L
        ru = uidx_v[pl.ds(p0, _L)]
        ri = iidx_v[pl.ds(p0, _L)]
        pn0 = jnp.minimum(p0 + _L, _PW - _L)
        run = uidx_v[pl.ds(pn0, _L)]
        rin = iidx_v[pl.ds(pn0, _L)]
        for j in range(_L):
            p = p0 + j
            buf = j & 3
            nbuf = (j + 3) & 3
            rnu = ru[j + 3] if j < _L - 3 else run[j - (_L - 3)]
            rni = ri[j + 3] if j < _L - 3 else rin[j - (_L - 3)]
            pn = p + 3

            @pl.when(pn < _PW)
            def _():
                _fire(uembT_h, utile_v, nbuf, rnu, sem)
                _fire(iembT_h, itile_v, nbuf, rni, sem)

            _drain(uembT_h, utile_v, buf, sem)
            _drain(iembT_h, itile_v, buf, sem)
            rlu = ru[j] & 127
            rli = ri[j] & 127
            acc = jnp.zeros((_L,), jnp.float32)
            for h in range(2):
                cs = half_cs[h]
                uv = plsc.load_gather(
                    utile_v, [jnp.full((_L,), buf, jnp.int32), cs,
                              jnp.full((_L,), rlu, jnp.int32)])
                iv = plsc.load_gather(
                    itile_v, [jnp.full((_L,), buf, jnp.int32), cs,
                              jnp.full((_L,), rli, jnp.int32)])
                acc = acc + uv * iv
            part_v[p, pl.ds(0, _L)] = acc
        return carry

    lax.fori_loop(0, _NG, group, 0)

    for cp in bias_copies:
        cp.wait()

    def bgrp(g, carry):
        p0 = g * _L
        rows = p0 + lane
        acc = ub_v[pl.ds(p0, _L)] + ib_v[pl.ds(p0, _L)]
        for k in range(_L):
            ks = jnp.full((_L,), k, jnp.int32)
            acc = acc + plsc.load_gather(part_v, [rows, ks])
        res_v[pl.ds(p0, _L)] = acc
        return carry

    lax.fori_loop(0, _NG, bgrp, 0)

    pltpu.sync_copy(res_v, out_h.at[pl.ds(base, _PW)])


@jax.jit
def _sc_score(user, item, uembT, iembT, ubias, ibias):
    mesh = plsc.VectorSubcoreMesh(core_axis_name="c", subcore_axis_name="s")
    return pl.kernel(
        _body,
        out_type=jax.ShapeDtypeStruct((_B,), jnp.float32),
        mesh=mesh,
        compiler_params=pltpu.CompilerParams(needs_layout_passes=False,
                                             use_tc_tiling_on_sc=True),
        scratch_types=[
            pltpu.VMEM((_PW,), jnp.int32),
            pltpu.VMEM((_PW,), jnp.int32),
            pltpu.VMEM((4, _E, 128), jnp.float32),
            pltpu.VMEM((4, _E, 128), jnp.float32),
            pltpu.VMEM((_PW,), jnp.float32),
            pltpu.VMEM((_PW,), jnp.float32),
            pltpu.VMEM((_PW, _L), jnp.float32),
            pltpu.VMEM((_PW,), jnp.float32),
            pltpu.SemaphoreType.DMA,
            pltpu.SemaphoreType.DMA,
        ],
    )(user, item, uembT, iembT, ubias, ibias)


def kernel(user, item, u_embed, i_embed, u_bias, i_bias):
    return _sc_score(user.astype(jnp.int32), item.astype(jnp.int32),
                     u_embed.T, i_embed.T,
                     u_bias.reshape(-1), i_bias.reshape(-1))

# --- scband reference (transcript-rebuilt; emitter-appended) ---
"""Pipeline reference for scband-flex-mfmodel-82274393522916 (READ-ONLY COPY).

The authoritative reference and input builder live on the scoring server;
editing this copy changes nothing except your own understanding.
"""

import jax, jax.numpy as jnp
import numpy as np

E_SIZE = 32
N_USERS = 1000000
N_ITEMS = 1000000
B = 16384
INIT_SCALE = 0.1


def setup_inputs(seed: int = 0) -> dict:
    key = jax.random.key(seed)
    k1, k2, k3, k4, k5, k6 = jax.random.split(key, 6)
    user = jax.random.randint(k1, (B,), 0, N_USERS)
    item = jax.random.randint(k2, (B,), 0, N_ITEMS)
    u_embed = jax.random.normal(k3, (N_USERS, E_SIZE), dtype=jnp.float32) * INIT_SCALE
    i_embed = jax.random.normal(k4, (N_ITEMS, E_SIZE), dtype=jnp.float32) * INIT_SCALE
    u_bias = jax.random.normal(k5, (N_USERS, 1), dtype=jnp.float32) * INIT_SCALE
    i_bias = jax.random.normal(k6, (N_ITEMS, 1), dtype=jnp.float32) * INIT_SCALE
    return {
        "user": user,
        "item": item,
        "u_embed": u_embed,
        "i_embed": i_embed,
        "u_bias": u_bias,
        "i_bias": i_bias,
    }


def reference(user, item, u_embed, i_embed, u_bias, i_bias):
    # FlexMFModel.forward with user_bias=True, item_bias=True, layers=0
    ub = jnp.take(u_bias, user, axis=0).reshape(user.shape)
    ib = jnp.take(i_bias, item, axis=0).reshape(item.shape)
    uvec = jnp.take(u_embed, user, axis=0)
    ivec = jnp.take(i_embed, item, axis=0)
    ips = jnp.sum(uvec * ivec, axis=-1)
    score = ub + ib + ips
    return score

if __name__ == "__main__":
    import jax
    _d = setup_inputs()
    print(jax.jit(kernel)(*tuple(_d.values())))

</pallas_src>

<mosaic_0001>
#map = affine_map<(d0, d1) -> (0)>
#map1 = affine_map<(d0, d1) -> (0, 0)>
module attributes {stable_mosaic.version = 14 : i64} {
  func.func @_body(%arg0: i32, %arg1: i32, %arg2: memref<16384xi32, #tpu.memory_space<hbm>>, %arg3: memref<16384xi32, #tpu.memory_space<hbm>>, %arg4: memref<32x1000000xf32, #tpu.memory_space<hbm>>, %arg5: memref<32x1000000xf32, #tpu.memory_space<hbm>>, %arg6: memref<1000000xf32, #tpu.memory_space<hbm>>, %arg7: memref<1000000xf32, #tpu.memory_space<hbm>>, %arg8: memref<16384xf32, #tpu.memory_space<hbm>>, %arg9: memref<512xi32, #tpu.memory_space<vmem>>, %arg10: memref<512xi32, #tpu.memory_space<vmem>>, %arg11: memref<4x32x128xf32, #tpu.memory_space<vmem>>, %arg12: memref<4x32x128xf32, #tpu.memory_space<vmem>>, %arg13: memref<512xf32, #tpu.memory_space<vmem>>, %arg14: memref<512xf32, #tpu.memory_space<vmem>>, %arg15: memref<512x16xf32, #tpu.memory_space<vmem>>, %arg16: memref<512xf32, #tpu.memory_space<vmem>>, %arg17: memref<!tpu.dma_semaphore, #tpu.memory_space<semaphore_mem>>, %arg18: memref<!tpu.dma_semaphore, #tpu.memory_space<semaphore_mem>>) attributes {dimension_semantics = [#tpu.dimension_semantics<core_parallel>, #tpu.dimension_semantics<subcore_parallel>], iteration_bounds = array<i64: 2, 16>, scalar_prefetch = 0 : i64, scratch_operands = 10 : i64, tpu.core_type = #tpu.core_type<sc_vector_subcore>, window_params = [{transform_indices = #map}, {transform_indices = #map}, {transform_indices = #map1}, {transform_indices = #map1}, {transform_indices = #map}, {transform_indices = #map}, {transform_indices = #map}]} {
    %mul3A = arith.constant 2 : i32
    %mul3A_0 = arith.muli %arg1, %mul3A : i32
    %add3A = arith.addi %mul3A_0, %arg0 : i32
    %mul3A_1 = arith.constant 512 : i32
    %mul3A_2 = arith.muli %add3A, %mul3A_1 : i32
    "tpu.region"() ({
      %run_scoped3A = tpu.sem_alloc : memref<!tpu.dma_semaphore, #tpu.memory_space<semaphore_mem>>
      %dma_start3A_233 = tpu.memref_slice %arg2[%mul3A_2] : memref<16384xi32, #tpu.memory_space<hbm>> -> memref<512xi32, #tpu.memory_space<hbm>>
      %dma_start3A_234 = tpu.memref_slice %arg2[%mul3A_2] : memref<16384xi32, #tpu.memory_space<hbm>> -> memref<512xi32, #tpu.memory_space<hbm>>
      tpu.enqueue_dma source(%dma_start3A_234 : memref<512xi32, #tpu.memory_space<hbm>>) target(%arg9 : memref<512xi32, #tpu.memory_space<vmem>>) target_semaphore(%run_scoped3A : memref<!tpu.dma_semaphore, #tpu.memory_space<semaphore_mem>>)
      %dma_wait3A_235 = tpu.memref_slice %arg2[%mul3A_2] : memref<16384xi32, #tpu.memory_space<hbm>> -> memref<512xi32, #tpu.memory_space<hbm>>
      %dma_wait3A_236 = tpu.memref_slice %arg2[%mul3A_2] : memref<16384xi32, #tpu.memory_space<hbm>> -> memref<512xi32, #tpu.memory_space<hbm>>
      tpu.wait_dma2 semaphore(%run_scoped3A : memref<!tpu.dma_semaphore, #tpu.memory_space<semaphore_mem>>) src(%dma_wait3A_236 : memref<512xi32, #tpu.memory_space<hbm>>) dst(%arg9 : memref<512xi32, #tpu.memory_space<vmem>>)
      tpu.yield
    }) : () -> ()
    "tpu.region"() ({
      %run_scoped3A = tpu.sem_alloc : memref<!tpu.dma_semaphore, #tpu.memory_space<semaphore_mem>>
      %dma_start3A_233 = tpu.memref_slice %arg3[%mul3A_2] : memref<16384xi32, #tpu.memory_space<hbm>> -> memref<512xi32, #tpu.memory_space<hbm>>
      %dma_start3A_234 = tpu.memref_slice %arg3[%mul3A_2] : memref<16384xi32, #tpu.memory_space<hbm>> -> memref<512xi32, #tpu.memory_space<hbm>>
      tpu.enqueue_dma source(%dma_start3A_234 : memref<512xi32, #tpu.memory_space<hbm>>) target(%arg10 : memref<512xi32, #tpu.memory_space<vmem>>) target_semaphore(%run_scoped3A : memref<!tpu.dma_semaphore, #tpu.memory_space<semaphore_mem>>)
      %dma_wait3A_235 = tpu.memref_slice %arg3[%mul3A_2] : memref<16384xi32, #tpu.memory_space<hbm>> -> memref<512xi32, #tpu.memory_space<hbm>>
      %dma_wait3A_236 = tpu.memref_slice %arg3[%mul3A_2] : memref<16384xi32, #tpu.memory_space<hbm>> -> memref<512xi32, #tpu.memory_space<hbm>>
      tpu.wait_dma2 semaphore(%run_scoped3A : memref<!tpu.dma_semaphore, #tpu.memory_space<semaphore_mem>>) src(%dma_wait3A_236 : memref<512xi32, #tpu.memory_space<hbm>>) dst(%arg10 : memref<512xi32, #tpu.memory_space<vmem>>)
      tpu.yield
    }) : () -> ()
    %dma_start3A = arith.constant 0 : i32
    %dma_start3A_3 = tpu.memref_slice %arg13[%dma_start3A] : memref<512xf32, #tpu.memory_space<vmem>> -> memref<128xf32, #tpu.memory_space<vmem>>
    %dma_start3A_4 = arith.constant 0 : i32
    %dma_start3A_5 = tpu.memref_slice %arg9[%dma_start3A_4] : memref<512xi32, #tpu.memory_space<vmem>> -> memref<128xi32, #tpu.memory_space<vmem>>
    %dma_start3A_6 = arith.constant 0 : i32
    %dma_start3A_7 = tpu.memref_slice %arg6[%dma_start3A_6] : memref<1000000xf32, #tpu.memory_space<hbm>> -> memref<1000000xf32, #tpu.memory_space<hbm>>
    tpu.enqueue_indirect_dma source(%dma_start3A_7 : memref<1000000xf32, #tpu.memory_space<hbm>>) target(%dma_start3A_3 : memref<128xf32, #tpu.memory_space<vmem>>) offsets(%dma_start3A_5 : memref<128xi32, #tpu.memory_space<vmem>>) semaphore(%arg18 : memref<!tpu.dma_semaphore, #tpu.memory_space<semaphore_mem>>)
    %dma_start3A_8 = arith.constant 0 : i32
    %dma_start3A_9 = tpu.memref_slice %arg14[%dma_start3A_8] : memref<512xf32, #tpu.memory_space<vmem>> -> memref<128xf32, #tpu.memory_space<vmem>>
    %dma_start3A_10 = arith.constant 0 : i32
    %dma_start3A_11 = tpu.memref_slice %arg10[%dma_start3A_10] : memref<512xi32, #tpu.memory_space<vmem>> -> memref<128xi32, #tpu.memory_space<vmem>>
    %dma_start3A_12 = arith.constant 0 : i32
    %dma_start3A_13 = tpu.memref_slice %arg7[%dma_start3A_12] : memref<1000000xf32, #tpu.memory_space<hbm>> -> memref<1000000xf32, #tpu.memory_space<hbm>>
    tpu.enqueue_indirect_dma source(%dma_start3A_13 : memref<1000000xf32, #tpu.memory_space<hbm>>) target(%dma_start3A_9 : memref<128xf32, #tpu.memory_space<vmem>>) offsets(%dma_start3A_11 : memref<128xi32, #tpu.memory_space<vmem>>) semaphore(%arg18 : memref<!tpu.dma_semaphore, #tpu.memory_space<semaphore_mem>>)
    %dma_start3A_14 = arith.constant 128 : i32
    %dma_start3A_15 = tpu.memref_slice %arg13[%dma_start3A_14] : memref<512xf32, #tpu.memory_space<vmem>> -> memref<128xf32, #tpu.memory_space<vmem>>
    %dma_start3A_16 = arith.constant 128 : i32
    %dma_start3A_17 = tpu.memref_slice %arg9[%dma_start3A_16] : memref<512xi32, #tpu.memory_space<vmem>> -> memref<128xi32, #tpu.memory_space<vmem>>
    %dma_start3A_18 = arith.constant 0 : i32
    %dma_start3A_19 = tpu.memref_slice %arg6[%dma_start3A_18] : memref<1000000xf32, #tpu.memory_space<hbm>> -> memref<1000000xf32, #tpu.memory_space<hbm>>
    tpu.enqueue_indirect_dma source(%dma_start3A_19 : memref<1000000xf32, #tpu.memory_space<hbm>>) target(%dma_start3A_15 : memref<128xf32, #tpu.memory_space<vmem>>) offsets(%dma_start3A_17 : memref<128xi32, #tpu.memory_space<vmem>>) semaphore(%arg18 : memref<!tpu.dma_semaphore, #tpu.memory_space<semaphore_mem>>)
    %dma_start3A_20 = arith.constant 128 : i32
    %dma_start3A_21 = tpu.memref_slice %arg14[%dma_start3A_20] : memref<512xf32, #tpu.memory_space<vmem>> -> memref<128xf32, #tpu.memory_space<vmem>>
    %dma_start3A_22 = arith.constant 128 : i32
    %dma_start3A_23 = tpu.memref_slice %arg10[%dma_start3A_22] : memref<512xi32, #tpu.memory_space<vmem>> -> memref<128xi32, #tpu.memory_space<vmem>>
    %dma_start3A_24 = arith.constant 0 : i32
    %dma_start3A_25 = tpu.memref_slice %arg7[%dma_start3A_24] : memref<1000000xf32, #tpu.memory_space<hbm>> -> memref<1000000xf32, #tpu.memory_space<hbm>>
    tpu.enqueue_indirect_dma source(%dma_start3A_25 : memref<1000000xf32, #tpu.memory_space<hbm>>) target(%dma_start3A_21 : memref<128xf32, #tpu.memory_space<vmem>>) offsets(%dma_start3A_23 : memref<128xi32, #tpu.memory_space<vmem>>) semaphore(%arg18 : memref<!tpu.dma_semaphore, #tpu.memory_space<semaphore_mem>>)
    %dma_start3A_26 = arith.constant 256 : i32
    %dma_start3A_27 = tpu.memref_slice %arg13[%dma_start3A_26] : memref<512xf32, #tpu.memory_space<vmem>> -> memref<128xf32, #tpu.memory_space<vmem>>
    %dma_start3A_28 = arith.constant 256 : i32
    %dma_start3A_29 = tpu.memref_slice %arg9[%dma_start3A_28] : memref<512xi32, #tpu.memory_space<vmem>> -> memref<128xi32, #tpu.memory_space<vmem>>
    %dma_start3A_30 = arith.constant 0 : i32
    %dma_start3A_31 = tpu.memref_slice %arg6[%dma_start3A_30] : memref<1000000xf32, #tpu.memory_space<hbm>> -> memref<1000000xf32, #tpu.memory_space<hbm>>
    tpu.enqueue_indirect_dma source(%dma_start3A_31 : memref<1000000xf32, #tpu.memory_space<hbm>>) target(%dma_start3A_27 : memref<128xf32, #tpu.memory_space<vmem>>) offsets(%dma_start3A_29 : memref<128xi32, #tpu.memory_space<vmem>>) semaphore(%arg18 : memref<!tpu.dma_semaphore, #tpu.memory_space<semaphore_mem>>)
    %dma_start3A_32 = arith.constant 256 : i32
    %dma_start3A_33 = tpu.memref_slice %arg14[%dma_start3A_32] : memref<512xf32, #tpu.memory_space<vmem>> -> memref<128xf32, #tpu.memory_space<vmem>>
    %dma_start3A_34 = arith.constant 256 : i32
    %dma_start3A_35 = tpu.memref_slice %arg10[%dma_start3A_34] : memref<512xi32, #tpu.memory_space<vmem>> -> memref<128xi32, #tpu.memory_space<vmem>>
    %dma_start3A_36 = arith.constant 0 : i32
    %dma_start3A_37 = tpu.memref_slice %arg7[%dma_start3A_36] : memref<1000000xf32, #tpu.memory_space<hbm>> -> memref<1000000xf32, #tpu.memory_space<hbm>>
    tpu.enqueue_indirect_dma source(%dma_start3A_37 : memref<1000000xf32, #tpu.memory_space<hbm>>) target(%dma_start3A_33 : memref<128xf32, #tpu.memory_space<vmem>>) offsets(%dma_start3A_35 : memref<128xi32, #tpu.memory_space<vmem>>) semaphore(%arg18 : memref<!tpu.dma_semaphore, #tpu.memory_space<semaphore_mem>>)
    %dma_start3A_38 = arith.constant 384 : i32
    %dma_start3A_39 = tpu.memref_slice %arg13[%dma_start3A_38] : memref<512xf32, #tpu.memory_space<vmem>> -> memref<128xf32, #tpu.memory_space<vmem>>
    %dma_start3A_40 = arith.constant 384 : i32
    %dma_start3A_41 = tpu.memref_slice %arg9[%dma_start3A_40] : memref<512xi32, #tpu.memory_space<vmem>> -> memref<128xi32, #tpu.memory_space<vmem>>
    %dma_start3A_42 = arith.constant 0 : i32
    %dma_start3A_43 = tpu.memref_slice %arg6[%dma_start3A_42] : memref<1000000xf32, #tpu.memory_space<hbm>> -> memref<1000000xf32, #tpu.memory_space<hbm>>
    tpu.enqueue_indirect_dma source(%dma_start3A_43 : memref<1000000xf32, #tpu.memory_space<hbm>>) target(%dma_start3A_39 : memref<128xf32, #tpu.memory_space<vmem>>) offsets(%dma_start3A_41 : memref<128xi32, #tpu.memory_space<vmem>>) semaphore(%arg18 : memref<!tpu.dma_semaphore, #tpu.memory_space<semaphore_mem>>)
    %dma_start3A_44 = arith.constant 384 : i32
    %dma_start3A_45 = tpu.memref_slice %arg14[%dma_start3A_44] : memref<512xf32, #tpu.memory_space<vmem>> -> memref<128xf32, #tpu.memory_space<vmem>>
    %dma_start3A_46 = arith.constant 384 : i32
    %dma_start3A_47 = tpu.memref_slice %arg10[%dma_start3A_46] : memref<512xi32, #tpu.memory_space<vmem>> -> memref<128xi32, #tpu.memory_space<vmem>>
    %dma_start3A_48 = arith.constant 0 : i32
    %dma_start3A_49 = tpu.memref_slice %arg7[%dma_start3A_48] : memref<1000000xf32, #tpu.memory_space<hbm>> -> memref<1000000xf32, #tpu.memory_space<hbm>>
    tpu.enqueue_indirect_dma source(%dma_start3A_49 : memref<1000000xf32, #tpu.memory_space<hbm>>) target(%dma_start3A_45 : memref<128xf32, #tpu.memory_space<vmem>>) offsets(%dma_start3A_47 : memref<128xi32, #tpu.memory_space<vmem>>) semaphore(%arg18 : memref<!tpu.dma_semaphore, #tpu.memory_space<semaphore_mem>>)
    %iota3A = tpu.iota {dimensions = array<i32: 0>} : vector<16xi32>
    %add3A_50 = arith.constant 0 : i32
    %add3A_51 = vector.broadcast %add3A_50 : i32 to vector<16xi32>
    %add3A_52 = arith.addi %add3A_51, %iota3A : vector<16xi32>
    %add3A_53 = arith.constant 16 : i32
    %add3A_54 = vector.broadcast %add3A_53 : i32 to vector<16xi32>
    %add3A_55 = arith.addi %add3A_54, %iota3A : vector<16xi32>
    %get3A = arith.constant 0 : index
    %get3A_56 = tpu.vector_load %arg9[%get3A] {strides = array<i32>} : memref<512xi32, #tpu.memory_space<vmem>>, vector<16xi32>,
    %get3A_57 = arith.constant 0 : index
    %get3A_58 = tpu.vector_load %arg10[%get3A_57] {strides = array<i32>} : memref<512xi32, #tpu.memory_space<vmem>>, vector<16xi32>,
    %slice3A = vector.extract_strided_slice %get3A_56 {offsets = [0], sizes = [1], strides = [1]} : vector<16xi32> to vector<1xi32>
    %squeeze3A = vector.extract %slice3A[0] : i32 from vector<1xi32>
    %shift_right_arithmetic3A = arith.constant 7 : i32
    %shift_right_arithmetic3A_59 = arith.shrsi %squeeze3A, %shift_right_arithmetic3A : i32
    %mul3A_60 = arith.constant 128 : i32
    %mul3A_61 = arith.muli %shift_right_arithmetic3A_59, %mul3A_60 : i32
    %multiple_of3A = tpu.assume_multiple %mul3A_61, 128 : i32
    %dma_start3A_62 = arith.constant 0 : i32
    %dma_start3A_63 = arith.constant 0 : i32
    %dma_start3A_64 = arith.constant 0 : i32
    %dma_start3A_65 = tpu.memref_slice %arg11[%dma_start3A_62, %dma_start3A_63, %dma_start3A_64] : memref<4x32x128xf32, #tpu.memory_space<vmem>> -> memref<1x32x128xf32, #tpu.memory_space<vmem>>
    %dma_start3A_66 = tpu.memref_squeeze %dma_start3A_65 : memref<1x32x128xf32, #tpu.memory_space<vmem>> -> memref<32x128xf32, #tpu.memory_space<vmem>>
    %dma_start3A_67 = arith.constant 0 : i32
    %dma_start3A_68 = tpu.memref_slice %arg4[%dma_start3A_67, %multiple_of3A] : memref<32x1000000xf32, #tpu.memory_space<hbm>> -> memref<32x128xf32, #tpu.memory_space<hbm>>
    %dma_start3A_69 = arith.constant 0 : i32
    %dma_start3A_70 = arith.constant 0 : i32
    %dma_start3A_71 = tpu.memref_slice %arg11[%dma_start3A_62, %dma_start3A_69, %dma_start3A_70] : memref<4x32x128xf32, #tpu.memory_space<vmem>> -> memref<1x32x128xf32, #tpu.memory_space<vmem>>
    %dma_start3A_72 = tpu.memref_squeeze %dma_start3A_71 : memref<1x32x128xf32, #tpu.memory_space<vmem>> -> memref<32x128xf32, #tpu.memory_space<vmem>>
    %dma_start3A_73 = arith.constant 0 : i32
    %dma_start3A_74 = tpu.memref_slice %arg4[%dma_start3A_73, %multiple_of3A] : memref<32x1000000xf32, #tpu.memory_space<hbm>> -> memref<32x128xf32, #tpu.memory_space<hbm>>
    tpu.enqueue_dma source(%dma_start3A_74 : memref<32x128xf32, #tpu.memory_space<hbm>>) target(%dma_start3A_72 : memref<32x128xf32, #tpu.memory_space<vmem>>) target_semaphore(%arg17 : memref<!tpu.dma_semaphore, #tpu.memory_space<semaphore_mem>>)
    %slice3A_75 = vector.extract_strided_slice %get3A_58 {offsets = [0], sizes = [1], strides = [1]} : vector<16xi32> to vector<1xi32>
    %squeeze3A_76 = vector.extract %slice3A_75[0] : i32 from vector<1xi32>
    %shift_right_arithmetic3A_77 = arith.constant 7 : i32
    %shift_right_arithmetic3A_78 = arith.shrsi %squeeze3A_76, %shift_right_arithmetic3A_77 : i32
    %mul3A_79 = arith.constant 128 : i32
    %mul3A_80 = arith.muli %shift_right_arithmetic3A_78, %mul3A_79 : i32
    %multiple_of3A_81 = tpu.assume_multiple %mul3A_80, 128 : i32
    %dma_start3A_82 = arith.constant 0 : i32
    %dma_start3A_83 = arith.constant 0 : i32
    %dma_start3A_84 = arith.constant 0 : i32
    %dma_start3A_85 = tpu.memref_slice %arg12[%dma_start3A_82, %dma_start3A_83, %dma_start3A_84] : memref<4x32x128xf32, #tpu.memory_space<vmem>> -> memref<1x32x128xf32, #tpu.memory_space<vmem>>
    %dma_start3A_86 = tpu.memref_squeeze %dma_start3A_85 : memref<1x32x128xf32, #tpu.memory_space<vmem>> -> memref<32x128xf32, #tpu.memory_space<vmem>>
    %dma_start3A_87 = arith.constant 0 : i32
    %dma_start3A_88 = tpu.memref_slice %arg5[%dma_start3A_87, %multiple_of3A_81] : memref<32x1000000xf32, #tpu.memory_space<hbm>> -> memref<32x128xf32, #tpu.memory_space<hbm>>
    %dma_start3A_89 = arith.constant 0 : i32
    %dma_start3A_90 = arith.constant 0 : i32
    %dma_start3A_91 = tpu.memref_slice %arg12[%dma_start3A_82, %dma_start3A_89, %dma_start3A_90] : memref<4x32x128xf32, #tpu.memory_space<vmem>> -> memref<1x32x128xf32, #tpu.memory_space<vmem>>
    %dma_start3A_92 = tpu.memref_squeeze %dma_start3A_91 : memref<1x32x128xf32, #tpu.memory_space<vmem>> -> memref<32x128xf32, #tpu.memory_space<vmem>>
    %dma_start3A_93 = arith.constant 0 : i32
    %dma_start3A_94 = tpu.memref_slice %arg5[%dma_start3A_93, %multiple_of3A_81] : memref<32x1000000xf32, #tpu.memory_space<hbm>> -> memref<32x128xf32, #tpu.memory_space<hbm>>
    tpu.enqueue_dma source(%dma_start3A_94 : memref<32x128xf32, #tpu.memory_space<hbm>>) target(%dma_start3A_92 : memref<32x128xf32, #tpu.memory_space<vmem>>) target_semaphore(%arg17 : memref<!tpu.dma_semaphore, #tpu.memory_space<semaphore_mem>>)
    %slice3A_95 = vector.extract_strided_slice %get3A_56 {offsets = [1], sizes = [1], strides = [1]} : vector<16xi32> to vector<1xi32>
    %squeeze3A_96 = vector.extract %slice3A_95[0] : i32 from vector<1xi32>
    %shift_right_arithmetic3A_97 = arith.constant 7 : i32
    %shift_right_arithmetic3A_98 = arith.shrsi %squeeze3A_96, %shift_right_arithmetic3A_97 : i32
    %mul3A_99 = arith.constant 128 : i32
    %mul3A_100 = arith.muli %shift_right_arithmetic3A_98, %mul3A_99 : i32
    %multiple_of3A_101 = tpu.assume_multiple %mul3A_100, 128 : i32
    %dma_start3A_102 = arith.constant 1 : i32
    %dma_start3A_103 = arith.constant 0 : i32
    %dma_start3A_104 = arith.constant 0 : i32
    %dma_start3A_105 = tpu.memref_slice %arg11[%dma_start3A_102, %dma_start3A_103, %dma_start3A_104] : memref<4x32x128xf32, #tpu.memory_space<vmem>> -> memref<1x32x128xf32, #tpu.memory_space<vmem>>
    %dma_start3A_106 = tpu.memref_squeeze %dma_start3A_105 : memref<1x32x128xf32, #tpu.memory_space<vmem>> -> memref<32x128xf32, #tpu.memory_space<vmem>>
    %dma_start3A_107 = arith.constant 0 : i32
    %dma_start3A_108 = tpu.memref_slice %arg4[%dma_start3A_107, %multiple_of3A_101] : memref<32x1000000xf32, #tpu.memory_space<hbm>> -> memref<32x128xf32, #tpu.memory_space<hbm>>
    %dma_start3A_109 = arith.constant 0 : i32
    %dma_start3A_110 = arith.constant 0 : i32
    %dma_start3A_111 = tpu.memref_slice %arg11[%dma_start3A_102, %dma_start3A_109, %dma_start3A_110] : memref<4x32x128xf32, #tpu.memory_space<vmem>> -> memref<1x32x128xf32, #tpu.memory_space<vmem>>
    %dma_start3A_112 = tpu.memref_squeeze %dma_start3A_111 : memref<1x32x128xf32, #tpu.memory_space<vmem>> -> memref<32x128xf32, #tpu.memory_space<vmem>>
    %dma_start3A_113 = arith.constant 0 : i32
    %dma_start3A_114 = tpu.memref_slice %arg4[%dma_start3A_113, %multiple_of3A_101] : memref<32x1000000xf32, #tpu.memory_space<hbm>> -> memref<32x128xf32, #tpu.memory_space<hbm>>
    tpu.enqueue_dma source(%dma_start3A_114 : memref<32x128xf32, #tpu.memory_space<hbm>>) target(%dma_start3A_112 : memref<32x128xf32, #tpu.memory_space<vmem>>) target_semaphore(%arg17 : memref<!tpu.dma_semaphore, #tpu.memory_space<semaphore_mem>>)
    %slice3A_115 = vector.extract_strided_slice %get3A_58 {offsets = [1], sizes = [1], strides = [1]} : vector<16xi32> to vector<1xi32>
    %squeeze3A_116 = vector.extract %slice3A_115[0] : i32 from vector<1xi32>
    %shift_right_arithmetic3A_117 = arith.constant 7 : i32
    %shift_right_arithmetic3A_118 = arith.shrsi %squeeze3A_116, %shift_right_arithmetic3A_117 : i32
    %mul3A_119 = arith.constant 128 : i32
    %mul3A_120 = arith.muli %shift_right_arithmetic3A_118, %mul3A_119 : i32
    %multiple_of3A_121 = tpu.assume_multiple %mul3A_120, 128 : i32
    %dma_start3A_122 = arith.constant 1 : i32
    %dma_start3A_123 = arith.constant 0 : i32
    %dma_start3A_124 = arith.constant 0 : i32
    %dma_start3A_125 = tpu.memref_slice %arg12[%dma_start3A_122, %dma_start3A_123, %dma_start3A_124] : memref<4x32x128xf32, #tpu.memory_space<vmem>> -> memref<1x32x128xf32, #tpu.memory_space<vmem>>
    %dma_start3A_126 = tpu.memref_squeeze %dma_start3A_125 : memref<1x32x128xf32, #tpu.memory_space<vmem>> -> memref<32x128xf32, #tpu.memory_space<vmem>>
    %dma_start3A_127 = arith.constant 0 : i32
    %dma_start3A_128 = tpu.memref_slice %arg5[%dma_start3A_127, %multiple_of3A_121] : memref<32x1000000xf32, #tpu.memory_space<hbm>> -> memref<32x128xf32, #tpu.memory_space<hbm>>
    %dma_start3A_129 = arith.constant 0 : i32
    %dma_start3A_130 = arith.constant 0 : i32
    %dma_start3A_131 = tpu.memref_slice %arg12[%dma_start3A_122, %dma_start3A_129, %dma_start3A_130] : memref<4x32x128xf32, #tpu.memory_space<vmem>> -> memref<1x32x128xf32, #tpu.memory_space<vmem>>
    %dma_start3A_132 = tpu.memref_squeeze %dma_start3A_131 : memref<1x32x128xf32, #tpu.memory_space<vmem>> -> memref<32x128xf32, #tpu.memory_space<vmem>>
    %dma_start3A_133 = arith.constant 0 : i32
    %dma_start3A_134 = tpu.memref_slice %arg5[%dma_start3A_133, %multiple_of3A_121] : memref<32x1000000xf32, #tpu.memory_space<hbm>> -> memref<32x128xf32, #tpu.memory_space<hbm>>
    tpu.enqueue_dma source(%dma_start3A_134 : memref<32x128xf32, #tpu.memory_space<hbm>>) target(%dma_start3A_132 : memref<32x128xf32, #tpu.memory_space<vmem>>) target_semaphore(%arg17 : memref<!tpu.dma_semaphore, #tpu.memory_space<semaphore_mem>>)
    %slice3A_135 = vector.extract_strided_slice %get3A_56 {offsets = [2], sizes = [1], strides = [1]} : vector<16xi32> to vector<1xi32>
    %squeeze3A_136 = vector.extract %slice3A_135[0] : i32 from vector<1xi32>
    %shift_right_arithmetic3A_137 = arith.constant 7 : i32
    %shift_right_arithmetic3A_138 = arith.shrsi %squeeze3A_136, %shift_right_arithmetic3A_137 : i32
    %mul3A_139 = arith.constant 128 : i32
    %mul3A_140 = arith.muli %shift_right_arithmetic3A_138, %mul3A_139 : i32
    %multiple_of3A_141 = tpu.assume_multiple %mul3A_140, 128 : i32
    %dma_start3A_142 = arith.constant 2 : i32
    %dma_start3A_143 = arith.constant 0 : i32
    %dma_start3A_144 = arith.constant 0 : i32
    %dma_start3A_145 = tpu.memref_slice %arg11[%dma_start3A_142, %dma_start3A_143, %dma_start3A_144] : memref<4x32x128xf32, #tpu.memory_space<vmem>> -> memref<1x32x128xf32, #tpu.memory_space<vmem>>
    %dma_start3A_146 = tpu.memref_squeeze %dma_start3A_145 : memref<1x32x128xf32, #tpu.memory_space<vmem>> -> memref<32x128xf32, #tpu.memory_space<vmem>>
    %dma_start3A_147 = arith.constant 0 : i32
    %dma_start3A_148 = tpu.memref_slice %arg4[%dma_start3A_147, %multiple_of3A_141] : memref<32x1000000xf32, #tpu.memory_space<hbm>> -> memref<32x128xf32, #tpu.memory_space<hbm>>
    %dma_start3A_149 = arith.constant 0 : i32
    %dma_start3A_150 = arith.constant 0 : i32
    %dma_start3A_151 = tpu.memref_slice %arg11[%dma_start3A_142, %dma_start3A_149, %dma_start3A_150] : memref<4x32x128xf32, #tpu.memory_space<vmem>> -> memref<1x32x128xf32, #tpu.memory_space<vmem>>
    %dma_start3A_152 = tpu.memref_squeeze %dma_start3A_151 : memref<1x32x128xf32, #tpu.memory_space<vmem>> -> memref<32x128xf32, #tpu.memory_space<vmem>>
    %dma_start3A_153 = arith.constant 0 : i32
    %dma_start3A_154 = tpu.memref_slice %arg4[%dma_start3A_153, %multiple_of3A_141] : memref<32x1000000xf32, #tpu.memory_space<hbm>> -> memref<32x128xf32, #tpu.memory_space<hbm>>
    tpu.enqueue_dma source(%dma_start3A_154 : memref<32x128xf32, #tpu.memory_space<hbm>>) target(%dma_start3A_152 : memref<32x128xf32, #tpu.memory_space<vmem>>) target_semaphore(%arg17 : memref<!tpu.dma_semaphore, #tpu.memory_space<semaphore_mem>>)
    %slice3A_155 = vector.extract_strided_slice %get3A_58 {offsets = [2], sizes = [1], strides = [1]} : vector<16xi32> to vector<1xi32>
    %squeeze3A_156 = vector.extract %slice3A_155[0] : i32 from vector<1xi32>
    %shift_right_arithmetic3A_157 = arith.constant 7 : i32
    %shift_right_arithmetic3A_158 = arith.shrsi %squeeze3A_156, %shift_right_arithmetic3A_157 : i32
    %mul3A_159 = arith.constant 128 : i32
    %mul3A_160 = arith.muli %shift_right_arithmetic3A_158, %mul3A_159 : i32
    %multiple_of3A_161 = tpu.assume_multiple %mul3A_160, 128 : i32
    %dma_start3A_162 = arith.constant 2 : i32
    %dma_start3A_163 = arith.constant 0 : i32
    %dma_start3A_164 = arith.constant 0 : i32
    %dma_start3A_165 = tpu.memref_slice %arg12[%dma_start3A_162, %dma_start3A_163, %dma_start3A_164] : memref<4x32x128xf32, #tpu.memory_space<vmem>> -> memref<1x32x128xf32, #tpu.memory_space<vmem>>
    %dma_start3A_166 = tpu.memref_squeeze %dma_start3A_165 : memref<1x32x128xf32, #tpu.memory_space<vmem>> -> memref<32x128xf32, #tpu.memory_space<vmem>>
    %dma_start3A_167 = arith.constant 0 : i32
    %dma_start3A_168 = tpu.memref_slice %arg5[%dma_start3A_167, %multiple_of3A_161] : memref<32x1000000xf32, #tpu.memory_space<hbm>> -> memref<32x128xf32, #tpu.memory_space<hbm>>
    %dma_start3A_169 = arith.constant 0 : i32
    %dma_start3A_170 = arith.constant 0 : i32
    %dma_start3A_171 = tpu.memref_slice %arg12[%dma_start3A_162, %dma_start3A_169, %dma_start3A_170] : memref<4x32x128xf32, #tpu.memory_space<vmem>> -> memref<1x32x128xf32, #tpu.memory_space<vmem>>
    %dma_start3A_172 = tpu.memref_squeeze %dma_start3A_171 : memref<1x32x128xf32, #tpu.memory_space<vmem>> -> memref<32x128xf32, #tpu.memory_space<vmem>>
    %dma_start3A_173 = arith.constant 0 : i32
    %dma_start3A_174 = tpu.memref_slice %arg5[%dma_start3A_173, %multiple_of3A_161] : memref<32x1000000xf32, #tpu.memory_space<hbm>> -> memref<32x128xf32, #tpu.memory_space<hbm>>
    tpu.enqueue_dma source(%dma_start3A_174 : memref<32x128xf32, #tpu.memory_space<hbm>>) target(%dma_start3A_172 : memref<32x128xf32, #tpu.memory_space<vmem>>) target_semaphore(%arg17 : memref<!tpu.dma_semaphore, #tpu.memory_space<semaphore_mem>>)
    %scan3A = arith.constant 0 : i32
    %scan3A_175 = arith.constant 0 : i32
    %scan3A_176 = arith.constant 32 : i32
    %scan3A_177 = arith.addi %scan3A_175, %scan3A_176 : i32
    %scan3A_178 = arith.constant 1 : i32
    scf.for %scan3A_233 = %scan3A_175 to %scan3A_177 step %scan3A_178  : i32 {
      %mul3A_234 = arith.constant 16 : i32
      %mul3A_235 = arith.muli %scan3A_233, %mul3A_234 : i32
      %get3A_236 = arith.index_cast %mul3A_235 : i32 to index
      %get3A_237 = tpu.vector_load %arg9[%get3A_236] {strides = array<i32>} : memref<512xi32, #tpu.memory_space<vmem>>, vector<16xi32>,
      %get3A_238 = arith.index_cast %mul3A_235 : i32 to index
      %get3A_239 = tpu.vector_load %arg10[%get3A_238] {strides = array<i32>} : memref<512xi32, #tpu.memory_space<vmem>>, vector<16xi32>,
      %add3A_240 = arith.constant 16 : i32
      %add3A_241 = arith.addi %mul3A_235, %add3A_240 : i32
      %min3A = arith.constant 496 : i32
      %min3A_242 = arith.minsi %add3A_241, %min3A : i32
      %get3A_243 = arith.index_cast %min3A_242 : i32 to index
      %get3A_244 = tpu.vector_load %arg9[%get3A_243] {strides = array<i32>} : memref<512xi32, #tpu.memory_space<vmem>>, vector<16xi32>,
      %get3A_245 = arith.index_cast %min3A_242 : i32 to index
      %get3A_246 = tpu.vector_load %arg10[%get3A_245] {strides = array<i32>} : memref<512xi32, #tpu.memory_space<vmem>>, vector<16xi32>,
      %add3A_247 = arith.constant 0 : i32
      %add3A_248 = arith.addi %mul3A_235, %add3A_247 : i32
      %slice3A_249 = vector.extract_strided_slice %get3A_237 {offsets = [3], sizes = [1], strides = [1]} : vector<16xi32> to vector<1xi32>
      %squeeze3A_250 = vector.extract %slice3A_249[0] : i32 from vector<1xi32>
      %slice3A_251 = vector.extract_strided_slice %get3A_239 {offsets = [3], sizes = [1], strides = [1]} : vector<16xi32> to vector<1xi32>
      %squeeze3A_252 = vector.extract %slice3A_251[0] : i32 from vector<1xi32>
      %add3A_253 = arith.constant 3 : i32
      %add3A_254 = arith.addi %add3A_248, %add3A_253 : i32
      %lt3A = arith.constant 512 : i32
      %lt3A_255 = arith.cmpi slt, %add3A_254, %lt3A : i32
      %convert_element_type3A = arith.extui %lt3A_255 : i1 to i32
      %cond3A = arith.constant 0 : i32
      %cond3A_256 = arith.cmpi ne, %convert_element_type3A, %cond3A : i32
      scf.if %cond3A_256 {
        %shift_right_arithmetic3A_1456 = arith.constant 7 : i32
        %shift_right_arithmetic3A_1457 = arith.shrsi %squeeze3A_250, %shift_right_arithmetic3A_1456 : i32
        %mul3A_1458 = arith.constant 128 : i32
        %mul3A_1459 = arith.muli %shift_right_arithmetic3A_1457, %mul3A_1458 : i32
        %multiple_of3A_1460 = tpu.assume_multiple %mul3A_1459, 128 : i32
        %dma_start3A_1461 = arith.constant 3 : i32
        %dma_start3A_1462 = arith.constant 0 : i32
        %dma_start3A_1463 = arith.constant 0 : i32
        %dma_start3A_1464 = tpu.memref_slice %arg11[%dma_start3A_1461, %dma_start3A_1462, %dma_start3A_1463] : memref<4x32x128xf32, #tpu.memory_space<vmem>> -> memref<1x32x128xf32, #tpu.memory_space<vmem>>
        %dma_start3A_1465 = tpu.memref_squeeze %dma_start3A_1464 : memref<1x32x128xf32, #tpu.memory_space<vmem>> -> memref<32x128xf32, #tpu.memory_space<vmem>>
        %dma_start3A_1466 = arith.constant 0 : i32
        %dma_start3A_1467 = tpu.memref_slice %arg4[%dma_start3A_1466, %multiple_of3A_1460] : memref<32x1000000xf32, #tpu.memory_space<hbm>> -> memref<32x128xf32, #tpu.memory_space<hbm>>
        %dma_start3A_1468 = arith.constant 0 : i32
        %dma_start3A_1469 = arith.constant 0 : i32
        %dma_start3A_1470 = tpu.memref_slice %arg11[%dma_start3A_1461, %dma_start3A_1468, %dma_start3A_1469] : memref<4x32x128xf32, #tpu.memory_space<vmem>> -> memref<1x32x128xf32, #tpu.memory_space<vmem>>
        %dma_start3A_1471 = tpu.memref_squeeze %dma_start3A_1470 : memref<1x32x128xf32, #tpu.memory_space<vmem>> -> memref<32x128xf32, #tpu.memory_space<vmem>>
        %dma_start3A_1472 = arith.constant 0 : i32
        %dma_start3A_1473 = tpu.memref_slice %arg4[%dma_start3A_1472, %multiple_of3A_1460] : memref<32x1000000xf32, #tpu.memory_space<hbm>> -> memref<32x128xf32, #tpu.memory_space<hbm>>
        tpu.enqueue_dma source(%dma_start3A_1473 : memref<32x128xf32, #tpu.memory_space<hbm>>) target(%dma_start3A_1471 : memref<32x128xf32, #tpu.memory_space<vmem>>) target_semaphore(%arg17 : memref<!tpu.dma_semaphore, #tpu.memory_space<semaphore_mem>>)
        %shift_right_arithmetic3A_1474 = arith.constant 7 : i32
        %shift_right_arithmetic3A_1475 = arith.shrsi %squeeze3A_252, %shift_right_arithmetic3A_1474 : i32
        %mul3A_1476 = arith.constant 128 : i32
        %mul3A_1477 = arith.muli %shift_right_arithmetic3A_1475, %mul3A_1476 : i32
        %multiple_of3A_1478 = tpu.assume_multiple %mul3A_1477, 128 : i32
        %dma_start3A_1479 = arith.constant 3 : i32
        %dma_start3A_1480 = arith.constant 0 : i32
        %dma_start3A_1481 = arith.constant 0 : i32
        %dma_start3A_1482 = tpu.memref_slice %arg12[%dma_start3A_1479, %dma_start3A_1480, %dma_start3A_1481] : memref<4x32x128xf32, #tpu.memory_space<vmem>> -> memref<1x32x128xf32, #tpu.memory_space<vmem>>
        %dma_start3A_1483 = tpu.memref_squeeze %dma_start3A_1482 : memref<1x32x128xf32, #tpu.memory_space<vmem>> -> memref<32x128xf32, #tpu.memory_space<vmem>>
        %dma_start3A_1484 = arith.constant 0 : i32
        %dma_start3A_1485 = tpu.memref_slice %arg5[%dma_start3A_1484, %multiple_of3A_1478] : memref<32x1000000xf32, #tpu.memory_space<hbm>> -> memref<32x128xf32, #tpu.memory_space<hbm>>
        %dma_start3A_1486 = arith.constant 0 : i32
        %dma_start3A_1487 = arith.constant 0 : i32
        %dma_start3A_1488 = tpu.memref_slice %arg12[%dma_start3A_1479, %dma_start3A_1486, %dma_start3A_1487] : memref<4x32x128xf32, #tpu.memory_space<vmem>> -> memref<1x32x128xf32, #tpu.memory_space<vmem>>
        %dma_start3A_1489 = tpu.memref_squeeze %dma_start3A_1488 : memref<1x32x128xf32, #tpu.memory_space<vmem>> -> memref<32x128xf32, #tpu.memory_space<vmem>>
        %dma_start3A_1490 = arith.constant 0 : i32
        %dma_start3A_1491 = tpu.memref_slice %arg5[%dma_start3A_1490, %multiple_of3A_1478] : memref<32x1000000xf32, #tpu.memory_space<hbm>> -> memref<32x128xf32, #tpu.memory_space<hbm>>
        tpu.enqueue_dma source(%dma_start3A_1491 : memref<32x128xf32, #tpu.memory_space<hbm>>) target(%dma_start3A_1489 : memref<32x128xf32, #tpu.memory_space<vmem>>) target_semaphore(%arg17 : memref<!tpu.dma_semaphore, #tpu.memory_space<semaphore_mem>>)
      } else {
      }
      %dma_wait3A_257 = arith.constant 0 : i32
      %dma_wait3A_258 = arith.constant 0 : i32
      %dma_wait3A_259 = arith.constant 0 : i32
      %dma_wait3A_260 = tpu.memref_slice %arg11[%dma_wait3A_257, %dma_wait3A_258, %dma_wait3A_259] : memref<4x32x128xf32, #tpu.memory_space<vmem>> -> memref<1x32x128xf32, #tpu.memory_space<vmem>>
      %dma_wait3A_261 = tpu.memref_squeeze %dma_wait3A_260 : memref<1x32x128xf32, #tpu.memory_space<vmem>> -> memref<32x128xf32, #tpu.memory_space<vmem>>
      %dma_wait3A_262 = arith.constant 0 : i32
      %dma_wait3A_263 = arith.constant 0 : i32
      %dma_wait3A_264 = tpu.memref_slice %arg4[%dma_wait3A_262, %dma_wait3A_263] : memref<32x1000000xf32, #tpu.memory_space<hbm>> -> memref<32x128xf32, #tpu.memory_space<hbm>>
      %dma_wait3A_265 = arith.constant 0 : i32
      %dma_wait3A_266 = arith.constant 0 : i32
      %dma_wait3A_267 = tpu.memref_slice %arg11[%dma_wait3A_257, %dma_wait3A_265, %dma_wait3A_266] : memref<4x32x128xf32, #tpu.memory_space<vmem>> -> memref<1x32x128xf32, #tpu.memory_space<vmem>>
      %dma_wait3A_268 = tpu.memref_squeeze %dma_wait3A_267 : memref<1x32x128xf32, #tpu.memory_space<vmem>> -> memref<32x128xf32, #tpu.memory_space<vmem>>
      %dma_wait3A_269 = arith.constant 0 : i32
      %dma_wait3A_270 = arith.constant 0 : i32
      %dma_wait3A_271 = tpu.memref_slice %arg4[%dma_wait3A_269, %dma_wait3A_270] : memref<32x1000000xf32, #tpu.memory_space<hbm>> -> memref<32x128xf32, #tpu.memory_space<hbm>>
      tpu.wait_dma2 semaphore(%arg17 : memref<!tpu.dma_semaphore, #tpu.memory_space<semaphore_mem>>) src(%dma_wait3A_271 : memref<32x128xf32, #tpu.memory_space<hbm>>) dst(%dma_wait3A_268 : memref<32x128xf32, #tpu.memory_space<vmem>>)
      %dma_wait3A_272 = arith.constant 0 : i32
      %dma_wait3A_273 = arith.constant 0 : i32
      %dma_wait3A_274 = arith.constant 0 : i32
      %dma_wait3A_275 = tpu.memref_slice %arg12[%dma_wait3A_272, %dma_wait3A_273, %dma_wait3A_274] : memref<4x32x128xf32, #tpu.memory_space<vmem>> -> memref<1x32x128xf32, #tpu.memory_space<vmem>>
      %dma_wait3A_276 = tpu.memref_squeeze %dma_wait3A_275 : memref<1x32x128xf32, #tpu.memory_space<vmem>> -> memref<32x128xf32, #tpu.memory_space<vmem>>
      %dma_wait3A_277 = arith.constant 0 : i32
      %dma_wait3A_278 = arith.constant 0 : i32
      %dma_wait3A_279 = tpu.memref_slice %arg5[%dma_wait3A_277, %dma_wait3A_278] : memref<32x1000000xf32, #tpu.memory_space<hbm>> -> memref<32x128xf32, #tpu.memory_space<hbm>>
      %dma_wait3A_280 = arith.constant 0 : i32
      %dma_wait3A_281 = arith.constant 0 : i32
      %dma_wait3A_282 = tpu.memref_slice %arg12[%dma_wait3A_272, %dma_wait3A_280, %dma_wait3A_281] : memref<4x32x128xf32, #tpu.memory_space<vmem>> -> memref<1x32x128xf32, #tpu.memory_space<vmem>>
      %dma_wait3A_283 = tpu.memref_squeeze %dma_wait3A_282 : memref<1x32x128xf32, #tpu.memory_space<vmem>> -> memref<32x128xf32, #tpu.memory_space<vmem>>
      %dma_wait3A_284 = arith.constant 0 : i32
      %dma_wait3A_285 = arith.constant 0 : i32
      %dma_wait3A_286 = tpu.memref_slice %arg5[%dma_wait3A_284, %dma_wait3A_285] : memref<32x1000000xf32, #tpu.memory_space<hbm>> -> memref<32x128xf32, #tpu.memory_space<hbm>>
      tpu.wait_dma2 semaphore(%arg17 : memref<!tpu.dma_semaphore, #tpu.memory_space<semaphore_mem>>) src(%dma_wait3A_286 : memref<32x128xf32, #tpu.memory_space<hbm>>) dst(%dma_wait3A_283 : memref<32x128xf32, #tpu.memory_space<vmem>>)
      %slice3A_287 = vector.extract_strided_slice %get3A_237 {offsets = [0], sizes = [1], strides = [1]} : vector<16xi32> to vector<1xi32>
      %squeeze3A_288 = vector.extract %slice3A_287[0] : i32 from vector<1xi32>
      %and3A = arith.constant 127 : i32
      %and3A_289 = arith.andi %squeeze3A_288, %and3A : i32
      %slice3A_290 = vector.extract_strided_slice %get3A_239 {offsets = [0], sizes = [1], strides = [1]} : vector<16xi32> to vector<1xi32>
      %squeeze3A_291 = vector.extract %slice3A_290[0] : i32 from vector<1xi32>
      %and3A_292 = arith.constant 127 : i32
      %and3A_293 = arith.andi %squeeze3A_291, %and3A_292 : i32
      %broadcast_in_dim3A = arith.constant 0.000000e+00 : f32
      %broadcast_in_dim3A_294 = vector.broadcast %broadcast_in_dim3A : f32 to vector<16xf32>
      %broadcast_in_dim3A_295 = arith.constant 0 : i32
      %broadcast_in_dim3A_296 = vector.broadcast %broadcast_in_dim3A_295 : i32 to vector<16xi32>
      %broadcast_in_dim3A_297 = vector.broadcast %and3A_289 : i32 to vector<16xi32>
      %gather3A = tpu.vector_load_idx %arg11[%broadcast_in_dim3A_296, %add3A_52, %broadcast_in_dim3A_297] : memref<4x32x128xf32, #tpu.memory_space<vmem>>[vector<16xi32>, vector<16xi32>, vector<16xi32>], vector<16xf32>,
      %broadcast_in_dim3A_298 = arith.constant 0 : i32
      %broadcast_in_dim3A_299 = vector.broadcast %broadcast_in_dim3A_298 : i32 to vector<16xi32>
      %broadcast_in_dim3A_300 = vector.broadcast %and3A_293 : i32 to vector<16xi32>
      %gather3A_301 = tpu.vector_load_idx %arg12[%broadcast_in_dim3A_299, %add3A_52, %broadcast_in_dim3A_300] : memref<4x32x128xf32, #tpu.memory_space<vmem>>[vector<16xi32>, vector<16xi32>, vector<16xi32>], vector<16xf32>,
      %mul3A_302 = arith.mulf %gather3A, %gather3A_301 : vector<16xf32>
      %add3A_303 = arith.addf %broadcast_in_dim3A_294, %mul3A_302 : vector<16xf32>
      %broadcast_in_dim3A_304 = arith.constant 0 : i32
      %broadcast_in_dim3A_305 = vector.broadcast %broadcast_in_dim3A_304 : i32 to vector<16xi32>
      %broadcast_in_dim3A_306 = vector.broadcast %and3A_289 : i32 to vector<16xi32>
      %gather3A_307 = tpu.vector_load_idx %arg11[%broadcast_in_dim3A_305, %add3A_55, %broadcast_in_dim3A_306] : memref<4x32x128xf32, #tpu.memory_space<vmem>>[vector<16xi32>, vector<16xi32>, vector<16xi32>], vector<16xf32>,
      %broadcast_in_dim3A_308 = arith.constant 0 : i32
      %broadcast_in_dim3A_309 = vector.broadcast %broadcast_in_dim3A_308 : i32 to vector<16xi32>
      %broadcast_in_dim3A_310 = vector.broadcast %and3A_293 : i32 to vector<16xi32>
      %gather3A_311 = tpu.vector_load_idx %arg12[%broadcast_in_dim3A_309, %add3A_55, %broadcast_in_dim3A_310] : memref<4x32x128xf32, #tpu.memory_space<vmem>>[vector<16xi32>, vector<16xi32>, vector<16xi32>], vector<16xf32>,
      %mul3A_312 = arith.mulf %gather3A_307, %gather3A_311 : vector<16xf32>
      %add3A_313 = arith.addf %add3A_303, %mul3A_312 : vector<16xf32>
      %swap3A = arith.index_cast %add3A_248 : i32 to index
      %swap3A_314 = arith.constant 0 : index
      %swap3A_315 = tpu.vector_load %arg15[%swap3A, %swap3A_314] {strides = array<i32>} : memref<512x16xf32, #tpu.memory_space<vmem>>, vector<16xf32>,
      tpu.vector_store %arg15[%swap3A, %swap3A_314], %add3A_313 {strides = array<i32>} : memref<512x16xf32, #tpu.memory_space<vmem>>, vector<16xf32>,
      %add3A_316 = arith.constant 1 : i32
      %add3A_317 = arith.addi %mul3A_235, %add3A_316 : i32
      %slice3A_318 = vector.extract_strided_slice %get3A_237 {offsets = [4], sizes = [1], strides = [1]} : vector<16xi32> to vector<1xi32>
      %squeeze3A_319 = vector.extract %slice3A_318[0] : i32 from vector<1xi32>
      %slice3A_320 = vector.extract_strided_slice %get3A_239 {offsets = [4], sizes = [1], strides = [1]} : vector<16xi32> to vector<1xi32>
      %squeeze3A_321 = vector.extract %slice3A_320[0] : i32 from vector<1xi32>
      %add3A_322 = arith.constant 3 : i32
      %add3A_323 = arith.addi %add3A_317, %add3A_322 : i32
      %lt3A_324 = arith.constant 512 : i32
      %lt3A_325 = arith.cmpi slt, %add3A_323, %lt3A_324 : i32
      %convert_element_type3A_326 = arith.extui %lt3A_325 : i1 to i32
      %cond3A_327 = arith.constant 0 : i32
      %cond3A_328 = arith.cmpi ne, %convert_element_type3A_326, %cond3A_327 : i32
      scf.if %cond3A_328 {
        %shift_right_arithmetic3A_1456 = arith.constant 7 : i32
        %shift_right_arithmetic3A_1457 = arith.shrsi %squeeze3A_319, %shift_right_arithmetic3A_1456 : i32
        %mul3A_1458 = arith.constant 128 : i32
        %mul3A_1459 = arith.muli %shift_right_arithmetic3A_1457, %mul3A_1458 : i32
        %multiple_of3A_1460 = tpu.assume_multiple %mul3A_1459, 128 : i32
        %dma_start3A_1461 = arith.constant 0 : i32
        %dma_start3A_1462 = arith.constant 0 : i32
        %dma_start3A_1463 = arith.constant 0 : i32
        %dma_start3A_1464 = tpu.memref_slice %arg11[%dma_start3A_1461, %dma_start3A_1462, %dma_start3A_1463] : memref<4x32x128xf32, #tpu.memory_space<vmem>> -> memref<1x32x128xf32, #tpu.memory_space<vmem>>
        %dma_start3A_1465 = tpu.memref_squeeze %dma_start3A_1464 : memref<1x32x128xf32, #tpu.memory_space<vmem>> -> memref<32x128xf32, #tpu.memory_space<vmem>>
        %dma_start3A_1466 = arith.constant 0 : i32
        %dma_start3A_1467 = tpu.memref_slice %arg4[%dma_start3A_1466, %multiple_of3A_1460] : memref<32x1000000xf32, #tpu.memory_space<hbm>> -> memref<32x128xf32, #tpu.memory_space<hbm>>
        %dma_start3A_1468 = arith.constant 0 : i32
        %dma_start3A_1469 = arith.constant 0 : i32
        %dma_start3A_1470 = tpu.memref_slice %arg11[%dma_start3A_1461, %dma_start3A_1468, %dma_start3A_1469] : memref<4x32x128xf32, #tpu.memory_space<vmem>> -> memref<1x32x128xf32, #tpu.memory_space<vmem>>
        %dma_start3A_1471 = tpu.memref_squeeze %dma_start3A_1470 : memref<1x32x128xf32, #tpu.memory_space<vmem>> -> memref<32x128xf32, #tpu.memory_space<vmem>>
        %dma_start3A_1472 = arith.constant 0 : i32
        %dma_start3A_1473 = tpu.memref_slice %arg4[%dma_start3A_1472, %multiple_of3A_1460] : memref<32x1000000xf32, #tpu.memory_space<hbm>> -> memref<32x128xf32, #tpu.memory_space<hbm>>
        tpu.enqueue_dma source(%dma_start3A_1473 : memref<32x128xf32, #tpu.memory_space<hbm>>) target(%dma_start3A_1471 : memref<32x128xf32, #tpu.memory_space<vmem>>) target_semaphore(%arg17 : memref<!tpu.dma_semaphore, #tpu.memory_space<semaphore_mem>>)
        %shift_right_arithmetic3A_1474 = arith.constant 7 : i32
        %shift_right_arithmetic3A_1475 = arith.shrsi %squeeze3A_321, %shift_right_arithmetic3A_1474 : i32
        %mul3A_1476 = arith.constant 128 : i32
        %mul3A_1477 = arith.muli %shift_right_arithmetic3A_1475, %mul3A_1476 : i32
        %multiple_of3A_1478 = tpu.assume_multiple %mul3A_1477, 128 : i32
        %dma_start3A_1479 = arith.constant 0 : i32
        %dma_start3A_1480 = arith.constant 0 : i32
        %dma_start3A_1481 = arith.constant 0 : i32
        %dma_start3A_1482 = tpu.memref_slice %arg12[%dma_start3A_1479, %dma_start3A_1480, %dma_start3A_1481] : memref<4x32x128xf32, #tpu.memory_space<vmem>> -> memref<1x32x128xf32, #tpu.memory_space<vmem>>
        %dma_start3A_1483 = tpu.memref_squeeze %dma_start3A_1482 : memref<1x32x128xf32, #tpu.memory_space<vmem>> -> memref<32x128xf32, #tpu.memory_space<vmem>>
        %dma_start3A_1484 = arith.constant 0 : i32
        %dma_start3A_1485 = tpu.memref_slice %arg5[%dma_start3A_1484, %multiple_of3A_1478] : memref<32x1000000xf32, #tpu.memory_space<hbm>> -> memref<32x128xf32, #tpu.memory_space<hbm>>
        %dma_start3A_1486 = arith.constant 0 : i32
        %dma_start3A_1487 = arith.constant 0 : i32
        %dma_start3A_1488 = tpu.memref_slice %arg12[%dma_start3A_1479, %dma_start3A_1486, %dma_start3A_1487] : memref<4x32x128xf32, #tpu.memory_space<vmem>> -> memref<1x32x128xf32, #tpu.memory_space<vmem>>
        %dma_start3A_1489 = tpu.memref_squeeze %dma_start3A_1488 : memref<1x32x128xf32, #tpu.memory_space<vmem>> -> memref<32x128xf32, #tpu.memory_space<vmem>>
        %dma_start3A_1490 = arith.constant 0 : i32
        %dma_start3A_1491 = tpu.memref_slice %arg5[%dma_start3A_1490, %multiple_of3A_1478] : memref<32x1000000xf32, #tpu.memory_space<hbm>> -> memref<32x128xf32, #tpu.memory_space<hbm>>
        tpu.enqueue_dma source(%dma_start3A_1491 : memref<32x128xf32, #tpu.memory_space<hbm>>) target(%dma_start3A_1489 : memref<32x128xf32, #tpu.memory_space<vmem>>) target_semaphore(%arg17 : memref<!tpu.dma_semaphore, #tpu.memory_space<semaphore_mem>>)
      } else {
      }
      %dma_wait3A_329 = arith.constant 1 : i32
      %dma_wait3A_330 = arith.constant 0 : i32
      %dma_wait3A_331 = arith.constant 0 : i32
      %dma_wait3A_332 = tpu.memref_slice %arg11[%dma_wait3A_329, %dma_wait3A_330, %dma_wait3A_331] : memref<4x32x128xf32, #tpu.memory_space<vmem>> -> memref<1x32x128xf32, #tpu.memory_space<vmem>>
      %dma_wait3A_333 = tpu.memref_squeeze %dma_wait3A_332 : memref<1x32x128xf32, #tpu.memory_space<vmem>> -> memref<32x128xf32, #tpu.memory_space<vmem>>
      %dma_wait3A_334 = arith.constant 0 : i32
      %dma_wait3A_335 = arith.constant 0 : i32
      %dma_wait3A_336 = tpu.memref_slice %arg4[%dma_wait3A_334, %dma_wait3A_335] : memref<32x1000000xf32, #tpu.memory_space<hbm>> -> memref<32x128xf32, #tpu.memory_space<hbm>>
      %dma_wait3A_337 = arith.constant 0 : i32
      %dma_wait3A_338 = arith.constant 0 : i32
      %dma_wait3A_339 = tpu.memref_slice %arg11[%dma_wait3A_329, %dma_wait3A_337, %dma_wait3A_338] : memref<4x32x128xf32, #tpu.memory_space<vmem>> -> memref<1x32x128xf32, #tpu.memory_space<vmem>>
      %dma_wait3A_340 = tpu.memref_squeeze %dma_wait3A_339 : memref<1x32x128xf32, #tpu.memory_space<vmem>> -> memref<32x128xf32, #tpu.memory_space<vmem>>
      %dma_wait3A_341 = arith.constant 0 : i32
      %dma_wait3A_342 = arith.constant 0 : i32
      %dma_wait3A_343 = tpu.memref_slice %arg4[%dma_wait3A_341, %dma_wait3A_342] : memref<32x1000000xf32, #tpu.memory_space<hbm>> -> memref<32x128xf32, #tpu.memory_space<hbm>>
      tpu.wait_dma2 semaphore(%arg17 : memref<!tpu.dma_semaphore, #tpu.memory_space<semaphore_mem>>) src(%dma_wait3A_343 : memref<32x128xf32, #tpu.memory_space<hbm>>) dst(%dma_wait3A_340 : memref<32x128xf32, #tpu.memory_space<vmem>>)
      %dma_wait3A_344 = arith.constant 1 : i32
      %dma_wait3A_345 = arith.constant 0 : i32
      %dma_wait3A_346 = arith.constant 0 : i32
      %dma_wait3A_347 = tpu.memref_slice %arg12[%dma_wait3A_344, %dma_wait3A_345, %dma_wait3A_346] : memref<4x32x128xf32, #tpu.memory_space<vmem>> -> memref<1x32x128xf32, #tpu.memory_space<vmem>>
      %dma_wait3A_348 = tpu.memref_squeeze %dma_wait3A_347 : memref<1x32x128xf32, #tpu.memory_space<vmem>> -> memref<32x128xf32, #tpu.memory_space<vmem>>
      %dma_wait3A_349 = arith.constant 0 : i32
      %dma_wait3A_350 = arith.constant 0 : i32
      %dma_wait3A_351 = tpu.memref_slice %arg5[%dma_wait3A_349, %dma_wait3A_350] : memref<32x1000000xf32, #tpu.memory_space<hbm>> -> memref<32x128xf32, #tpu.memory_space<hbm>>
      %dma_wait3A_352 = arith.constant 0 : i32
      %dma_wait3A_353 = arith.constant 0 : i32
      %dma_wait3A_354 = tpu.memref_slice %arg12[%dma_wait3A_344, %dma_wait3A_352, %dma_wait3A_353] : memref<4x32x128xf32, #tpu.memory_space<vmem>> -> memref<1x32x128xf32, #tpu.memory_space<vmem>>
      %dma_wait3A_355 = tpu.memref_squeeze %dma_wait3A_354 : memref<1x32x128xf32, #tpu.memory_space<vmem>> -> memref<32x128xf32, #tpu.memory_space<vmem>>
      %dma_wait3A_356 = arith.constant 0 : i32
      %dma_wait3A_357 = arith.constant 0 : i32
      %dma_wait3A_358 = tpu.memref_slice %arg5[%dma_wait3A_356, %dma_wait3A_357] : memref<32x1000000xf32, #tpu.memory_space<hbm>> -> memref<32x128xf32, #tpu.memory_space<hbm>>
      tpu.wait_dma2 semaphore(%arg17 : memref<!tpu.dma_semaphore, #tpu.memory_space<semaphore_mem>>) src(%dma_wait3A_358 : memref<32x128xf32, #tpu.memory_space<hbm>>) dst(%dma_wait3A_355 : memref<32x128xf32, #tpu.memory_space<vmem>>)
      %slice3A_359 = vector.extract_strided_slice %get3A_237 {offsets = [1], sizes = [1], strides = [1]} : vector<16xi32> to vector<1xi32>
      %squeeze3A_360 = vector.extract %slice3A_359[0] : i32 from vector<1xi32>
      %and3A_361 = arith.constant 127 : i32
      %and3A_362 = arith.andi %squeeze3A_360, %and3A_361 : i32
      %slice3A_363 = vector.extract_strided_slice %get3A_239 {offsets = [1], sizes = [1], strides = [1]} : vector<16xi32> to vector<1xi32>
      %squeeze3A_364 = vector.extract %slice3A_363[0] : i32 from vector<1xi32>
      %and3A_365 = arith.constant 127 : i32
      %and3A_366 = arith.andi %squeeze3A_364, %and3A_365 : i32
      %broadcast_in_dim3A_367 = arith.constant 0.000000e+00 : f32
      %broadcast_in_dim3A_368 = vector.broadcast %broadcast_in_dim3A_367 : f32 to vector<16xf32>
      %broadcast_in_dim3A_369 = arith.constant 1 : i32
      %broadcast_in_dim3A_370 = vector.broadcast %broadcast_in_dim3A_369 : i32 to vector<16xi32>
      %broadcast_in_dim3A_371 = vector.broadcast %and3A_362 : i32 to vector<16xi32>
      %gather3A_372 = tpu.vector_load_idx %arg11[%broadcast_in_dim3A_370, %add3A_52, %broadcast_in_dim3A_371] : memref<4x32x128xf32, #tpu.memory_space<vmem>>[vector<16xi32>, vector<16xi32>, vector<16xi32>], vector<16xf32>,
      %broadcast_in_dim3A_373 = arith.constant 1 : i32
      %broadcast_in_dim3A_374 = vector.broadcast %broadcast_in_dim3A_373 : i32 to vector<16xi32>
      %broadcast_in_dim3A_375 = vector.broadcast %and3A_366 : i32 to vector<16xi32>
      %gather3A_376 = tpu.vector_load_idx %arg12[%broadcast_in_dim3A_374, %add3A_52, %broadcast_in_dim3A_375] : memref<4x32x128xf32, #tpu.memory_space<vmem>>[vector<16xi32>, vector<16xi32>, vector<16xi32>], vector<16xf32>,
      %mul3A_377 = arith.mulf %gather3A_372, %gather3A_376 : vector<16xf32>
      %add3A_378 = arith.addf %broadcast_in_dim3A_368, %mul3A_377 : vector<16xf32>
      %broadcast_in_dim3A_379 = arith.constant 1 : i32
      %broadcast_in_dim3A_380 = vector.broadcast %broadcast_in_dim3A_379 : i32 to vector<16xi32>
      %broadcast_in_dim3A_381 = vector.broadcast %and3A_362 : i32 to vector<16xi32>
      %gather3A_382 = tpu.vector_load_idx %arg11[%broadcast_in_dim3A_380, %add3A_55, %broadcast_in_dim3A_381] : memref<4x32x128xf32, #tpu.memory_space<vmem>>[vector<16xi32>, vector<16xi32>, vector<16xi32>], vector<16xf32>,
      %broadcast_in_dim3A_383 = arith.constant 1 : i32
      %broadcast_in_dim3A_384 = vector.broadcast %broadcast_in_dim3A_383 : i32 to vector<16xi32>
      %broadcast_in_dim3A_385 = vector.broadcast %and3A_366 : i32 to vector<16xi32>
      %gather3A_386 = tpu.vector_load_idx %arg12[%broadcast_in_dim3A_384, %add3A_55, %broadcast_in_dim3A_385] : memref<4x32x128xf32, #tpu.memory_space<vmem>>[vector<16xi32>, vector<16xi32>, vector<16xi32>], vector<16xf32>,
      %mul3A_387 = arith.mulf %gather3A_382, %gather3A_386 : vector<16xf32>
      %add3A_388 = arith.addf %add3A_378, %mul3A_387 : vector<16xf32>
      %swap3A_389 = arith.index_cast %add3A_317 : i32 to index
      %swap3A_390 = arith.constant 0 : index
      %swap3A_391 = tpu.vector_load %arg15[%swap3A_389, %swap3A_390] {strides = array<i32>} : memref<512x16xf32, #tpu.memory_space<vmem>>, vector<16xf32>,
      tpu.vector_store %arg15[%swap3A_389, %swap3A_390], %add3A_388 {strides = array<i32>} : memref<512x16xf32, #tpu.memory_space<vmem>>, vector<16xf32>,
      %add3A_392 = arith.constant 2 : i32
      %add3A_393 = arith.addi %mul3A_235, %add3A_392 : i32
      %slice3A_394 = vector.extract_strided_slice %get3A_237 {offsets = [5], sizes = [1], strides = [1]} : vector<16xi32> to vector<1xi32>
      %squeeze3A_395 = vector.extract %slice3A_394[0] : i32 from vector<1xi32>
      %slice3A_396 = vector.extract_strided_slice %get3A_239 {offsets = [5], sizes = [1], strides = [1]} : vector<16xi32> to vector<1xi32>
      %squeeze3A_397 = vector.extract %slice3A_396[0] : i32 from vector<1xi32>
      %add3A_398 = arith.constant 3 : i32
      %add3A_399 = arith.addi %add3A_393, %add3A_398 : i32
      %lt3A_400 = arith.constant 512 : i32
      %lt3A_401 = arith.cmpi slt, %add3A_399, %lt3A_400 : i32
      %convert_element_type3A_402 = arith.extui %lt3A_401 : i1 to i32
      %cond3A_403 = arith.constant 0 : i32
      %cond3A_404 = arith.cmpi ne, %convert_element_type3A_402, %cond3A_403 : i32
      scf.if %cond3A_404 {
        %shift_right_arithmetic3A_1456 = arith.constant 7 : i32
        %shift_right_arithmetic3A_1457 = arith.shrsi %squeeze3A_395, %shift_right_arithmetic3A_1456 : i32
        %mul3A_1458 = arith.constant 128 : i32
        %mul3A_1459 = arith.muli %shift_right_arithmetic3A_1457, %mul3A_1458 : i32
        %multiple_of3A_1460 = tpu.assume_multiple %mul3A_1459, 128 : i32
        %dma_start3A_1461 = arith.constant 1 : i32
        %dma_start3A_1462 = arith.constant 0 : i32
        %dma_start3A_1463 = arith.constant 0 : i32
        %dma_start3A_1464 = tpu.memref_slice %arg11[%dma_start3A_1461, %dma_start3A_1462, %dma_start3A_1463] : memref<4x32x128xf32, #tpu.memory_space<vmem>> -> memref<1x32x128xf32, #tpu.memory_space<vmem>>
        %dma_start3A_1465 = tpu.memref_squeeze %dma_start3A_1464 : memref<1x32x128xf32, #tpu.memory_space<vmem>> -> memref<32x128xf32, #tpu.memory_space<vmem>>
        %dma_start3A_1466 = arith.constant 0 : i32
        %dma_start3A_1467 = tpu.memref_slice %arg4[%dma_start3A_1466, %multiple_of3A_1460] : memref<32x1000000xf32, #tpu.memory_space<hbm>> -> memref<32x128xf32, #tpu.memory_space<hbm>>
        %dma_start3A_1468 = arith.constant 0 : i32
        %dma_start3A_1469 = arith.constant 0 : i32
        %dma_start3A_1470 = tpu.memref_slice %arg11[%dma_start3A_1461, %dma_start3A_1468, %dma_start3A_1469] : memref<4x32x128xf32, #tpu.memory_space<vmem>> -> memref<1x32x128xf32, #tpu.memory_space<vmem>>
        %dma_start3A_1471 = tpu.memref_squeeze %dma_start3A_1470 : memref<1x32x128xf32, #tpu.memory_space<vmem>> -> memref<32x128xf32, #tpu.memory_space<vmem>>
        %dma_start3A_1472 = arith.constant 0 : i32
        %dma_start3A_1473 = tpu.memref_slice %arg4[%dma_start3A_1472, %multiple_of3A_1460] : memref<32x1000000xf32, #tpu.memory_space<hbm>> -> memref<32x128xf32, #tpu.memory_space<hbm>>
        tpu.enqueue_dma source(%dma_start3A_1473 : memref<32x128xf32, #tpu.memory_space<hbm>>) target(%dma_start3A_1471 : memref<32x128xf32, #tpu.memory_space<vmem>>) target_semaphore(%arg17 : memref<!tpu.dma_semaphore, #tpu.memory_space<semaphore_mem>>)
        %shift_right_arithmetic3A_1474 = arith.constant 7 : i32
        %shift_right_arithmetic3A_1475 = arith.shrsi %squeeze3A_397, %shift_right_arithmetic3A_1474 : i32
        %mul3A_1476 = arith.constant 128 : i32
        %mul3A_1477 = arith.muli %shift_right_arithmetic3A_1475, %mul3A_1476 : i32
        %multiple_of3A_1478 = tpu.assume_multiple %mul3A_1477, 128 : i32
        %dma_start3A_1479 = arith.constant 1 : i32
        %dma_start3A_1480 = arith.constant 0 : i32
        %dma_start3A_1481 = arith.constant 0 : i32
        %dma_start3A_1482 = tpu.memref_slice %arg12[%dma_start3A_1479, %dma_start3A_1480, %dma_start3A_1481] : memref<4x32x128xf32, #tpu.memory_space<vmem>> -> memref<1x32x128xf32, #tpu.memory_space<vmem>>
        %dma_start3A_1483 = tpu.memref_squeeze %dma_start3A_1482 : memref<1x32x128xf32, #tpu.memory_space<vmem>> -> memref<32x128xf32, #tpu.memory_space<vmem>>
        %dma_start3A_1484 = arith.constant 0 : i32
        %dma_start3A_1485 = tpu.memref_slice %arg5[%dma_start3A_1484, %multiple_of3A_1478] : memref<32x1000000xf32, #tpu.memory_space<hbm>> -> memref<32x128xf32, #tpu.memory_space<hbm>>
        %dma_start3A_1486 = arith.constant 0 : i32
        %dma_start3A_1487 = arith.constant 0 : i32
        %dma_start3A_1488 = tpu.memref_slice %arg12[%dma_start3A_1479, %dma_start3A_1486, %dma_start3A_1487] : memref<4x32x128xf32, #tpu.memory_space<vmem>> -> memref<1x32x128xf32, #tpu.memory_space<vmem>>
        %dma_start3A_1489 = tpu.memref_squeeze %dma_start3A_1488 : memref<1x32x128xf32, #tpu.memory_space<vmem>> -> memref<32x128xf32, #tpu.memory_space<vmem>>
        %dma_start3A_1490 = arith.constant 0 : i32
        %dma_start3A_1491 = tpu.memref_slice %arg5[%dma_start3A_1490, %multiple_of3A_1478] : memref<32x1000000xf32, #tpu.memory_space<hbm>> -> memref<32x128xf32, #tpu.memory_space<hbm>>
        tpu.enqueue_dma source(%dma_start3A_1491 : memref<32x128xf32, #tpu.memory_space<hbm>>) target(%dma_start3A_1489 : memref<32x128xf32, #tpu.memory_space<vmem>>) target_semaphore(%arg17 : memref<!tpu.dma_semaphore, #tpu.memory_space<semaphore_mem>>)
      } else {
      }
      %dma_wait3A_405 = arith.constant 2 : i32
      %dma_wait3A_406 = arith.constant 0 : i32
      %dma_wait3A_407 = arith.constant 0 : i32
      %dma_wait3A_408 = tpu.memref_slice %arg11[%dma_wait3A_405, %dma_wait3A_406, %dma_wait3A_407] : memref<4x32x128xf32, #tpu.memory_space<vmem>> -> memref<1x32x128xf32, #tpu.memory_space<vmem>>
      %dma_wait3A_409 = tpu.memref_squeeze %dma_wait3A_408 : memref<1x32x128xf32, #tpu.memory_space<vmem>> -> memref<32x128xf32, #tpu.memory_space<vmem>>
      %dma_wait3A_410 = arith.constant 0 : i32
      %dma_wait3A_411 = arith.constant 0 : i32
      %dma_wait3A_412 = tpu.memref_slice %arg4[%dma_wait3A_410, %dma_wait3A_411] : memref<32x1000000xf32, #tpu.memory_space<hbm>> -> memref<32x128xf32, #tpu.memory_space<hbm>>
      %dma_wait3A_413 = arith.constant 0 : i32
      %dma_wait3A_414 = arith.constant 0 : i32
      %dma_wait3A_415 = tpu.memref_slice %arg11[%dma_wait3A_405, %dma_wait3A_413, %dma_wait3A_414] : memref<4x32x128xf32, #tpu.memory_space<vmem>> -> memref<1x32x128xf32, #tpu.memory_space<vmem>>
      %dma_wait3A_416 = tpu.memref_squeeze %dma_wait3A_415 : memref<1x32x128xf32, #tpu.memory_space<vmem>> -> memref<32x128xf32, #tpu.memory_space<vmem>>
      %dma_wait3A_417 = arith.constant 0 : i32
      %dma_wait3A_418 = arith.constant 0 : i32
      %dma_wait3A_419 = tpu.memref_slice %arg4[%dma_wait3A_417, %dma_wait3A_418] : memref<32x1000000xf32, #tpu.memory_space<hbm>> -> memref<32x128xf32, #tpu.memory_space<hbm>>
      tpu.wait_dma2 semaphore(%arg17 : memref<!tpu.dma_semaphore, #tpu.memory_space<semaphore_mem>>) src(%dma_wait3A_419 : memref<32x128xf32, #tpu.memory_space<hbm>>) dst(%dma_wait3A_416 : memref<32x128xf32, #tpu.memory_space<vmem>>)
      %dma_wait3A_420 = arith.constant 2 : i32
      %dma_wait3A_421 = arith.constant 0 : i32
      %dma_wait3A_422 = arith.constant 0 : i32
      %dma_wait3A_423 = tpu.memref_slice %arg12[%dma_wait3A_420, %dma_wait3A_421, %dma_wait3A_422] : memref<4x32x128xf32, #tpu.memory_space<vmem>> -> memref<1x32x128xf32, #tpu.memory_space<vmem>>
      %dma_wait3A_424 = tpu.memref_squeeze %dma_wait3A_423 : memref<1x32x128xf32, #tpu.memory_space<vmem>> -> memref<32x128xf32, #tpu.memory_space<vmem>>
      %dma_wait3A_425 = arith.constant 0 : i32
      %dma_wait3A_426 = arith.constant 0 : i32
      %dma_wait3A_427 = tpu.memref_slice %arg5[%dma_wait3A_425, %dma_wait3A_426] : memref<32x1000000xf32, #tpu.memory_space<hbm>> -> memref<32x128xf32, #tpu.memory_space<hbm>>
      %dma_wait3A_428 = arith.constant 0 : i32
      %dma_wait3A_429 = arith.constant 0 : i32
      %dma_wait3A_430 = tpu.memref_slice %arg12[%dma_wait3A_420, %dma_wait3A_428, %dma_wait3A_429] : memref<4x32x128xf32, #tpu.memory_space<vmem>> -> memref<1x32x128xf32, #tpu.memory_space<vmem>>
      %dma_wait3A_431 = tpu.memref_squeeze %dma_wait3A_430 : memref<1x32x128xf32, #tpu.memory_space<vmem>> -> memref<32x128xf32, #tpu.memory_space<vmem>>
      %dma_wait3A_432 = arith.constant 0 : i32
      %dma_wait3A_433 = arith.constant 0 : i32
      %dma_wait3A_434 = tpu.memref_slice %arg5[%dma_wait3A_432, %dma_wait3A_433] : memref<32x1000000xf32, #tpu.memory_space<hbm>> -> memref<32x128xf32, #tpu.memory_space<hbm>>
      tpu.wait_dma2 semaphore(%arg17 : memref<!tpu.dma_semaphore, #tpu.memory_space<semaphore_mem>>) src(%dma_wait3A_434 : memref<32x128xf32, #tpu.memory_space<hbm>>) dst(%dma_wait3A_431 : memref<32x128xf32, #tpu.memory_space<vmem>>)
      %slice3A_435 = vector.extract_strided_slice %get3A_237 {offsets = [2], sizes = [1], strides = [1]} : vector<16xi32> to vector<1xi32>
      %squeeze3A_436 = vector.extract %slice3A_435[0] : i32 from vector<1xi32>
      %and3A_437 = arith.constant 127 : i32
      %and3A_438 = arith.andi %squeeze3A_436, %and3A_437 : i32
      %slice3A_439 = vector.extract_strided_slice %get3A_239 {offsets = [2], sizes = [1], strides = [1]} : vector<16xi32> to vector<1xi32>
      %squeeze3A_440 = vector.extract %slice3A_439[0] : i32 from vector<1xi32>
      %and3A_441 = arith.constant 127 : i32
      %and3A_442 = arith.andi %squeeze3A_440, %and3A_441 : i32
      %broadcast_in_dim3A_443 = arith.constant 0.000000e+00 : f32
      %broadcast_in_dim3A_444 = vector.broadcast %broadcast_in_dim3A_443 : f32 to vector<16xf32>
      %broadcast_in_dim3A_445 = arith.constant 2 : i32
      %broadcast_in_dim3A_446 = vector.broadcast %broadcast_in_dim3A_445 : i32 to vector<16xi32>
      %broadcast_in_dim3A_447 = vector.broadcast %and3A_438 : i32 to vector<16xi32>
      %gather3A_448 = tpu.vector_load_idx %arg11[%broadcast_in_dim3A_446, %add3A_52, %broadcast_in_dim3A_447] : memref<4x32x128xf32, #tpu.memory_space<vmem>>[vector<16xi32>, vector<16xi32>, vector<16xi32>], vector<16xf32>,
      %broadcast_in_dim3A_449 = arith.constant 2 : i32
      %broadcast_in_dim3A_450 = vector.broadcast %broadcast_in_dim3A_449 : i32 to vector<16xi32>
      %broadcast_in_dim3A_451 = vector.broadcast %and3A_442 : i32 to vector<16xi32>
      %gather3A_452 = tpu.vector_load_idx %arg12[%broadcast_in_dim3A_450, %add3A_52, %broadcast_in_dim3A_451] : memref<4x32x128xf32, #tpu.memory_space<vmem>>[vector<16xi32>, vector<16xi32>, vector<16xi32>], vector<16xf32>,
      %mul3A_453 = arith.mulf %gather3A_448, %gather3A_452 : vector<16xf32>
      %add3A_454 = arith.addf %broadcast_in_dim3A_444, %mul3A_453 : vector<16xf32>
      %broadcast_in_dim3A_455 = arith.constant 2 : i32
      %broadcast_in_dim3A_456 = vector.broadcast %broadcast_in_dim3A_455 : i32 to vector<16xi32>
      %broadcast_in_dim3A_457 = vector.broadcast %and3A_438 : i32 to vector<16xi32>
      %gather3A_458 = tpu.vector_load_idx %arg11[%broadcast_in_dim3A_456, %add3A_55, %broadcast_in_dim3A_457] : memref<4x32x128xf32, #tpu.memory_space<vmem>>[vector<16xi32>, vector<16xi32>, vector<16xi32>], vector<16xf32>,
      %broadcast_in_dim3A_459 = arith.constant 2 : i32
      %broadcast_in_dim3A_460 = vector.broadcast %broadcast_in_dim3A_459 : i32 to vector<16xi32>
      %broadcast_in_dim3A_461 = vector.broadcast %and3A_442 : i32 to vector<16xi32>
      %gather3A_462 = tpu.vector_load_idx %arg12[%broadcast_in_dim3A_460, %add3A_55, %broadcast_in_dim3A_461] : memref<4x32x128xf32, #tpu.memory_space<vmem>>[vector<16xi32>, vector<16xi32>, vector<16xi32>], vector<16xf32>,
      %mul3A_463 = arith.mulf %gather3A_458, %gather3A_462 : vector<16xf32>
      %add3A_464 = arith.addf %add3A_454, %mul3A_463 : vector<16xf32>
      %swap3A_465 = arith.index_cast %add3A_393 : i32 to index
      %swap3A_466 = arith.constant 0 : index
      %swap3A_467 = tpu.vector_load %arg15[%swap3A_465, %swap3A_466] {strides = array<i32>} : memref<512x16xf32, #tpu.memory_space<vmem>>, vector<16xf32>,
      tpu.vector_store %arg15[%swap3A_465, %swap3A_466], %add3A_464 {strides = array<i32>} : memref<512x16xf32, #tpu.memory_space<vmem>>, vector<16xf32>,
      %add3A_468 = arith.constant 3 : i32
      %add3A_469 = arith.addi %mul3A_235, %add3A_468 : i32
      %slice3A_470 = vector.extract_strided_slice %get3A_237 {offsets = [6], sizes = [1], strides = [1]} : vector<16xi32> to vector<1xi32>
      %squeeze3A_471 = vector.extract %slice3A_470[0] : i32 from vector<1xi32>
      %slice3A_472 = vector.extract_strided_slice %get3A_239 {offsets = [6], sizes = [1], strides = [1]} : vector<16xi32> to vector<1xi32>
      %squeeze3A_473 = vector.extract %slice3A_472[0] : i32 from vector<1xi32>
      %add3A_474 = arith.constant 3 : i32
      %add3A_475 = arith.addi %add3A_469, %add3A_474 : i32
      %lt3A_476 = arith.constant 512 : i32
      %lt3A_477 = arith.cmpi slt, %add3A_475, %lt3A_476 : i32
      %convert_element_type3A_478 = arith.extui %lt3A_477 : i1 to i32
      %cond3A_479 = arith.constant 0 : i32
      %cond3A_480 = arith.cmpi ne, %convert_element_type3A_478, %cond3A_479 : i32
      scf.if %cond3A_480 {
        %shift_right_arithmetic3A_1456 = arith.constant 7 : i32
        %shift_right_arithmetic3A_1457 = arith.shrsi %squeeze3A_471, %shift_right_arithmetic3A_1456 : i32
        %mul3A_1458 = arith.constant 128 : i32
        %mul3A_1459 = arith.muli %shift_right_arithmetic3A_1457, %mul3A_1458 : i32
        %multiple_of3A_1460 = tpu.assume_multiple %mul3A_1459, 128 : i32
        %dma_start3A_1461 = arith.constant 2 : i32
        %dma_start3A_1462 = arith.constant 0 : i32
        %dma_start3A_1463 = arith.constant 0 : i32
        %dma_start3A_1464 = tpu.memref_slice %arg11[%dma_start3A_1461, %dma_start3A_1462, %dma_start3A_1463] : memref<4x32x128xf32, #tpu.memory_space<vmem>> -> memref<1x32x128xf32, #tpu.memory_space<vmem>>
        %dma_start3A_1465 = tpu.memref_squeeze %dma_start3A_1464 : memref<1x32x128xf32, #tpu.memory_space<vmem>> -> memref<32x128xf32, #tpu.memory_space<vmem>>
        %dma_start3A_1466 = arith.constant 0 : i32
        %dma_start3A_1467 = tpu.memref_slice %arg4[%dma_start3A_1466, %multiple_of3A_1460] : memref<32x1000000xf32, #tpu.memory_space<hbm>> -> memref<32x128xf32, #tpu.memory_space<hbm>>
        %dma_start3A_1468 = arith.constant 0 : i32
        %dma_start3A_1469 = arith.constant 0 : i32
        %dma_start3A_1470 = tpu.memref_slice %arg11[%dma_start3A_1461, %dma_start3A_1468, %dma_start3A_1469] : memref<4x32x128xf32, #tpu.memory_space<vmem>> -> memref<1x32x128xf32, #tpu.memory_space<vmem>>
        %dma_start3A_1471 = tpu.memref_squeeze %dma_start3A_1470 : memref<1x32x128xf32, #tpu.memory_space<vmem>> -> memref<32x128xf32, #tpu.memory_space<vmem>>
        %dma_start3A_1472 = arith.constant 0 : i32
        %dma_start3A_1473 = tpu.memref_slice %arg4[%dma_start3A_1472, %multiple_of3A_1460] : memref<32x1000000xf32, #tpu.memory_space<hbm>> -> memref<32x128xf32, #tpu.memory_space<hbm>>
        tpu.enqueue_dma source(%dma_start3A_1473 : memref<32x128xf32, #tpu.memory_space<hbm>>) target(%dma_start3A_1471 : memref<32x128xf32, #tpu.memory_space<vmem>>) target_semaphore(%arg17 : memref<!tpu.dma_semaphore, #tpu.memory_space<semaphore_mem>>)
        %shift_right_arithmetic3A_1474 = arith.constant 7 : i32
        %shift_right_arithmetic3A_1475 = arith.shrsi %squeeze3A_473, %shift_right_arithmetic3A_1474 : i32
        %mul3A_1476 = arith.constant 128 : i32
        %mul3A_1477 = arith.muli %shift_right_arithmetic3A_1475, %mul3A_1476 : i32
        %multiple_of3A_1478 = tpu.assume_multiple %mul3A_1477, 128 : i32
        %dma_start3A_1479 = arith.constant 2 : i32
        %dma_start3A_1480 = arith.constant 0 : i32
        %dma_start3A_1481 = arith.constant 0 : i32
        %dma_start3A_1482 = tpu.memref_slice %arg12[%dma_start3A_1479, %dma_start3A_1480, %dma_start3A_1481] : memref<4x32x128xf32, #tpu.memory_space<vmem>> -> memref<1x32x128xf32, #tpu.memory_space<vmem>>
        %dma_start3A_1483 = tpu.memref_squeeze %dma_start3A_1482 : memref<1x32x128xf32, #tpu.memory_space<vmem>> -> memref<32x128xf32, #tpu.memory_space<vmem>>
        %dma_start3A_1484 = arith.constant 0 : i32
        %dma_start3A_1485 = tpu.memref_slice %arg5[%dma_start3A_1484, %multiple_of3A_1478] : memref<32x1000000xf32, #tpu.memory_space<hbm>> -> memref<32x128xf32, #tpu.memory_space<hbm>>
        %dma_start3A_1486 = arith.constant 0 : i32
        %dma_start3A_1487 = arith.constant 0 : i32
        %dma_start3A_1488 = tpu.memref_slice %arg12[%dma_start3A_1479, %dma_start3A_1486, %dma_start3A_1487] : memref<4x32x128xf32, #tpu.memory_space<vmem>> -> memref<1x32x128xf32, #tpu.memory_space<vmem>>
        %dma_start3A_1489 = tpu.memref_squeeze %dma_start3A_1488 : memref<1x32x128xf32, #tpu.memory_space<vmem>> -> memref<32x128xf32, #tpu.memory_space<vmem>>
        %dma_start3A_1490 = arith.constant 0 : i32
        %dma_start3A_1491 = tpu.memref_slice %arg5[%dma_start3A_1490, %multiple_of3A_1478] : memref<32x1000000xf32, #tpu.memory_space<hbm>> -> memref<32x128xf32, #tpu.memory_space<hbm>>
        tpu.enqueue_dma source(%dma_start3A_1491 : memref<32x128xf32, #tpu.memory_space<hbm>>) target(%dma_start3A_1489 : memref<32x128xf32, #tpu.memory_space<vmem>>) target_semaphore(%arg17 : memref<!tpu.dma_semaphore, #tpu.memory_space<semaphore_mem>>)
      } else {
      }
      %dma_wait3A_481 = arith.constant 3 : i32
      %dma_wait3A_482 = arith.constant 0 : i32
      %dma_wait3A_483 = arith.constant 0 : i32
      %dma_wait3A_484 = tpu.memref_slice %arg11[%dma_wait3A_481, %dma_wait3A_482, %dma_wait3A_483] : memref<4x32x128xf32, #tpu.memory_space<vmem>> -> memref<1x32x128xf32, #tpu.memory_space<vmem>>
      %dma_wait3A_485 = tpu.memref_squeeze %dma_wait3A_484 : memref<1x32x128xf32, #tpu.memory_space<vmem>> -> memref<32x128xf32, #tpu.memory_space<vmem>>
      %dma_wait3A_486 = arith.constant 0 : i32
      %dma_wait3A_487 = arith.constant 0 : i32
      %dma_wait3A_488 = tpu.memref_slice %arg4[%dma_wait3A_486, %dma_wait3A_487] : memref<32x1000000xf32, #tpu.memory_space<hbm>> -> memref<32x128xf32, #tpu.memory_space<hbm>>
      %dma_wait3A_489 = arith.constant 0 : i32
      %dma_wait3A_490 = arith.constant 0 : i32
      %dma_wait3A_491 = tpu.memref_slice %arg11[%dma_wait3A_481, %dma_wait3A_489, %dma_wait3A_490] : memref<4x32x128xf32, #tpu.memory_space<vmem>> -> memref<1x32x128xf32, #tpu.memory_space<vmem>>
      %dma_wait3A_492 = tpu.memref_squeeze %dma_wait3A_491 : memref<1x32x128xf32, #tpu.memory_space<vmem>> -> memref<32x128xf32, #tpu.memory_space<vmem>>
      %dma_wait3A_493 = arith.constant 0 : i32
      %dma_wait3A_494 = arith.constant 0 : i32
      %dma_wait3A_495 = tpu.memref_slice %arg4[%dma_wait3A_493, %dma_wait3A_494] : memref<32x1000000xf32, #tpu.memory_space<hbm>> -> memref<32x128xf32, #tpu.memory_space<hbm>>
      tpu.wait_dma2 semaphore(%arg17 : memref<!tpu.dma_semaphore, #tpu.memory_space<semaphore_mem>>) src(%dma_wait3A_495 : memref<32x128xf32, #tpu.memory_space<hbm>>) dst(%dma_wait3A_492 : memref<32x128xf32, #tpu.memory_space<vmem>>)
      %dma_wait3A_496 = arith.constant 3 : i32
      %dma_wait3A_497 = arith.constant 0 : i32
      %dma_wait3A_498 = arith.constant 0 : i32
      %dma_wait3A_499 = tpu.memref_slice %arg12[%dma_wait3A_496, %dma_wait3A_497, %dma_wait3A_498] : memref<4x32x128xf32, #tpu.memory_space<vmem>> -> memref<1x32x128xf32, #tpu.memory_space<vmem>>
      %dma_wait3A_500 = tpu.memref_squeeze %dma_wait3A_499 : memref<1x32x128xf32, #tpu.memory_space<vmem>> -> memref<32x128xf32, #tpu.memory_space<vmem>>
      %dma_wait3A_501 = arith.constant 0 : i32
      %dma_wait3A_502 = arith.constant 0 : i32
      %dma_wait3A_503 = tpu.memref_slice %arg5[%dma_wait3A_501, %dma_wait3A_502] : memref<32x1000000xf32, #tpu.memory_space<hbm>> -> memref<32x128xf32, #tpu.memory_space<hbm>>
      %dma_wait3A_504 = arith.constant 0 : i32
      %dma_wait3A_505 = arith.constant 0 : i32
      %dma_wait3A_506 = tpu.memref_slice %arg12[%dma_wait3A_496, %dma_wait3A_504, %dma_wait3A_505] : memref<4x32x128xf32, #tpu.memory_space<vmem>> -> memref<1x32x128xf32, #tpu.memory_space<vmem>>
      %dma_wait3A_507 = tpu.memref_squeeze %dma_wait3A_506 : memref<1x32x128xf32, #tpu.memory_space<vmem>> -> memref<32x128xf32, #tpu.memory_space<vmem>>
      %dma_wait3A_508 = arith.constant 0 : i32
      %dma_wait3A_509 = arith.constant 0 : i32
      %dma_wait3A_510 = tpu.memref_slice %arg5[%dma_wait3A_508, %dma_wait3A_509] : memref<32x1000000xf32, #tpu.memory_space<hbm>> -> memref<32x128xf32, #tpu.memory_space<hbm>>
      tpu.wait_dma2 semaphore(%arg17 : memref<!tpu.dma_semaphore, #tpu.memory_space<semaphore_mem>>) src(%dma_wait3A_510 : memref<32x128xf32, #tpu.memory_space<hbm>>) dst(%dma_wait3A_507 : memref<32x128xf32, #tpu.memory_space<vmem>>)
      %slice3A_511 = vector.extract_strided_slice %get3A_237 {offsets = [3], sizes = [1], strides = [1]} : vector<16xi32> to vector<1xi32>
      %squeeze3A_512 = vector.extract %slice3A_511[0] : i32 from vector<1xi32>
      %and3A_513 = arith.constant 127 : i32
      %and3A_514 = arith.andi %squeeze3A_512, %and3A_513 : i32
      %slice3A_515 = vector.extract_strided_slice %get3A_239 {offsets = [3], sizes = [1], strides = [1]} : vector<16xi32> to vector<1xi32>
      %squeeze3A_516 = vector.extract %slice3A_515[0] : i32 from vector<1xi32>
      %and3A_517 = arith.constant 127 : i32
      %and3A_518 = arith.andi %squeeze3A_516, %and3A_517 : i32
      %broadcast_in_dim3A_519 = arith.constant 0.000000e+00 : f32
      %broadcast_in_dim3A_520 = vector.broadcast %broadcast_in_dim3A_519 : f32 to vector<16xf32>
      %broadcast_in_dim3A_521 = arith.constant 3 : i32
      %broadcast_in_dim3A_522 = vector.broadcast %broadcast_in_dim3A_521 : i32 to vector<16xi32>
      %broadcast_in_dim3A_523 = vector.broadcast %and3A_514 : i32 to vector<16xi32>
      %gather3A_524 = tpu.vector_load_idx %arg11[%broadcast_in_dim3A_522, %add3A_52, %broadcast_in_dim3A_523] : memref<4x32x128xf32, #tpu.memory_space<vmem>>[vector<16xi32>, vector<16xi32>, vector<16xi32>], vector<16xf32>,
      %broadcast_in_dim3A_525 = arith.constant 3 : i32
      %broadcast_in_dim3A_526 = vector.broadcast %broadcast_in_dim3A_525 : i32 to vector<16xi32>
      %broadcast_in_dim3A_527 = vector.broadcast %and3A_518 : i32 to vector<16xi32>
      %gather3A_528 = tpu.vector_load_idx %arg12[%broadcast_in_dim3A_526, %add3A_52, %broadcast_in_dim3A_527] : memref<4x32x128xf32, #tpu.memory_space<vmem>>[vector<16xi32>, vector<16xi32>, vector<16xi32>], vector<16xf32>,
      %mul3A_529 = arith.mulf %gather3A_524, %gather3A_528 : vector<16xf32>
      %add3A_530 = arith.addf %broadcast_in_dim3A_520, %mul3A_529 : vector<16xf32>
      %broadcast_in_dim3A_531 = arith.constant 3 : i32
      %broadcast_in_dim3A_532 = vector.broadcast %broadcast_in_dim3A_531 : i32 to vector<16xi32>
      %broadcast_in_dim3A_533 = vector.broadcast %and3A_514 : i32 to vector<16xi32>
      %gather3A_534 = tpu.vector_load_idx %arg11[%broadcast_in_dim3A_532, %add3A_55, %broadcast_in_dim3A_533] : memref<4x32x128xf32, #tpu.memory_space<vmem>>[vector<16xi32>, vector<16xi32>, vector<16xi32>], vector<16xf32>,
      %broadcast_in_dim3A_535 = arith.constant 3 : i32
      %broadcast_in_dim3A_536 = vector.broadcast %broadcast_in_dim3A_535 : i32 to vector<16xi32>
      %broadcast_in_dim3A_537 = vector.broadcast %and3A_518 : i32 to vector<16xi32>
      %gather3A_538 = tpu.vector_load_idx %arg12[%broadcast_in_dim3A_536, %add3A_55, %broadcast_in_dim3A_537] : memref<4x32x128xf32, #tpu.memory_space<vmem>>[vector<16xi32>, vector<16xi32>, vector<16xi32>], vector<16xf32>,
      %mul3A_539 = arith.mulf %gather3A_534, %gather3A_538 : vector<16xf32>
      %add3A_540 = arith.addf %add3A_530, %mul3A_539 : vector<16xf32>
      %swap3A_541 = arith.index_cast %add3A_469 : i32 to index
      %swap3A_542 = arith.constant 0 : index
      %swap3A_543 = tpu.vector_load %arg15[%swap3A_541, %swap3A_542] {strides = array<i32>} : memref<512x16xf32, #tpu.memory_space<vmem>>, vector<16xf32>,
      tpu.vector_store %arg15[%swap3A_541, %swap3A_542], %add3A_540 {strides = array<i32>} : memref<512x16xf32, #tpu.memory_space<vmem>>, vector<16xf32>,
      %add3A_544 = arith.constant 4 : i32
      %add3A_545 = arith.addi %mul3A_235, %add3A_544 : i32
      %slice3A_546 = vector.extract_strided_slice %get3A_237 {offsets = [7], sizes = [1], strides = [1]} : vector<16xi32> to vector<1xi32>
      %squeeze3A_547 = vector.extract %slice3A_546[0] : i32 from vector<1xi32>
      %slice3A_548 = vector.extract_strided_slice %get3A_239 {offsets = [7], sizes = [1], strides = [1]} : vector<16xi32> to vector<1xi32>
      %squeeze3A_549 = vector.extract %slice3A_548[0] : i32 from vector<1xi32>
      %add3A_550 = arith.constant 3 : i32
      %add3A_551 = arith.addi %add3A_545, %add3A_550 : i32
      %lt3A_552 = arith.constant 512 : i32
      %lt3A_553 = arith.cmpi slt, %add3A_551, %lt3A_552 : i32
      %convert_element_type3A_554 = arith.extui %lt3A_553 : i1 to i32
      %cond3A_555 = arith.constant 0 : i32
      %cond3A_556 = arith.cmpi ne, %convert_element_type3A_554, %cond3A_555 : i32
      scf.if %cond3A_556 {
        %shift_right_arithmetic3A_1456 = arith.constant 7 : i32
        %shift_right_arithmetic3A_1457 = arith.shrsi %squeeze3A_547, %shift_right_arithmetic3A_1456 : i32
        %mul3A_1458 = arith.constant 128 : i32
        %mul3A_1459 = arith.muli %shift_right_arithmetic3A_1457, %mul3A_1458 : i32
        %multiple_of3A_1460 = tpu.assume_multiple %mul3A_1459, 128 : i32
        %dma_start3A_1461 = arith.constant 3 : i32
        %dma_start3A_1462 = arith.constant 0 : i32
        %dma_start3A_1463 = arith.constant 0 : i32
        %dma_start3A_1464 = tpu.memref_slice %arg11[%dma_start3A_1461, %dma_start3A_1462, %dma_start3A_1463] : memref<4x32x128xf32, #tpu.memory_space<vmem>> -> memref<1x32x128xf32, #tpu.memory_space<vmem>>
        %dma_start3A_1465 = tpu.memref_squeeze %dma_start3A_1464 : memref<1x32x128xf32, #tpu.memory_space<vmem>> -> memref<32x128xf32, #tpu.memory_space<vmem>>
        %dma_start3A_1466 = arith.constant 0 : i32
        %dma_start3A_1467 = tpu.memref_slice %arg4[%dma_start3A_1466, %multiple_of3A_1460] : memref<32x1000000xf32, #tpu.memory_space<hbm>> -> memref<32x128xf32, #tpu.memory_space<hbm>>
        %dma_start3A_1468 = arith.constant 0 : i32
        %dma_start3A_1469 = arith.constant 0 : i32
        %dma_start3A_1470 = tpu.memref_slice %arg11[%dma_start3A_1461, %dma_start3A_1468, %dma_start3A_1469] : memref<4x32x128xf32, #tpu.memory_space<vmem>> -> memref<1x32x128xf32, #tpu.memory_space<vmem>>
        %dma_start3A_1471 = tpu.memref_squeeze %dma_start3A_1470 : memref<1x32x128xf32, #tpu.memory_space<vmem>> -> memref<32x128xf32, #tpu.memory_space<vmem>>
        %dma_start3A_1472 = arith.constant 0 : i32
        %dma_start3A_1473 = tpu.memref_slice %arg4[%dma_start3A_1472, %multiple_of3A_1460] : memref<32x1000000xf32, #tpu.memory_space<hbm>> -> memref<32x128xf32, #tpu.memory_space<hbm>>
        tpu.enqueue_dma source(%dma_start3A_1473 : memref<32x128xf32, #tpu.memory_space<hbm>>) target(%dma_start3A_1471 : memref<32x128xf32, #tpu.memory_space<vmem>>) target_semaphore(%arg17 : memref<!tpu.dma_semaphore, #tpu.memory_space<semaphore_mem>>)
        %shift_right_arithmetic3A_1474 = arith.constant 7 : i32
        %shift_right_arithmetic3A_1475 = arith.shrsi %squeeze3A_549, %shift_right_arithmetic3A_1474 : i32
        %mul3A_1476 = arith.constant 128 : i32
        %mul3A_1477 = arith.muli %shift_right_arithmetic3A_1475, %mul3A_1476 : i32
        %multiple_of3A_1478 = tpu.assume_multiple %mul3A_1477, 128 : i32
        %dma_start3A_1479 = arith.constant 3 : i32
        %dma_start3A_1480 = arith.constant 0 : i32
        %dma_start3A_1481 = arith.constant 0 : i32
        %dma_start3A_1482 = tpu.memref_slice %arg12[%dma_start3A_1479, %dma_start3A_1480, %dma_start3A_1481] : memref<4x32x128xf32, #tpu.memory_space<vmem>> -> memref<1x32x128xf32, #tpu.memory_space<vmem>>
        %dma_start3A_1483 = tpu.memref_squeeze %dma_start3A_1482 : memref<1x32x128xf32, #tpu.memory_space<vmem>> -> memref<32x128xf32, #tpu.memory_space<vmem>>
        %dma_start3A_1484 = arith.constant 0 : i32
        %dma_start3A_1485 = tpu.memref_slice %arg5[%dma_start3A_1484, %multiple_of3A_1478] : memref<32x1000000xf32, #tpu.memory_space<hbm>> -> memref<32x128xf32, #tpu.memory_space<hbm>>
        %dma_start3A_1486 = arith.constant 0 : i32
        %dma_start3A_1487 = arith.constant 0 : i32
        %dma_start3A_1488 = tpu.memref_slice %arg12[%dma_start3A_1479, %dma_start3A_1486, %dma_start3A_1487] : memref<4x32x128xf32, #tpu.memory_space<vmem>> -> memref<1x32x128xf32, #tpu.memory_space<vmem>>
        %dma_start3A_1489 = tpu.memref_squeeze %dma_start3A_1488 : memref<1x32x128xf32, #tpu.memory_space<vmem>> -> memref<32x128xf32, #tpu.memory_space<vmem>>
        %dma_start3A_1490 = arith.constant 0 : i32
        %dma_start3A_1491 = tpu.memref_slice %arg5[%dma_start3A_1490, %multiple_of3A_1478] : memref<32x1000000xf32, #tpu.memory_space<hbm>> -> memref<32x128xf32, #tpu.memory_space<hbm>>
        tpu.enqueue_dma source(%dma_start3A_1491 : memref<32x128xf32, #tpu.memory_space<hbm>>) target(%dma_start3A_1489 : memref<32x128xf32, #tpu.memory_space<vmem>>) target_semaphore(%arg17 : memref<!tpu.dma_semaphore, #tpu.memory_space<semaphore_mem>>)
      } else {
      }
      %dma_wait3A_557 = arith.constant 0 : i32
      %dma_wait3A_558 = arith.constant 0 : i32
      %dma_wait3A_559 = arith.constant 0 : i32
      %dma_wait3A_560 = tpu.memref_slice %arg11[%dma_wait3A_557, %dma_wait3A_558, %dma_wait3A_559] : memref<4x32x128xf32, #tpu.memory_space<vmem>> -> memref<1x32x128xf32, #tpu.memory_space<vmem>>
      %dma_wait3A_561 = tpu.memref_squeeze %dma_wait3A_560 : memref<1x32x128xf32, #tpu.memory_space<vmem>> -> memref<32x128xf32, #tpu.memory_space<vmem>>
      %dma_wait3A_562 = arith.constant 0 : i32
      %dma_wait3A_563 = arith.constant 0 : i32
      %dma_wait3A_564 = tpu.memref_slice %arg4[%dma_wait3A_562, %dma_wait3A_563] : memref<32x1000000xf32, #tpu.memory_space<hbm>> -> memref<32x128xf32, #tpu.memory_space<hbm>>
      %dma_wait3A_565 = arith.constant 0 : i32
      %dma_wait3A_566 = arith.constant 0 : i32
      %dma_wait3A_567 = tpu.memref_slice %arg11[%dma_wait3A_557, %dma_wait3A_565, %dma_wait3A_566] : memref<4x32x128xf32, #tpu.memory_space<vmem>> -> memref<1x32x128xf32, #tpu.memory_space<vmem>>
      %dma_wait3A_568 = tpu.memref_squeeze %dma_wait3A_567 : memref<1x32x128xf32, #tpu.memory_space<vmem>> -> memref<32x128xf32, #tpu.memory_space<vmem>>
      %dma_wait3A_569 = arith.constant 0 : i32
      %dma_wait3A_570 = arith.constant 0 : i32
      %dma_wait3A_571 = tpu.memref_slice %arg4[%dma_wait3A_569, %dma_wait3A_570] : memref<32x1000000xf32, #tpu.memory_space<hbm>> -> memref<32x128xf32, #tpu.memory_space<hbm>>
      tpu.wait_dma2 semaphore(%arg17 : memref<!tpu.dma_semaphore, #tpu.memory_space<semaphore_mem>>) src(%dma_wait3A_571 : memref<32x128xf32, #tpu.memory_space<hbm>>) dst(%dma_wait3A_568 : memref<32x128xf32, #tpu.memory_space<vmem>>)
      %dma_wait3A_572 = arith.constant 0 : i32
      %dma_wait3A_573 = arith.constant 0 : i32
      %dma_wait3A_574 = arith.constant 0 : i32
      %dma_wait3A_575 = tpu.memref_slice %arg12[%dma_wait3A_572, %dma_wait3A_573, %dma_wait3A_574] : memref<4x32x128xf32, #tpu.memory_space<vmem>> -> memref<1x32x128xf32, #tpu.memory_space<vmem>>
      %dma_wait3A_576 = tpu.memref_squeeze %dma_wait3A_575 : memref<1x32x128xf32, #tpu.memory_space<vmem>> -> memref<32x128xf32, #tpu.memory_space<vmem>>
      %dma_wait3A_577 = arith.constant 0 : i32
      %dma_wait3A_578 = arith.constant 0 : i32
      %dma_wait3A_579 = tpu.memref_slice %arg5[%dma_wait3A_577, %dma_wait3A_578] : memref<32x1000000xf32, #tpu.memory_space<hbm>> -> memref<32x128xf32, #tpu.memory_space<hbm>>
      %dma_wait3A_580 = arith.constant 0 : i32
      %dma_wait3A_581 = arith.constant 0 : i32
      %dma_wait3A_582 = tpu.memref_slice %arg12[%dma_wait3A_572, %dma_wait3A_580, %dma_wait3A_581] : memref<4x32x128xf32, #tpu.memory_space<vmem>> -> memref<1x32x128xf32, #tpu.memory_space<vmem>>
      %dma_wait3A_583 = tpu.memref_squeeze %dma_wait3A_582 : memref<1x32x128xf32, #tpu.memory_space<vmem>> -> memref<32x128xf32, #tpu.memory_space<vmem>>
      %dma_wait3A_584 = arith.constant 0 : i32
      %dma_wait3A_585 = arith.constant 0 : i32
      %dma_wait3A_586 = tpu.memref_slice %arg5[%dma_wait3A_584, %dma_wait3A_585] : memref<32x1000000xf32, #tpu.memory_space<hbm>> -> memref<32x128xf32, #tpu.memory_space<hbm>>
      tpu.wait_dma2 semaphore(%arg17 : memref<!tpu.dma_semaphore, #tpu.memory_space<semaphore_mem>>) src(%dma_wait3A_586 : memref<32x128xf32, #tpu.memory_space<hbm>>) dst(%dma_wait3A_583 : memref<32x128xf32, #tpu.memory_space<vmem>>)
      %slice3A_587 = vector.extract_strided_slice %get3A_237 {offsets = [4], sizes = [1], strides = [1]} : vector<16xi32> to vector<1xi32>
      %squeeze3A_588 = vector.extract %slice3A_587[0] : i32 from vector<1xi32>
      %and3A_589 = arith.constant 127 : i32
      %and3A_590 = arith.andi %squeeze3A_588, %and3A_589 : i32
      %slice3A_591 = vector.extract_strided_slice %get3A_239 {offsets = [4], sizes = [1], strides = [1]} : vector<16xi32> to vector<1xi32>
      %squeeze3A_592 = vector.extract %slice3A_591[0] : i32 from vector<1xi32>
      %and3A_593 = arith.constant 127 : i32
      %and3A_594 = arith.andi %squeeze3A_592, %and3A_593 : i32
      %broadcast_in_dim3A_595 = arith.constant 0.000000e+00 : f32
      %broadcast_in_dim3A_596 = vector.broadcast %broadcast_in_dim3A_595 : f32 to vector<16xf32>
      %broadcast_in_dim3A_597 = arith.constant 0 : i32
      %broadcast_in_dim3A_598 = vector.broadcast %broadcast_in_dim3A_597 : i32 to vector<16xi32>
      %broadcast_in_dim3A_599 = vector.broadcast %and3A_590 : i32 to vector<16xi32>
      %gather3A_600 = tpu.vector_load_idx %arg11[%broadcast_in_dim3A_598, %add3A_52, %broadcast_in_dim3A_599] : memref<4x32x128xf32, #tpu.memory_space<vmem>>[vector<16xi32>, vector<16xi32>, vector<16xi32>], vector<16xf32>,
      %broadcast_in_dim3A_601 = arith.constant 0 : i32
      %broadcast_in_dim3A_602 = vector.broadcast %broadcast_in_dim3A_601 : i32 to vector<16xi32>
      %broadcast_in_dim3A_603 = vector.broadcast %and3A_594 : i32 to vector<16xi32>
      %gather3A_604 = tpu.vector_load_idx %arg12[%broadcast_in_dim3A_602, %add3A_52, %broadcast_in_dim3A_603] : memref<4x32x128xf32, #tpu.memory_space<vmem>>[vector<16xi32>, vector<16xi32>, vector<16xi32>], vector<16xf32>,
      %mul3A_605 = arith.mulf %gather3A_600, %gather3A_604 : vector<16xf32>
      %add3A_606 = arith.addf %broadcast_in_dim3A_596, %mul3A_605 : vector<16xf32>
      %broadcast_in_dim3A_607 = arith.constant 0 : i32
      %broadcast_in_dim3A_608 = vector.broadcast %broadcast_in_dim3A_607 : i32 to vector<16xi32>
      %broadcast_in_dim3A_609 = vector.broadcast %and3A_590 : i32 to vector<16xi32>
      %gather3A_610 = tpu.vector_load_idx %arg11[%broadcast_in_dim3A_608, %add3A_55, %broadcast_in_dim3A_609] : memref<4x32x128xf32, #tpu.memory_space<vmem>>[vector<16xi32>, vector<16xi32>, vector<16xi32>], vector<16xf32>,
      %broadcast_in_dim3A_611 = arith.constant 0 : i32
      %broadcast_in_dim3A_612 = vector.broadcast %broadcast_in_dim3A_611 : i32 to vector<16xi32>
      %broadcast_in_dim3A_613 = vector.broadcast %and3A_594 : i32 to vector<16xi32>
      %gather3A_614 = tpu.vector_load_idx %arg12[%broadcast_in_dim3A_612, %add3A_55, %broadcast_in_dim3A_613] : memref<4x32x128xf32, #tpu.memory_space<vmem>>[vector<16xi32>, vector<16xi32>, vector<16xi32>], vector<16xf32>,
      %mul3A_615 = arith.mulf %gather3A_610, %gather3A_614 : vector<16xf32>
      %add3A_616 = arith.addf %add3A_606, %mul3A_615 : vector<16xf32>
      %swap3A_617 = arith.index_cast %add3A_545 : i32 to index
      %swap3A_618 = arith.constant 0 : index
      %swap3A_619 = tpu.vector_load %arg15[%swap3A_617, %swap3A_618] {strides = array<i32>} : memref<512x16xf32, #tpu.memory_space<vmem>>, vector<16xf32>,
      tpu.vector_store %arg15[%swap3A_617, %swap3A_618], %add3A_616 {strides = array<i32>} : memref<512x16xf32, #tpu.memory_space<vmem>>, vector<16xf32>,
      %add3A_620 = arith.constant 5 : i32
      %add3A_621 = arith.addi %mul3A_235, %add3A_620 : i32
      %slice3A_622 = vector.extract_strided_slice %get3A_237 {offsets = [8], sizes = [1], strides = [1]} : vector<16xi32> to vector<1xi32>
      %squeeze3A_623 = vector.extract %slice3A_622[0] : i32 from vector<1xi32>
      %slice3A_624 = vector.extract_strided_slice %get3A_239 {offsets = [8], sizes = [1], strides = [1]} : vector<16xi32> to vector<1xi32>
      %squeeze3A_625 = vector.extract %slice3A_624[0] : i32 from vector<1xi32>
      %add3A_626 = arith.constant 3 : i32
      %add3A_627 = arith.addi %add3A_621, %add3A_626 : i32
      %lt3A_628 = arith.constant 512 : i32
      %lt3A_629 = arith.cmpi slt, %add3A_627, %lt3A_628 : i32
      %convert_element_type3A_630 = arith.extui %lt3A_629 : i1 to i32
      %cond3A_631 = arith.constant 0 : i32
      %cond3A_632 = arith.cmpi ne, %convert_element_type3A_630, %cond3A_631 : i32
      scf.if %cond3A_632 {
        %shift_right_arithmetic3A_1456 = arith.constant 7 : i32
        %shift_right_arithmetic3A_1457 = arith.shrsi %squeeze3A_623, %shift_right_arithmetic3A_1456 : i32
        %mul3A_1458 = arith.constant 128 : i32
        %mul3A_1459 = arith.muli %shift_right_arithmetic3A_1457, %mul3A_1458 : i32
        %multiple_of3A_1460 = tpu.assume_multiple %mul3A_1459, 128 : i32
        %dma_start3A_1461 = arith.constant 0 : i32
        %dma_start3A_1462 = arith.constant 0 : i32
        %dma_start3A_1463 = arith.constant 0 : i32
        %dma_start3A_1464 = tpu.memref_slice %arg11[%dma_start3A_1461, %dma_start3A_1462, %dma_start3A_1463] : memref<4x32x128xf32, #tpu.memory_space<vmem>> -> memref<1x32x128xf32, #tpu.memory_space<vmem>>
        %dma_start3A_1465 = tpu.memref_squeeze %dma_start3A_1464 : memref<1x32x128xf32, #tpu.memory_space<vmem>> -> memref<32x128xf32, #tpu.memory_space<vmem>>
        %dma_start3A_1466 = arith.constant 0 : i32
        %dma_start3A_1467 = tpu.memref_slice %arg4[%dma_start3A_1466, %multiple_of3A_1460] : memref<32x1000000xf32, #tpu.memory_space<hbm>> -> memref<32x128xf32, #tpu.memory_space<hbm>>
        %dma_start3A_1468 = arith.constant 0 : i32
        %dma_start3A_1469 = arith.constant 0 : i32
        %dma_start3A_1470 = tpu.memref_slice %arg11[%dma_start3A_1461, %dma_start3A_1468, %dma_start3A_1469] : memref<4x32x128xf32, #tpu.memory_space<vmem>> -> memref<1x32x128xf32, #tpu.memory_space<vmem>>
        %dma_start3A_1471 = tpu.memref_squeeze %dma_start3A_1470 : memref<1x32x128xf32, #tpu.memory_space<vmem>> -> memref<32x128xf32, #tpu.memory_space<vmem>>
        %dma_start3A_1472 = arith.constant 0 : i32
        %dma_start3A_1473 = tpu.memref_slice %arg4[%dma_start3A_1472, %multiple_of3A_1460] : memref<32x1000000xf32, #tpu.memory_space<hbm>> -> memref<32x128xf32, #tpu.memory_space<hbm>>
        tpu.enqueue_dma source(%dma_start3A_1473 : memref<32x128xf32, #tpu.memory_space<hbm>>) target(%dma_start3A_1471 : memref<32x128xf32, #tpu.memory_space<vmem>>) target_semaphore(%arg17 : memref<!tpu.dma_semaphore, #tpu.memory_space<semaphore_mem>>)
        %shift_right_arithmetic3A_1474 = arith.constant 7 : i32
        %shift_right_arithmetic3A_1475 = arith.shrsi %squeeze3A_625, %shift_right_arithmetic3A_1474 : i32
        %mul3A_1476 = arith.constant 128 : i32
        %mul3A_1477 = arith.muli %shift_right_arithmetic3A_1475, %mul3A_1476 : i32
        %multiple_of3A_1478 = tpu.assume_multiple %mul3A_1477, 128 : i32
        %dma_start3A_1479 = arith.constant 0 : i32
        %dma_start3A_1480 = arith.constant 0 : i32
        %dma_start3A_1481 = arith.constant 0 : i32
        %dma_start3A_1482 = tpu.memref_slice %arg12[%dma_start3A_1479, %dma_start3A_1480, %dma_start3A_1481] : memref<4x32x128xf32, #tpu.memory_space<vmem>> -> memref<1x32x128xf32, #tpu.memory_space<vmem>>
        %dma_start3A_1483 = tpu.memref_squeeze %dma_start3A_1482 : memref<1x32x128xf32, #tpu.memory_space<vmem>> -> memref<32x128xf32, #tpu.memory_space<vmem>>
        %dma_start3A_1484 = arith.constant 0 : i32
        %dma_start3A_1485 = tpu.memref_slice %arg5[%dma_start3A_1484, %multiple_of3A_1478] : memref<32x1000000xf32, #tpu.memory_space<hbm>> -> memref<32x128xf32, #tpu.memory_space<hbm>>
        %dma_start3A_1486 = arith.constant 0 : i32
        %dma_start3A_1487 = arith.constant 0 : i32
        %dma_start3A_1488 = tpu.memref_slice %arg12[%dma_start3A_1479, %dma_start3A_1486, %dma_start3A_1487] : memref<4x32x128xf32, #tpu.memory_space<vmem>> -> memref<1x32x128xf32, #tpu.memory_space<vmem>>
        %dma_start3A_1489 = tpu.memref_squeeze %dma_start3A_1488 : memref<1x32x128xf32, #tpu.memory_space<vmem>> -> memref<32x128xf32, #tpu.memory_space<vmem>>
        %dma_start3A_1490 = arith.constant 0 : i32
        %dma_start3A_1491 = tpu.memref_slice %arg5[%dma_start3A_1490, %multiple_of3A_1478] : memref<32x1000000xf32, #tpu.memory_space<hbm>> -> memref<32x128xf32, #tpu.memory_space<hbm>>
        tpu.enqueue_dma source(%dma_start3A_1491 : memref<32x128xf32, #tpu.memory_space<hbm>>) target(%dma_start3A_1489 : memref<32x128xf32, #tpu.memory_space<vmem>>) target_semaphore(%arg17 : memref<!tpu.dma_semaphore, #tpu.memory_space<semaphore_mem>>)
      } else {
      }
      %dma_wait3A_633 = arith.constant 1 : i32
      %dma_wait3A_634 = arith.constant 0 : i32
      %dma_wait3A_635 = arith.constant 0 : i32
      %dma_wait3A_636 = tpu.memref_slice %arg11[%dma_wait3A_633, %dma_wait3A_634, %dma_wait3A_635] : memref<4x32x128xf32, #tpu.memory_space<vmem>> -> memref<1x32x128xf32, #tpu.memory_space<vmem>>
      %dma_wait3A_637 = tpu.memref_squeeze %dma_wait3A_636 : memref<1x32x128xf32, #tpu.memory_space<vmem>> -> memref<32x128xf32, #tpu.memory_space<vmem>>
      %dma_wait3A_638 = arith.constant 0 : i32
      %dma_wait3A_639 = arith.constant 0 : i32
      %dma_wait3A_640 = tpu.memref_slice %arg4[%dma_wait3A_638, %dma_wait3A_639] : memref<32x1000000xf32, #tpu.memory_space<hbm>> -> memref<32x128xf32, #tpu.memory_space<hbm>>
      %dma_wait3A_641 = arith.constant 0 : i32
      %dma_wait3A_642 = arith.constant 0 : i32
      %dma_wait3A_643 = tpu.memref_slice %arg11[%dma_wait3A_633, %dma_wait3A_641, %dma_wait3A_642] : memref<4x32x128xf32, #tpu.memory_space<vmem>> -> memref<1x32x128xf32, #tpu.memory_space<vmem>>
      %dma_wait3A_644 = tpu.memref_squeeze %dma_wait3A_643 : memref<1x32x128xf32, #tpu.memory_space<vmem>> -> memref<32x128xf32, #tpu.memory_space<vmem>>
      %dma_wait3A_645 = arith.constant 0 : i32
      %dma_wait3A_646 = arith.constant 0 : i32
      %dma_wait3A_647 = tpu.memref_slice %arg4[%dma_wait3A_645, %dma_wait3A_646] : memref<32x1000000xf32, #tpu.memory_space<hbm>> -> memref<32x128xf32, #tpu.memory_space<hbm>>
      tpu.wait_dma2 semaphore(%arg17 : memref<!tpu.dma_semaphore, #tpu.memory_space<semaphore_mem>>) src(%dma_wait3A_647 : memref<32x128xf32, #tpu.memory_space<hbm>>) dst(%dma_wait3A_644 : memref<32x128xf32, #tpu.memory_space<vmem>>)
      %dma_wait3A_648 = arith.constant 1 : i32
      %dma_wait3A_649 = arith.constant 0 : i32
      %dma_wait3A_650 = arith.constant 0 : i32
      %dma_wait3A_651 = tpu.memref_slice %arg12[%dma_wait3A_648, %dma_wait3A_649, %dma_wait3A_650] : memref<4x32x128xf32, #tpu.memory_space<vmem>> -> memref<1x32x128xf32, #tpu.memory_space<vmem>>
      %dma_wait3A_652 = tpu.memref_squeeze %dma_wait3A_651 : memref<1x32x128xf32, #tpu.memory_space<vmem>> -> memref<32x128xf32, #tpu.memory_space<vmem>>
      %dma_wait3A_653 = arith.constant 0 : i32
      %dma_wait3A_654 = arith.constant 0 : i32
      %dma_wait3A_655 = tpu.memref_slice %arg5[%dma_wait3A_653, %dma_wait3A_654] : memref<32x1000000xf32, #tpu.memory_space<hbm>> -> memref<32x128xf32, #tpu.memory_space<hbm>>
      %dma_wait3A_656 = arith.constant 0 : i32
      %dma_wait3A_657 = arith.constant 0 : i32
      %dma_wait3A_658 = tpu.memref_slice %arg12[%dma_wait3A_648, %dma_wait3A_656, %dma_wait3A_657] : memref<4x32x128xf32, #tpu.memory_space<vmem>> -> memref<1x32x128xf32, #tpu.memory_space<vmem>>
      %dma_wait3A_659 = tpu.memref_squeeze %dma_wait3A_658 : memref<1x32x128xf32, #tpu.memory_space<vmem>> -> memref<32x128xf32, #tpu.memory_space<vmem>>
      %dma_wait3A_660 = arith.constant 0 : i32
      %dma_wait3A_661 = arith.constant 0 : i32
      %dma_wait3A_662 = tpu.memref_slice %arg5[%dma_wait3A_660, %dma_wait3A_661] : memref<32x1000000xf32, #tpu.memory_space<hbm>> -> memref<32x128xf32, #tpu.memory_space<hbm>>
      tpu.wait_dma2 semaphore(%arg17 : memref<!tpu.dma_semaphore, #tpu.memory_space<semaphore_mem>>) src(%dma_wait3A_662 : memref<32x128xf32, #tpu.memory_space<hbm>>) dst(%dma_wait3A_659 : memref<32x128xf32, #tpu.memory_space<vmem>>)
      %slice3A_663 = vector.extract_strided_slice %get3A_237 {offsets = [5], sizes = [1], strides = [1]} : vector<16xi32> to vector<1xi32>
      %squeeze3A_664 = vector.extract %slice3A_663[0] : i32 from vector<1xi32>
      %and3A_665 = arith.constant 127 : i32
      %and3A_666 = arith.andi %squeeze3A_664, %and3A_665 : i32
      %slice3A_667 = vector.extract_strided_slice %get3A_239 {offsets = [5], sizes = [1], strides = [1]} : vector<16xi32> to vector<1xi32>
      %squeeze3A_668 = vector.extract %slice3A_667[0] : i32 from vector<1xi32>
      %and3A_669 = arith.constant 127 : i32
      %and3A_670 = arith.andi %squeeze3A_668, %and3A_669 : i32
      %broadcast_in_dim3A_671 = arith.constant 0.000000e+00 : f32
      %broadcast_in_dim3A_672 = vector.broadcast %broadcast_in_dim3A_671 : f32 to vector<16xf32>
      %broadcast_in_dim3A_673 = arith.constant 1 : i32
      %broadcast_in_dim3A_674 = vector.broadcast %broadcast_in_dim3A_673 : i32 to vector<16xi32>
      %broadcast_in_dim3A_675 = vector.broadcast %and3A_666 : i32 to vector<16xi32>
      %gather3A_676 = tpu.vector_load_idx %arg11[%broadcast_in_dim3A_674, %add3A_52, %broadcast_in_dim3A_675] : memref<4x32x128xf32, #tpu.memory_space<vmem>>[vector<16xi32>, vector<16xi32>, vector<16xi32>], vector<16xf32>,
      %broadcast_in_dim3A_677 = arith.constant 1 : i32
      %broadcast_in_dim3A_678 = vector.broadcast %broadcast_in_dim3A_677 : i32 to vector<16xi32>
      %broadcast_in_dim3A_679 = vector.broadcast %and3A_670 : i32 to vector<16xi32>
      %gather3A_680 = tpu.vector_load_idx %arg12[%broadcast_in_dim3A_678, %add3A_52, %broadcast_in_dim3A_679] : memref<4x32x128xf32, #tpu.memory_space<vmem>>[vector<16xi32>, vector<16xi32>, vector<16xi32>], vector<16xf32>,
      %mul3A_681 = arith.mulf %gather3A_676, %gather3A_680 : vector<16xf32>
      %add3A_682 = arith.addf %broadcast_in_dim3A_672, %mul3A_681 : vector<16xf32>
      %broadcast_in_dim3A_683 = arith.constant 1 : i32
      %broadcast_in_dim3A_684 = vector.broadcast %broadcast_in_dim3A_683 : i32 to vector<16xi32>
      %broadcast_in_dim3A_685 = vector.broadcast %and3A_666 : i32 to vector<16xi32>
      %gather3A_686 = tpu.vector_load_idx %arg11[%broadcast_in_dim3A_684, %add3A_55, %broadcast_in_dim3A_685] : memref<4x32x128xf32, #tpu.memory_space<vmem>>[vector<16xi32>, vector<16xi32>, vector<16xi32>], vector<16xf32>,
      %broadcast_in_dim3A_687 = arith.constant 1 : i32
      %broadcast_in_dim3A_688 = vector.broadcast %broadcast_in_dim3A_687 : i32 to vector<16xi32>
      %broadcast_in_dim3A_689 = vector.broadcast %and3A_670 : i32 to vector<16xi32>
      %gather3A_690 = tpu.vector_load_idx %arg12[%broadcast_in_dim3A_688, %add3A_55, %broadcast_in_dim3A_689] : memref<4x32x128xf32, #tpu.memory_space<vmem>>[vector<16xi32>, vector<16xi32>, vector<16xi32>], vector<16xf32>,
      %mul3A_691 = arith.mulf %gather3A_686, %gather3A_690 : vector<16xf32>
      %add3A_692 = arith.addf %add3A_682, %mul3A_691 : vector<16xf32>
      %swap3A_693 = arith.index_cast %add3A_621 : i32 to index
      %swap3A_694 = arith.constant 0 : index
      %swap3A_695 = tpu.vector_load %arg15[%swap3A_693, %swap3A_694] {strides = array<i32>} : memref<512x16xf32, #tpu.memory_space<vmem>>, vector<16xf32>,
      tpu.vector_store %arg15[%swap3A_693, %swap3A_694], %add3A_692 {strides = array<i32>} : memref<512x16xf32, #tpu.memory_space<vmem>>, vector<16xf32>,
      %add3A_696 = arith.constant 6 : i32
      %add3A_697 = arith.addi %mul3A_235, %add3A_696 : i32
      %slice3A_698 = vector.extract_strided_slice %get3A_237 {offsets = [9], sizes = [1], strides = [1]} : vector<16xi32> to vector<1xi32>
      %squeeze3A_699 = vector.extract %slice3A_698[0] : i32 from vector<1xi32>
      %slice3A_700 = vector.extract_strided_slice %get3A_239 {offsets = [9], sizes = [1], strides = [1]} : vector<16xi32> to vector<1xi32>
      %squeeze3A_701 = vector.extract %slice3A_700[0] : i32 from vector<1xi32>
      %add3A_702 = arith.constant 3 : i32
      %add3A_703 = arith.addi %add3A_697, %add3A_702 : i32
      %lt3A_704 = arith.constant 512 : i32
      %lt3A_705 = arith.cmpi slt, %add3A_703, %lt3A_704 : i32
      %convert_element_type3A_706 = arith.extui %lt3A_705 : i1 to i32
      %cond3A_707 = arith.constant 0 : i32
      %cond3A_708 = arith.cmpi ne, %convert_element_type3A_706, %cond3A_707 : i32
      scf.if %cond3A_708 {
        %shift_right_arithmetic3A_1456 = arith.constant 7 : i32
        %shift_right_arithmetic3A_1457 = arith.shrsi %squeeze3A_699, %shift_right_arithmetic3A_1456 : i32
        %mul3A_1458 = arith.constant 128 : i32
        %mul3A_1459 = arith.muli %shift_right_arithmetic3A_1457, %mul3A_1458 : i32
        %multiple_of3A_1460 = tpu.assume_multiple %mul3A_1459, 128 : i32
        %dma_start3A_1461 = arith.constant 1 : i32
        %dma_start3A_1462 = arith.constant 0 : i32
        %dma_start3A_1463 = arith.constant 0 : i32
        %dma_start3A_1464 = tpu.memref_slice %arg11[%dma_start3A_1461, %dma_start3A_1462, %dma_start3A_1463] : memref<4x32x128xf32, #tpu.memory_space<vmem>> -> memref<1x32x128xf32, #tpu.memory_space<vmem>>
        %dma_start3A_1465 = tpu.memref_squeeze %dma_start3A_1464 : memref<1x32x128xf32, #tpu.memory_space<vmem>> -> memref<32x128xf32, #tpu.memory_space<vmem>>
        %dma_start3A_1466 = arith.constant 0 : i32
        %dma_start3A_1467 = tpu.memref_slice %arg4[%dma_start3A_1466, %multiple_of3A_1460] : memref<32x1000000xf32, #tpu.memory_space<hbm>> -> memref<32x128xf32, #tpu.memory_space<hbm>>
        %dma_start3A_1468 = arith.constant 0 : i32
        %dma_start3A_1469 = arith.constant 0 : i32
        %dma_start3A_1470 = tpu.memref_slice %arg11[%dma_start3A_1461, %dma_start3A_1468, %dma_start3A_1469] : memref<4x32x128xf32, #tpu.memory_space<vmem>> -> memref<1x32x128xf32, #tpu.memory_space<vmem>>
        %dma_start3A_1471 = tpu.memref_squeeze %dma_start3A_1470 : memref<1x32x128xf32, #tpu.memory_space<vmem>> -> memref<32x128xf32, #tpu.memory_space<vmem>>
        %dma_start3A_1472 = arith.constant 0 : i32
        %dma_start3A_1473 = tpu.memref_slice %arg4[%dma_start3A_1472, %multiple_of3A_1460] : memref<32x1000000xf32, #tpu.memory_space<hbm>> -> memref<32x128xf32, #tpu.memory_space<hbm>>
        tpu.enqueue_dma source(%dma_start3A_1473 : memref<32x128xf32, #tpu.memory_space<hbm>>) target(%dma_start3A_1471 : memref<32x128xf32, #tpu.memory_space<vmem>>) target_semaphore(%arg17 : memref<!tpu.dma_semaphore, #tpu.memory_space<semaphore_mem>>)
        %shift_right_arithmetic3A_1474 = arith.constant 7 : i32
        %shift_right_arithmetic3A_1475 = arith.shrsi %squeeze3A_701, %shift_right_arithmetic3A_1474 : i32
        %mul3A_1476 = arith.constant 128 : i32
        %mul3A_1477 = arith.muli %shift_right_arithmetic3A_1475, %mul3A_1476 : i32
        %multiple_of3A_1478 = tpu.assume_multiple %mul3A_1477, 128 : i32
        %dma_start3A_1479 = arith.constant 1 : i32
        %dma_start3A_1480 = arith.constant 0 : i32
        %dma_start3A_1481 = arith.constant 0 : i32
        %dma_start3A_1482 = tpu.memref_slice %arg12[%dma_start3A_1479, %dma_start3A_1480, %dma_start3A_1481] : memref<4x32x128xf32, #tpu.memory_space<vmem>> -> memref<1x32x128xf32, #tpu.memory_space<vmem>>
        %dma_start3A_1483 = tpu.memref_squeeze %dma_start3A_1482 : memref<1x32x128xf32, #tpu.memory_space<vmem>> -> memref<32x128xf32, #tpu.memory_space<vmem>>
        %dma_start3A_1484 = arith.constant 0 : i32
        %dma_start3A_1485 = tpu.memref_slice %arg5[%dma_start3A_1484, %multiple_of3A_1478] : memref<32x1000000xf32, #tpu.memory_space<hbm>> -> memref<32x128xf32, #tpu.memory_space<hbm>>
        %dma_start3A_1486 = arith.constant 0 : i32
        %dma_start3A_1487 = arith.constant 0 : i32
        %dma_start3A_1488 = tpu.memref_slice %arg12[%dma_start3A_1479, %dma_start3A_1486, %dma_start3A_1487] : memref<4x32x128xf32, #tpu.memory_space<vmem>> -> memref<1x32x128xf32, #tpu.memory_space<vmem>>
        %dma_start3A_1489 = tpu.memref_squeeze %dma_start3A_1488 : memref<1x32x128xf32, #tpu.memory_space<vmem>> -> memref<32x128xf32, #tpu.memory_space<vmem>>
        %dma_start3A_1490 = arith.constant 0 : i32
        %dma_start3A_1491 = tpu.memref_slice %arg5[%dma_start3A_1490, %multiple_of3A_1478] : memref<32x1000000xf32, #tpu.memory_space<hbm>> -> memref<32x128xf32, #tpu.memory_space<hbm>>
        tpu.enqueue_dma source(%dma_start3A_1491 : memref<32x128xf32, #tpu.memory_space<hbm>>) target(%dma_start3A_1489 : memref<32x128xf32, #tpu.memory_space<vmem>>) target_semaphore(%arg17 : memref<!tpu.dma_semaphore, #tpu.memory_space<semaphore_mem>>)
      } else {
      }
      %dma_wait3A_709 = arith.constant 2 : i32
      %dma_wait3A_710 = arith.constant 0 : i32
      %dma_wait3A_711 = arith.constant 0 : i32
      %dma_wait3A_712 = tpu.memref_slice %arg11[%dma_wait3A_709, %dma_wait3A_710, %dma_wait3A_711] : memref<4x32x128xf32, #tpu.memory_space<vmem>> -> memref<1x32x128xf32, #tpu.memory_space<vmem>>
      %dma_wait3A_713 = tpu.memref_squeeze %dma_wait3A_712 : memref<1x32x128xf32, #tpu.memory_space<vmem>> -> memref<32x128xf32, #tpu.memory_space<vmem>>
      %dma_wait3A_714 = arith.constant 0 : i32
      %dma_wait3A_715 = arith.constant 0 : i32
      %dma_wait3A_716 = tpu.memref_slice %arg4[%dma_wait3A_714, %dma_wait3A_715] : memref<32x1000000xf32, #tpu.memory_space<hbm>> -> memref<32x128xf32, #tpu.memory_space<hbm>>
      %dma_wait3A_717 = arith.constant 0 : i32
      %dma_wait3A_718 = arith.constant 0 : i32
      %dma_wait3A_719 = tpu.memref_slice %arg11[%dma_wait3A_709, %dma_wait3A_717, %dma_wait3A_718] : memref<4x32x128xf32, #tpu.memory_space<vmem>> -> memref<1x32x128xf32, #tpu.memory_space<vmem>>
      %dma_wait3A_720 = tpu.memref_squeeze %dma_wait3A_719 : memref<1x32x128xf32, #tpu.memory_space<vmem>> -> memref<32x128xf32, #tpu.memory_space<vmem>>
      %dma_wait3A_721 = arith.constant 0 : i32
      %dma_wait3A_722 = arith.constant 0 : i32
      %dma_wait3A_723 = tpu.memref_slice %arg4[%dma_wait3A_721, %dma_wait3A_722] : memref<32x1000000xf32, #tpu.memory_space<hbm>> -> memref<32x128xf32, #tpu.memory_space<hbm>>
      tpu.wait_dma2 semaphore(%arg17 : memref<!tpu.dma_semaphore, #tpu.memory_space<semaphore_mem>>) src(%dma_wait3A_723 : memref<32x128xf32, #tpu.memory_space<hbm>>) dst(%dma_wait3A_720 : memref<32x128xf32, #tpu.memory_space<vmem>>)
      %dma_wait3A_724 = arith.constant 2 : i32
      %dma_wait3A_725 = arith.constant 0 : i32
      %dma_wait3A_726 = arith.constant 0 : i32
      %dma_wait3A_727 = tpu.memref_slice %arg12[%dma_wait3A_724, %dma_wait3A_725, %dma_wait3A_726] : memref<4x32x128xf32, #tpu.memory_space<vmem>> -> memref<1x32x128xf32, #tpu.memory_space<vmem>>
      %dma_wait3A_728 = tpu.memref_squeeze %dma_wait3A_727 : memref<1x32x128xf32, #tpu.memory_space<vmem>> -> memref<32x128xf32, #tpu.memory_space<vmem>>
      %dma_wait3A_729 = arith.constant 0 : i32
      %dma_wait3A_730 = arith.constant 0 : i32
      %dma_wait3A_731 = tpu.memref_slice %arg5[%dma_wait3A_729, %dma_wait3A_730] : memref<32x1000000xf32, #tpu.memory_space<hbm>> -> memref<32x128xf32, #tpu.memory_space<hbm>>
      %dma_wait3A_732 = arith.constant 0 : i32
      %dma_wait3A_733 = arith.constant 0 : i32
      %dma_wait3A_734 = tpu.memref_slice %arg12[%dma_wait3A_724, %dma_wait3A_732, %dma_wait3A_733] : memref<4x32x128xf32, #tpu.memory_space<vmem>> -> memref<1x32x128xf32, #tpu.memory_space<vmem>>
      %dma_wait3A_735 = tpu.memref_squeeze %dma_wait3A_734 : memref<1x32x128xf32, #tpu.memory_space<vmem>> -> memref<32x128xf32, #tpu.memory_space<vmem>>
      %dma_wait3A_736 = arith.constant 0 : i32
      %dma_wait3A_737 = arith.constant 0 : i32
      %dma_wait3A_738 = tpu.memref_slice %arg5[%dma_wait3A_736, %dma_wait3A_737] : memref<32x1000000xf32, #tpu.memory_space<hbm>> -> memref<32x128xf32, #tpu.memory_space<hbm>>
      tpu.wait_dma2 semaphore(%arg17 : memref<!tpu.dma_semaphore, #tpu.memory_space<semaphore_mem>>) src(%dma_wait3A_738 : memref<32x128xf32, #tpu.memory_space<hbm>>) dst(%dma_wait3A_735 : memref<32x128xf32, #tpu.memory_space<vmem>>)
      %slice3A_739 = vector.extract_strided_slice %get3A_237 {offsets = [6], sizes = [1], strides = [1]} : vector<16xi32> to vector<1xi32>
      %squeeze3A_740 = vector.extract %slice3A_739[0] : i32 from vector<1xi32>
      %and3A_741 = arith.constant 127 : i32
      %and3A_742 = arith.andi %squeeze3A_740, %and3A_741 : i32
      %slice3A_743 = vector.extract_strided_slice %get3A_239 {offsets = [6], sizes = [1], strides = [1]} : vector<16xi32> to vector<1xi32>
      %squeeze3A_744 = vector.extract %slice3A_743[0] : i32 from vector<1xi32>
      %and3A_745 = arith.constant 127 : i32
      %and3A_746 = arith.andi %squeeze3A_744, %and3A_745 : i32
      %broadcast_in_dim3A_747 = arith.constant 0.000000e+00 : f32
      %broadcast_in_dim3A_748 = vector.broadcast %broadcast_in_dim3A_747 : f32 to vector<16xf32>
      %broadcast_in_dim3A_749 = arith.constant 2 : i32
      %broadcast_in_dim3A_750 = vector.broadcast %broadcast_in_dim3A_749 : i32 to vector<16xi32>
      %broadcast_in_dim3A_751 = vector.broadcast %and3A_742 : i32 to vector<16xi32>
      %gather3A_752 = tpu.vector_load_idx %arg11[%broadcast_in_dim3A_750, %add3A_52, %broadcast_in_dim3A_751] : memref<4x32x128xf32, #tpu.memory_space<vmem>>[vector<16xi32>, vector<16xi32>, vector<16xi32>], vector<16xf32>,
      %broadcast_in_dim3A_753 = arith.constant 2 : i32
      %broadcast_in_dim3A_754 = vector.broadcast %broadcast_in_dim3A_753 : i32 to vector<16xi32>
      %broadcast_in_dim3A_755 = vector.broadcast %and3A_746 : i32 to vector<16xi32>
      %gather3A_756 = tpu.vector_load_idx %arg12[%broadcast_in_dim3A_754, %add3A_52, %broadcast_in_dim3A_755] : memref<4x32x128xf32, #tpu.memory_space<vmem>>[vector<16xi32>, vector<16xi32>, vector<16xi32>], vector<16xf32>,
      %mul3A_757 = arith.mulf %gather3A_752, %gather3A_756 : vector<16xf32>
      %add3A_758 = arith.addf %broadcast_in_dim3A_748, %mul3A_757 : vector<16xf32>
      %broadcast_in_dim3A_759 = arith.constant 2 : i32
      %broadcast_in_dim3A_760 = vector.broadcast %broadcast_in_dim3A_759 : i32 to vector<16xi32>
      %broadcast_in_dim3A_761 = vector.broadcast %and3A_742 : i32 to vector<16xi32>
      %gather3A_762 = tpu.vector_load_idx %arg11[%broadcast_in_dim3A_760, %add3A_55, %broadcast_in_dim3A_761] : memref<4x32x128xf32, #tpu.memory_space<vmem>>[vector<16xi32>, vector<16xi32>, vector<16xi32>], vector<16xf32>,
      %broadcast_in_dim3A_763 = arith.constant 2 : i32
      %broadcast_in_dim3A_764 = vector.broadcast %broadcast_in_dim3A_763 : i32 to vector<16xi32>
      %broadcast_in_dim3A_765 = vector.broadcast %and3A_746 : i32 to vector<16xi32>
      %gather3A_766 = tpu.vector_load_idx %arg12[%broadcast_in_dim3A_764, %add3A_55, %broadcast_in_dim3A_765] : memref<4x32x128xf32, #tpu.memory_space<vmem>>[vector<16xi32>, vector<16xi32>, vector<16xi32>], vector<16xf32>,
      %mul3A_767 = arith.mulf %gather3A_762, %gather3A_766 : vector<16xf32>
      %add3A_768 = arith.addf %add3A_758, %mul3A_767 : vector<16xf32>
      %swap3A_769 = arith.index_cast %add3A_697 : i32 to index
      %swap3A_770 = arith.constant 0 : index
      %swap3A_771 = tpu.vector_load %arg15[%swap3A_769, %swap3A_770] {strides = array<i32>} : memref<512x16xf32, #tpu.memory_space<vmem>>, vector<16xf32>,
      tpu.vector_store %arg15[%swap3A_769, %swap3A_770], %add3A_768 {strides = array<i32>} : memref<512x16xf32, #tpu.memory_space<vmem>>, vector<16xf32>,
      %add3A_772 = arith.constant 7 : i32
      %add3A_773 = arith.addi %mul3A_235, %add3A_772 : i32
      %slice3A_774 = vector.extract_strided_slice %get3A_237 {offsets = [10], sizes = [1], strides = [1]} : vector<16xi32> to vector<1xi32>
      %squeeze3A_775 = vector.extract %slice3A_774[0] : i32 from vector<1xi32>
      %slice3A_776 = vector.extract_strided_slice %get3A_239 {offsets = [10], sizes = [1], strides = [1]} : vector<16xi32> to vector<1xi32>
      %squeeze3A_777 = vector.extract %slice3A_776[0] : i32 from vector<1xi32>
      %add3A_778 = arith.constant 3 : i32
      %add3A_779 = arith.addi %add3A_773, %add3A_778 : i32
      %lt3A_780 = arith.constant 512 : i32
      %lt3A_781 = arith.cmpi slt, %add3A_779, %lt3A_780 : i32
      %convert_element_type3A_782 = arith.extui %lt3A_781 : i1 to i32
      %cond3A_783 = arith.constant 0 : i32
      %cond3A_784 = arith.cmpi ne, %convert_element_type3A_782, %cond3A_783 : i32
      scf.if %cond3A_784 {
        %shift_right_arithmetic3A_1456 = arith.constant 7 : i32
        %shift_right_arithmetic3A_1457 = arith.shrsi %squeeze3A_775, %shift_right_arithmetic3A_1456 : i32
        %mul3A_1458 = arith.constant 128 : i32
        %mul3A_1459 = arith.muli %shift_right_arithmetic3A_1457, %mul3A_1458 : i32
        %multiple_of3A_1460 = tpu.assume_multiple %mul3A_1459, 128 : i32
        %dma_start3A_1461 = arith.constant 2 : i32
        %dma_start3A_1462 = arith.constant 0 : i32
        %dma_start3A_1463 = arith.constant 0 : i32
        %dma_start3A_1464 = tpu.memref_slice %arg11[%dma_start3A_1461, %dma_start3A_1462, %dma_start3A_1463] : memref<4x32x128xf32, #tpu.memory_space<vmem>> -> memref<1x32x128xf32, #tpu.memory_space<vmem>>
        %dma_start3A_1465 = tpu.memref_squeeze %dma_start3A_1464 : memref<1x32x128xf32, #tpu.memory_space<vmem>> -> memref<32x128xf32, #tpu.memory_space<vmem>>
        %dma_start3A_1466 = arith.constant 0 : i32
        %dma_start3A_1467 = tpu.memref_slice %arg4[%dma_start3A_1466, %multiple_of3A_1460] : memref<32x1000000xf32, #tpu.memory_space<hbm>> -> memref<32x128xf32, #tpu.memory_space<hbm>>
        %dma_start3A_1468 = arith.constant 0 : i32
        %dma_start3A_1469 = arith.constant 0 : i32
        %dma_start3A_1470 = tpu.memref_slice %arg11[%dma_start3A_1461, %dma_start3A_1468, %dma_start3A_1469] : memref<4x32x128xf32, #tpu.memory_space<vmem>> -> memref<1x32x128xf32, #tpu.memory_space<vmem>>
        %dma_start3A_1471 = tpu.memref_squeeze %dma_start3A_1470 : memref<1x32x128xf32, #tpu.memory_space<vmem>> -> memref<32x128xf32, #tpu.memory_space<vmem>>
        %dma_start3A_1472 = arith.constant 0 : i32
        %dma_start3A_1473 = tpu.memref_slice %arg4[%dma_start3A_1472, %multiple_of3A_1460] : memref<32x1000000xf32, #tpu.memory_space<hbm>> -> memref<32x128xf32, #tpu.memory_space<hbm>>
        tpu.enqueue_dma source(%dma_start3A_1473 : memref<32x128xf32, #tpu.memory_space<hbm>>) target(%dma_start3A_1471 : memref<32x128xf32, #tpu.memory_space<vmem>>) target_semaphore(%arg17 : memref<!tpu.dma_semaphore, #tpu.memory_space<semaphore_mem>>)
        %shift_right_arithmetic3A_1474 = arith.constant 7 : i32
        %shift_right_arithmetic3A_1475 = arith.shrsi %squeeze3A_777, %shift_right_arithmetic3A_1474 : i32
        %mul3A_1476 = arith.constant 128 : i32
        %mul3A_1477 = arith.muli %shift_right_arithmetic3A_1475, %mul3A_1476 : i32
        %multiple_of3A_1478 = tpu.assume_multiple %mul3A_1477, 128 : i32
        %dma_start3A_1479 = arith.constant 2 : i32
        %dma_start3A_1480 = arith.constant 0 : i32
        %dma_start3A_1481 = arith.constant 0 : i32
        %dma_start3A_1482 = tpu.memref_slice %arg12[%dma_start3A_1479, %dma_start3A_1480, %dma_start3A_1481] : memref<4x32x128xf32, #tpu.memory_space<vmem>> -> memref<1x32x128xf32, #tpu.memory_space<vmem>>
        %dma_start3A_1483 = tpu.memref_squeeze %dma_start3A_1482 : memref<1x32x128xf32, #tpu.memory_space<vmem>> -> memref<32x128xf32, #tpu.memory_space<vmem>>
        %dma_start3A_1484 = arith.constant 0 : i32
        %dma_start3A_1485 = tpu.memref_slice %arg5[%dma_start3A_1484, %multiple_of3A_1478] : memref<32x1000000xf32, #tpu.memory_space<hbm>> -> memref<32x128xf32, #tpu.memory_space<hbm>>
        %dma_start3A_1486 = arith.constant 0 : i32
        %dma_start3A_1487 = arith.constant 0 : i32
        %dma_start3A_1488 = tpu.memref_slice %arg12[%dma_start3A_1479, %dma_start3A_1486, %dma_start3A_1487] : memref<4x32x128xf32, #tpu.memory_space<vmem>> -> memref<1x32x128xf32, #tpu.memory_space<vmem>>
        %dma_start3A_1489 = tpu.memref_squeeze %dma_start3A_1488 : memref<1x32x128xf32, #tpu.memory_space<vmem>> -> memref<32x128xf32, #tpu.memory_space<vmem>>
        %dma_start3A_1490 = arith.constant 0 : i32
        %dma_start3A_1491 = tpu.memref_slice %arg5[%dma_start3A_1490, %multiple_of3A_1478] : memref<32x1000000xf32, #tpu.memory_space<hbm>> -> memref<32x128xf32, #tpu.memory_space<hbm>>
        tpu.enqueue_dma source(%dma_start3A_1491 : memref<32x128xf32, #tpu.memory_space<hbm>>) target(%dma_start3A_1489 : memref<32x128xf32, #tpu.memory_space<vmem>>) target_semaphore(%arg17 : memref<!tpu.dma_semaphore, #tpu.memory_space<semaphore_mem>>)
      } else {
      }
      %dma_wait3A_785 = arith.constant 3 : i32
      %dma_wait3A_786 = arith.constant 0 : i32
      %dma_wait3A_787 = arith.constant 0 : i32
      %dma_wait3A_788 = tpu.memref_slice %arg11[%dma_wait3A_785, %dma_wait3A_786, %dma_wait3A_787] : memref<4x32x128xf32, #tpu.memory_space<vmem>> -> memref<1x32x128xf32, #tpu.memory_space<vmem>>
      %dma_wait3A_789 = tpu.memref_squeeze %dma_wait3A_788 : memref<1x32x128xf32, #tpu.memory_space<vmem>> -> memref<32x128xf32, #tpu.memory_space<vmem>>
      %dma_wait3A_790 = arith.constant 0 : i32
      %dma_wait3A_791 = arith.constant 0 : i32
      %dma_wait3A_792 = tpu.memref_slice %arg4[%dma_wait3A_790, %dma_wait3A_791] : memref<32x1000000xf32, #tpu.memory_space<hbm>> -> memref<32x128xf32, #tpu.memory_space<hbm>>
      %dma_wait3A_793 = arith.constant 0 : i32
      %dma_wait3A_794 = arith.constant 0 : i32
      %dma_wait3A_795 = tpu.memref_slice %arg11[%dma_wait3A_785, %dma_wait3A_793, %dma_wait3A_794] : memref<4x32x128xf32, #tpu.memory_space<vmem>> -> memref<1x32x128xf32, #tpu.memory_space<vmem>>
      %dma_wait3A_796 = tpu.memref_squeeze %dma_wait3A_795 : memref<1x32x128xf32, #tpu.memory_space<vmem>> -> memref<32x128xf32, #tpu.memory_space<vmem>>
      %dma_wait3A_797 = arith.constant 0 : i32
      %dma_wait3A_798 = arith.constant 0 : i32
      %dma_wait3A_799 = tpu.memref_slice %arg4[%dma_wait3A_797, %dma_wait3A_798] : memref<32x1000000xf32, #tpu.memory_space<hbm>> -> memref<32x128xf32, #tpu.memory_space<hbm>>
      tpu.wait_dma2 semaphore(%arg17 : memref<!tpu.dma_semaphore, #tpu.memory_space<semaphore_mem>>) src(%dma_wait3A_799 : memref<32x128xf32, #tpu.memory_space<hbm>>) dst(%dma_wait3A_796 : memref<32x128xf32, #tpu.memory_space<vmem>>)
      %dma_wait3A_800 = arith.constant 3 : i32
      %dma_wait3A_801 = arith.constant 0 : i32
      %dma_wait3A_802 = arith.constant 0 : i32
      %dma_wait3A_803 = tpu.memref_slice %arg12[%dma_wait3A_800, %dma_wait3A_801, %dma_wait3A_802] : memref<4x32x128xf32, #tpu.memory_space<vmem>> -> memref<1x32x128xf32, #tpu.memory_space<vmem>>
      %dma_wait3A_804 = tpu.memref_squeeze %dma_wait3A_803 : memref<1x32x128xf32, #tpu.memory_space<vmem>> -> memref<32x128xf32, #tpu.memory_space<vmem>>
      %dma_wait3A_805 = arith.constant 0 : i32
      %dma_wait3A_806 = arith.constant 0 : i32
      %dma_wait3A_807 = tpu.memref_slice %arg5[%dma_wait3A_805, %dma_wait3A_806] : memref<32x1000000xf32, #tpu.memory_space<hbm>> -> memref<32x128xf32, #tpu.memory_space<hbm>>
      %dma_wait3A_808 = arith.constant 0 : i32
      %dma_wait3A_809 = arith.constant 0 : i32
      %dma_wait3A_810 = tpu.memref_slice %arg12[%dma_wait3A_800, %dma_wait3A_808, %dma_wait3A_809] : memref<4x32x128xf32, #tpu.memory_space<vmem>> -> memref<1x32x128xf32, #tpu.memory_space<vmem>>
      %dma_wait3A_811 = tpu.memref_squeeze %dma_wait3A_810 : memref<1x32x128xf32, #tpu.memory_space<vmem>> -> memref<32x128xf32, #tpu.memory_space<vmem>>
      %dma_wait3A_812 = arith.constant 0 : i32
      %dma_wait3A_813 = arith.constant 0 : i32
      %dma_wait3A_814 = tpu.memref_slice %arg5[%dma_wait3A_812, %dma_wait3A_813] : memref<32x1000000xf32, #tpu.memory_space<hbm>> -> memref<32x128xf32, #tpu.memory_space<hbm>>
      tpu.wait_dma2 semaphore(%arg17 : memref<!tpu.dma_semaphore, #tpu.memory_space<semaphore_mem>>) src(%dma_wait3A_814 : memref<32x128xf32, #tpu.memory_space<hbm>>) dst(%dma_wait3A_811 : memref<32x128xf32, #tpu.memory_space<vmem>>)
      %slice3A_815 = vector.extract_strided_slice %get3A_237 {offsets = [7], sizes = [1], strides = [1]} : vector<16xi32> to vector<1xi32>
      %squeeze3A_816 = vector.extract %slice3A_815[0] : i32 from vector<1xi32>
      %and3A_817 = arith.constant 127 : i32
      %and3A_818 = arith.andi %squeeze3A_816, %and3A_817 : i32
      %slice3A_819 = vector.extract_strided_slice %get3A_239 {offsets = [7], sizes = [1], strides = [1]} : vector<16xi32> to vector<1xi32>
      %squeeze3A_820 = vector.extract %slice3A_819[0] : i32 from vector<1xi32>
      %and3A_821 = arith.constant 127 : i32
      %and3A_822 = arith.andi %squeeze3A_820, %and3A_821 : i32
      %broadcast_in_dim3A_823 = arith.constant 0.000000e+00 : f32
      %broadcast_in_dim3A_824 = vector.broadcast %broadcast_in_dim3A_823 : f32 to vector<16xf32>
      %broadcast_in_dim3A_825 = arith.constant 3 : i32
      %broadcast_in_dim3A_826 = vector.broadcast %broadcast_in_dim3A_825 : i32 to vector<16xi32>
      %broadcast_in_dim3A_827 = vector.broadcast %and3A_818 : i32 to vector<16xi32>
      %gather3A_828 = tpu.vector_load_idx %arg11[%broadcast_in_dim3A_826, %add3A_52, %broadcast_in_dim3A_827] : memref<4x32x128xf32, #tpu.memory_space<vmem>>[vector<16xi32>, vector<16xi32>, vector<16xi32>], vector<16xf32>,
      %broadcast_in_dim3A_829 = arith.constant 3 : i32
      %broadcast_in_dim3A_830 = vector.broadcast %broadcast_in_dim3A_829 : i32 to vector<16xi32>
      %broadcast_in_dim3A_831 = vector.broadcast %and3A_822 : i32 to vector<16xi32>
      %gather3A_832 = tpu.vector_load_idx %arg12[%broadcast_in_dim3A_830, %add3A_52, %broadcast_in_dim3A_831] : memref<4x32x128xf32, #tpu.memory_space<vmem>>[vector<16xi32>, vector<16xi32>, vector<16xi32>], vector<16xf32>,
      %mul3A_833 = arith.mulf %gather3A_828, %gather3A_832 : vector<16xf32>
      %add3A_834 = arith.addf %broadcast_in_dim3A_824, %mul3A_833 : vector<16xf32>
      %broadcast_in_dim3A_835 = arith.constant 3 : i32
      %broadcast_in_dim3A_836 = vector.broadcast %broadcast_in_dim3A_835 : i32 to vector<16xi32>
      %broadcast_in_dim3A_837 = vector.broadcast %and3A_818 : i32 to vector<16xi32>
      %gather3A_838 = tpu.vector_load_idx %arg11[%broadcast_in_dim3A_836, %add3A_55, %broadcast_in_dim3A_837] : memref<4x32x128xf32, #tpu.memory_space<vmem>>[vector<16xi32>, vector<16xi32>, vector<16xi32>], vector<16xf32>,
      %broadcast_in_dim3A_839 = arith.constant 3 : i32
      %broadcast_in_dim3A_840 = vector.broadcast %broadcast_in_dim3A_839 : i32 to vector<16xi32>
      %broadcast_in_dim3A_841 = vector.broadcast %and3A_822 : i32 to vector<16xi32>
      %gather3A_842 = tpu.vector_load_idx %arg12[%broadcast_in_dim3A_840, %add3A_55, %broadcast_in_dim3A_841] : memref<4x32x128xf32, #tpu.memory_space<vmem>>[vector<16xi32>, vector<16xi32>, vector<16xi32>], vector<16xf32>,
      %mul3A_843 = arith.mulf %gather3A_838, %gather3A_842 : vector<16xf32>
      %add3A_844 = arith.addf %add3A_834, %mul3A_843 : vector<16xf32>
      %swap3A_845 = arith.index_cast %add3A_773 : i32 to index
      %swap3A_846 = arith.constant 0 : index
      %swap3A_847 = tpu.vector_load %arg15[%swap3A_845, %swap3A_846] {strides = array<i32>} : memref<512x16xf32, #tpu.memory_space<vmem>>, vector<16xf32>,
      tpu.vector_store %arg15[%swap3A_845, %swap3A_846], %add3A_844 {strides = array<i32>} : memref<512x16xf32, #tpu.memory_space<vmem>>, vector<16xf32>,
      %add3A_848 = arith.constant 8 : i32
      %add3A_849 = arith.addi %mul3A_235, %add3A_848 : i32
      %slice3A_850 = vector.extract_strided_slice %get3A_237 {offsets = [11], sizes = [1], strides = [1]} : vector<16xi32> to vector<1xi32>
      %squeeze3A_851 = vector.extract %slice3A_850[0] : i32 from vector<1xi32>
      %slice3A_852 = vector.extract_strided_slice %get3A_239 {offsets = [11], sizes = [1], strides = [1]} : vector<16xi32> to vector<1xi32>
      %squeeze3A_853 = vector.extract %slice3A_852[0] : i32 from vector<1xi32>
      %add3A_854 = arith.constant 3 : i32
      %add3A_855 = arith.addi %add3A_849, %add3A_854 : i32
      %lt3A_856 = arith.constant 512 : i32
      %lt3A_857 = arith.cmpi slt, %add3A_855, %lt3A_856 : i32
      %convert_element_type3A_858 = arith.extui %lt3A_857 : i1 to i32
      %cond3A_859 = arith.constant 0 : i32
      %cond3A_860 = arith.cmpi ne, %convert_element_type3A_858, %cond3A_859 : i32
      scf.if %cond3A_860 {
        %shift_right_arithmetic3A_1456 = arith.constant 7 : i32
        %shift_right_arithmetic3A_1457 = arith.shrsi %squeeze3A_851, %shift_right_arithmetic3A_1456 : i32
        %mul3A_1458 = arith.constant 128 : i32
        %mul3A_1459 = arith.muli %shift_right_arithmetic3A_1457, %mul3A_1458 : i32
        %multiple_of3A_1460 = tpu.assume_multiple %mul3A_1459, 128 : i32
        %dma_start3A_1461 = arith.constant 3 : i32
        %dma_start3A_1462 = arith.constant 0 : i32
        %dma_start3A_1463 = arith.constant 0 : i32
        %dma_start3A_1464 = tpu.memref_slice %arg11[%dma_start3A_1461, %dma_start3A_1462, %dma_start3A_1463] : memref<4x32x128xf32, #tpu.memory_space<vmem>> -> memref<1x32x128xf32, #tpu.memory_space<vmem>>
        %dma_start3A_1465 = tpu.memref_squeeze %dma_start3A_1464 : memref<1x32x128xf32, #tpu.memory_space<vmem>> -> memref<32x128xf32, #tpu.memory_space<vmem>>
        %dma_start3A_1466 = arith.constant 0 : i32
        %dma_start3A_1467 = tpu.memref_slice %arg4[%dma_start3A_1466, %multiple_of3A_1460] : memref<32x1000000xf32, #tpu.memory_space<hbm>> -> memref<32x128xf32, #tpu.memory_space<hbm>>
        %dma_start3A_1468 = arith.constant 0 : i32
        %dma_start3A_1469 = arith.constant 0 : i32
        %dma_start3A_1470 = tpu.memref_slice %arg11[%dma_start3A_1461, %dma_start3A_1468, %dma_start3A_1469] : memref<4x32x128xf32, #tpu.memory_space<vmem>> -> memref<1x32x128xf32, #tpu.memory_space<vmem>>
        %dma_start3A_1471 = tpu.memref_squeeze %dma_start3A_1470 : memref<1x32x128xf32, #tpu.memory_space<vmem>> -> memref<32x128xf32, #tpu.memory_space<vmem>>
        %dma_start3A_1472 = arith.constant 0 : i32
        %dma_start3A_1473 = tpu.memref_slice %arg4[%dma_start3A_1472, %multiple_of3A_1460] : memref<32x1000000xf32, #tpu.memory_space<hbm>> -> memref<32x128xf32, #tpu.memory_space<hbm>>
        tpu.enqueue_dma source(%dma_start3A_1473 : memref<32x128xf32, #tpu.memory_space<hbm>>) target(%dma_start3A_1471 : memref<32x128xf32, #tpu.memory_space<vmem>>) target_semaphore(%arg17 : memref<!tpu.dma_semaphore, #tpu.memory_space<semaphore_mem>>)
        %shift_right_arithmetic3A_1474 = arith.constant 7 : i32
        %shift_right_arithmetic3A_1475 = arith.shrsi %squeeze3A_853, %shift_right_arithmetic3A_1474 : i32
        %mul3A_1476 = arith.constant 128 : i32
        %mul3A_1477 = arith.muli %shift_right_arithmetic3A_1475, %mul3A_1476 : i32
        %multiple_of3A_1478 = tpu.assume_multiple %mul3A_1477, 128 : i32
        %dma_start3A_1479 = arith.constant 3 : i32
        %dma_start3A_1480 = arith.constant 0 : i32
        %dma_start3A_1481 = arith.constant 0 : i32
        %dma_start3A_1482 = tpu.memref_slice %arg12[%dma_start3A_1479, %dma_start3A_1480, %dma_start3A_1481] : memref<4x32x128xf32, #tpu.memory_space<vmem>> -> memref<1x32x128xf32, #tpu.memory_space<vmem>>
        %dma_start3A_1483 = tpu.memref_squeeze %dma_start3A_1482 : memref<1x32x128xf32, #tpu.memory_space<vmem>> -> memref<32x128xf32, #tpu.memory_space<vmem>>
        %dma_start3A_1484 = arith.constant 0 : i32
        %dma_start3A_1485 = tpu.memref_slice %arg5[%dma_start3A_1484, %multiple_of3A_1478] : memref<32x1000000xf32, #tpu.memory_space<hbm>> -> memref<32x128xf32, #tpu.memory_space<hbm>>
        %dma_start3A_1486 = arith.constant 0 : i32
        %dma_start3A_1487 = arith.constant 0 : i32
        %dma_start3A_1488 = tpu.memref_slice %arg12[%dma_start3A_1479, %dma_start3A_1486, %dma_start3A_1487] : memref<4x32x128xf32, #tpu.memory_space<vmem>> -> memref<1x32x128xf32, #tpu.memory_space<vmem>>
        %dma_start3A_1489 = tpu.memref_squeeze %dma_start3A_1488 : memref<1x32x128xf32, #tpu.memory_space<vmem>> -> memref<32x128xf32, #tpu.memory_space<vmem>>
        %dma_start3A_1490 = arith.constant 0 : i32
        %dma_start3A_1491 = tpu.memref_slice %arg5[%dma_start3A_1490, %multiple_of3A_1478] : memref<32x1000000xf32, #tpu.memory_space<hbm>> -> memref<32x128xf32, #tpu.memory_space<hbm>>
        tpu.enqueue_dma source(%dma_start3A_1491 : memref<32x128xf32, #tpu.memory_space<hbm>>) target(%dma_start3A_1489 : memref<32x128xf32, #tpu.memory_space<vmem>>) target_semaphore(%arg17 : memref<!tpu.dma_semaphore, #tpu.memory_space<semaphore_mem>>)
      } else {
      }
      %dma_wait3A_861 = arith.constant 0 : i32
      %dma_wait3A_862 = arith.constant 0 : i32
      %dma_wait3A_863 = arith.constant 0 : i32
      %dma_wait3A_864 = tpu.memref_slice %arg11[%dma_wait3A_861, %dma_wait3A_862, %dma_wait3A_863] : memref<4x32x128xf32, #tpu.memory_space<vmem>> -> memref<1x32x128xf32, #tpu.memory_space<vmem>>
      %dma_wait3A_865 = tpu.memref_squeeze %dma_wait3A_864 : memref<1x32x128xf32, #tpu.memory_space<vmem>> -> memref<32x128xf32, #tpu.memory_space<vmem>>
      %dma_wait3A_866 = arith.constant 0 : i32
      %dma_wait3A_867 = arith.constant 0 : i32
      %dma_wait3A_868 = tpu.memref_slice %arg4[%dma_wait3A_866, %dma_wait3A_867] : memref<32x1000000xf32, #tpu.memory_space<hbm>> -> memref<32x128xf32, #tpu.memory_space<hbm>>
      %dma_wait3A_869 = arith.constant 0 : i32
      %dma_wait3A_870 = arith.constant 0 : i32
      %dma_wait3A_871 = tpu.memref_slice %arg11[%dma_wait3A_861, %dma_wait3A_869, %dma_wait3A_870] : memref<4x32x128xf32, #tpu.memory_space<vmem>> -> memref<1x32x128xf32, #tpu.memory_space<vmem>>
      %dma_wait3A_872 = tpu.memref_squeeze %dma_wait3A_871 : memref<1x32x128xf32, #tpu.memory_space<vmem>> -> memref<32x128xf32, #tpu.memory_space<vmem>>
      %dma_wait3A_873 = arith.constant 0 : i32
      %dma_wait3A_874 = arith.constant 0 : i32
      %dma_wait3A_875 = tpu.memref_slice %arg4[%dma_wait3A_873, %dma_wait3A_874] : memref<32x1000000xf32, #tpu.memory_space<hbm>> -> memref<32x128xf32, #tpu.memory_space<hbm>>
      tpu.wait_dma2 semaphore(%arg17 : memref<!tpu.dma_semaphore, #tpu.memory_space<semaphore_mem>>) src(%dma_wait3A_875 : memref<32x128xf32, #tpu.memory_space<hbm>>) dst(%dma_wait3A_872 : memref<32x128xf32, #tpu.memory_space<vmem>>)
      %dma_wait3A_876 = arith.constant 0 : i32
      %dma_wait3A_877 = arith.constant 0 : i32
      %dma_wait3A_878 = arith.constant 0 : i32
      %dma_wait3A_879 = tpu.memref_slice %arg12[%dma_wait3A_876, %dma_wait3A_877, %dma_wait3A_878] : memref<4x32x128xf32, #tpu.memory_space<vmem>> -> memref<1x32x128xf32, #tpu.memory_space<vmem>>
      %dma_wait3A_880 = tpu.memref_squeeze %dma_wait3A_879 : memref<1x32x128xf32, #tpu.memory_space<vmem>> -> memref<32x128xf32, #tpu.memory_space<vmem>>
      %dma_wait3A_881 = arith.constant 0 : i32
      %dma_wait3A_882 = arith.constant 0 : i32
      %dma_wait3A_883 = tpu.memref_slice %arg5[%dma_wait3A_881, %dma_wait3A_882] : memref<32x1000000xf32, #tpu.memory_space<hbm>> -> memref<32x128xf32, #tpu.memory_space<hbm>>
      %dma_wait3A_884 = arith.constant 0 : i32
      %dma_wait3A_885 = arith.constant 0 : i32
      %dma_wait3A_886 = tpu.memref_slice %arg12[%dma_wait3A_876, %dma_wait3A_884, %dma_wait3A_885] : memref<4x32x128xf32, #tpu.memory_space<vmem>> -> memref<1x32x128xf32, #tpu.memory_space<vmem>>
      %dma_wait3A_887 = tpu.memref_squeeze %dma_wait3A_886 : memref<1x32x128xf32, #tpu.memory_space<vmem>> -> memref<32x128xf32, #tpu.memory_space<vmem>>
      %dma_wait3A_888 = arith.constant 0 : i32
      %dma_wait3A_889 = arith.constant 0 : i32
      %dma_wait3A_890 = tpu.memref_slice %arg5[%dma_wait3A_888, %dma_wait3A_889] : memref<32x1000000xf32, #tpu.memory_space<hbm>> -> memref<32x128xf32, #tpu.memory_space<hbm>>
      tpu.wait_dma2 semaphore(%arg17 : memref<!tpu.dma_semaphore, #tpu.memory_space<semaphore_mem>>) src(%dma_wait3A_890 : memref<32x128xf32, #tpu.memory_space<hbm>>) dst(%dma_wait3A_887 : memref<32x128xf32, #tpu.memory_space<vmem>>)
      %slice3A_891 = vector.extract_strided_slice %get3A_237 {offsets = [8], sizes = [1], strides = [1]} : vector<16xi32> to vector<1xi32>
      %squeeze3A_892 = vector.extract %slice3A_891[0] : i32 from vector<1xi32>
      %and3A_893 = arith.constant 127 : i32
      %and3A_894 = arith.andi %squeeze3A_892, %and3A_893 : i32
      %slice3A_895 = vector.extract_strided_slice %get3A_239 {offsets = [8], sizes = [1], strides = [1]} : vector<16xi32> to vector<1xi32>
      %squeeze3A_896 = vector.extract %slice3A_895[0] : i32 from vector<1xi32>
      %and3A_897 = arith.constant 127 : i32
      %and3A_898 = arith.andi %squeeze3A_896, %and3A_897 : i32
      %broadcast_in_dim3A_899 = arith.constant 0.000000e+00 : f32
      %broadcast_in_dim3A_900 = vector.broadcast %broadcast_in_dim3A_899 : f32 to vector<16xf32>
      %broadcast_in_dim3A_901 = arith.constant 0 : i32
      %broadcast_in_dim3A_902 = vector.broadcast %broadcast_in_dim3A_901 : i32 to vector<16xi32>
      %broadcast_in_dim3A_903 = vector.broadcast %and3A_894 : i32 to vector<16xi32>
      %gather3A_904 = tpu.vector_load_idx %arg11[%broadcast_in_dim3A_902, %add3A_52, %broadcast_in_dim3A_903] : memref<4x32x128xf32, #tpu.memory_space<vmem>>[vector<16xi32>, vector<16xi32>, vector<16xi32>], vector<16xf32>,
      %broadcast_in_dim3A_905 = arith.constant 0 : i32
      %broadcast_in_dim3A_906 = vector.broadcast %broadcast_in_dim3A_905 : i32 to vector<16xi32>
      %broadcast_in_dim3A_907 = vector.broadcast %and3A_898 : i32 to vector<16xi32>
      %gather3A_908 = tpu.vector_load_idx %arg12[%broadcast_in_dim3A_906, %add3A_52, %broadcast_in_dim3A_907] : memref<4x32x128xf32, #tpu.memory_space<vmem>>[vector<16xi32>, vector<16xi32>, vector<16xi32>], vector<16xf32>,
      %mul3A_909 = arith.mulf %gather3A_904, %gather3A_908 : vector<16xf32>
      %add3A_910 = arith.addf %broadcast_in_dim3A_900, %mul3A_909 : vector<16xf32>
      %broadcast_in_dim3A_911 = arith.constant 0 : i32
      %broadcast_in_dim3A_912 = vector.broadcast %broadcast_in_dim3A_911 : i32 to vector<16xi32>
      %broadcast_in_dim3A_913 = vector.broadcast %and3A_894 : i32 to vector<16xi32>
      %gather3A_914 = tpu.vector_load_idx %arg11[%broadcast_in_dim3A_912, %add3A_55, %broadcast_in_dim3A_913] : memref<4x32x128xf32, #tpu.memory_space<vmem>>[vector<16xi32>, vector<16xi32>, vector<16xi32>], vector<16xf32>,
      %broadcast_in_dim3A_915 = arith.constant 0 : i32
      %broadcast_in_dim3A_916 = vector.broadcast %broadcast_in_dim3A_915 : i32 to vector<16xi32>
      %broadcast_in_dim3A_917 = vector.broadcast %and3A_898 : i32 to vector<16xi32>
      %gather3A_918 = tpu.vector_load_idx %arg12[%broadcast_in_dim3A_916, %add3A_55, %broadcast_in_dim3A_917] : memref<4x32x128xf32, #tpu.memory_space<vmem>>[vector<16xi32>, vector<16xi32>, vector<16xi32>], vector<16xf32>,
      %mul3A_919 = arith.mulf %gather3A_914, %gather3A_918 : vector<16xf32>
      %add3A_920 = arith.addf %add3A_910, %mul3A_919 : vector<16xf32>
      %swap3A_921 = arith.index_cast %add3A_849 : i32 to index
      %swap3A_922 = arith.constant 0 : index
      %swap3A_923 = tpu.vector_load %arg15[%swap3A_921, %swap3A_922] {strides = array<i32>} : memref<512x16xf32, #tpu.memory_space<vmem>>, vector<16xf32>,
      tpu.vector_store %arg15[%swap3A_921, %swap3A_922], %add3A_920 {strides = array<i32>} : memref<512x16xf32, #tpu.memory_space<vmem>>, vector<16xf32>,
      %add3A_924 = arith.constant 9 : i32
      %add3A_925 = arith.addi %mul3A_235, %add3A_924 : i32
      %slice3A_926 = vector.extract_strided_slice %get3A_237 {offsets = [12], sizes = [1], strides = [1]} : vector<16xi32> to vector<1xi32>
      %squeeze3A_927 = vector.extract %slice3A_926[0] : i32 from vector<1xi32>
      %slice3A_928 = vector.extract_strided_slice %get3A_239 {offsets = [12], sizes = [1], strides = [1]} : vector<16xi32> to vector<1xi32>
      %squeeze3A_929 = vector.extract %slice3A_928[0] : i32 from vector<1xi32>
      %add3A_930 = arith.constant 3 : i32
      %add3A_931 = arith.addi %add3A_925, %add3A_930 : i32
      %lt3A_932 = arith.constant 512 : i32
      %lt3A_933 = arith.cmpi slt, %add3A_931, %lt3A_932 : i32
      %convert_element_type3A_934 = arith.extui %lt3A_933 : i1 to i32
      %cond3A_935 = arith.constant 0 : i32
      %cond3A_936 = arith.cmpi ne, %convert_element_type3A_934, %cond3A_935 : i32
      scf.if %cond3A_936 {
        %shift_right_arithmetic3A_1456 = arith.constant 7 : i32
        %shift_right_arithmetic3A_1457 = arith.shrsi %squeeze3A_927, %shift_right_arithmetic3A_1456 : i32
        %mul3A_1458 = arith.constant 128 : i32
        %mul3A_1459 = arith.muli %shift_right_arithmetic3A_1457, %mul3A_1458 : i32
        %multiple_of3A_1460 = tpu.assume_multiple %mul3A_1459, 128 : i32
        %dma_start3A_1461 = arith.constant 0 : i32
        %dma_start3A_1462 = arith.constant 0 : i32
        %dma_start3A_1463 = arith.constant 0 : i32
        %dma_start3A_1464 = tpu.memref_slice %arg11[%dma_start3A_1461, %dma_start3A_1462, %dma_start3A_1463] : memref<4x32x128xf32, #tpu.memory_space<vmem>> -> memref<1x32x128xf32, #tpu.memory_space<vmem>>
        %dma_start3A_1465 = tpu.memref_squeeze %dma_start3A_1464 : memref<1x32x128xf32, #tpu.memory_space<vmem>> -> memref<32x128xf32, #tpu.memory_space<vmem>>
        %dma_start3A_1466 = arith.constant 0 : i32
        %dma_start3A_1467 = tpu.memref_slice %arg4[%dma_start3A_1466, %multiple_of3A_1460] : memref<32x1000000xf32, #tpu.memory_space<hbm>> -> memref<32x128xf32, #tpu.memory_space<hbm>>
        %dma_start3A_1468 = arith.constant 0 : i32
        %dma_start3A_1469 = arith.constant 0 : i32
        %dma_start3A_1470 = tpu.memref_slice %arg11[%dma_start3A_1461, %dma_start3A_1468, %dma_start3A_1469] : memref<4x32x128xf32, #tpu.memory_space<vmem>> -> memref<1x32x128xf32, #tpu.memory_space<vmem>>
        %dma_start3A_1471 = tpu.memref_squeeze %dma_start3A_1470 : memref<1x32x128xf32, #tpu.memory_space<vmem>> -> memref<32x128xf32, #tpu.memory_space<vmem>>
        %dma_start3A_1472 = arith.constant 0 : i32
        %dma_start3A_1473 = tpu.memref_slice %arg4[%dma_start3A_1472, %multiple_of3A_1460] : memref<32x1000000xf32, #tpu.memory_space<hbm>> -> memref<32x128xf32, #tpu.memory_space<hbm>>
        tpu.enqueue_dma source(%dma_start3A_1473 : memref<32x128xf32, #tpu.memory_space<hbm>>) target(%dma_start3A_1471 : memref<32x128xf32, #tpu.memory_space<vmem>>) target_semaphore(%arg17 : memref<!tpu.dma_semaphore, #tpu.memory_space<semaphore_mem>>)
        %shift_right_arithmetic3A_1474 = arith.constant 7 : i32
        %shift_right_arithmetic3A_1475 = arith.shrsi %squeeze3A_929, %shift_right_arithmetic3A_1474 : i32
        %mul3A_1476 = arith.constant 128 : i32
        %mul3A_1477 = arith.muli %shift_right_arithmetic3A_1475, %mul3A_1476 : i32
        %multiple_of3A_1478 = tpu.assume_multiple %mul3A_1477, 128 : i32
        %dma_start3A_1479 = arith.constant 0 : i32
        %dma_start3A_1480 = arith.constant 0 : i32
        %dma_start3A_1481 = arith.constant 0 : i32
        %dma_start3A_1482 = tpu.memref_slice %arg12[%dma_start3A_1479, %dma_start3A_1480, %dma_start3A_1481] : memref<4x32x128xf32, #tpu.memory_space<vmem>> -> memref<1x32x128xf32, #tpu.memory_space<vmem>>
        %dma_start3A_1483 = tpu.memref_squeeze %dma_start3A_1482 : memref<1x32x128xf32, #tpu.memory_space<vmem>> -> memref<32x128xf32, #tpu.memory_space<vmem>>
        %dma_start3A_1484 = arith.constant 0 : i32
        %dma_start3A_1485 = tpu.memref_slice %arg5[%dma_start3A_1484, %multiple_of3A_1478] : memref<32x1000000xf32, #tpu.memory_space<hbm>> -> memref<32x128xf32, #tpu.memory_space<hbm>>
        %dma_start3A_1486 = arith.constant 0 : i32
        %dma_start3A_1487 = arith.constant 0 : i32
        %dma_start3A_1488 = tpu.memref_slice %arg12[%dma_start3A_1479, %dma_start3A_1486, %dma_start3A_1487] : memref<4x32x128xf32, #tpu.memory_space<vmem>> -> memref<1x32x128xf32, #tpu.memory_space<vmem>>
        %dma_start3A_1489 = tpu.memref_squeeze %dma_start3A_1488 : memref<1x32x128xf32, #tpu.memory_space<vmem>> -> memref<32x128xf32, #tpu.memory_space<vmem>>
        %dma_start3A_1490 = arith.constant 0 : i32
        %dma_start3A_1491 = tpu.memref_slice %arg5[%dma_start3A_1490, %multiple_of3A_1478] : memref<32x1000000xf32, #tpu.memory_space<hbm>> -> memref<32x128xf32, #tpu.memory_space<hbm>>
        tpu.enqueue_dma source(%dma_start3A_1491 : memref<32x128xf32, #tpu.memory_space<hbm>>) target(%dma_start3A_1489 : memref<32x128xf32, #tpu.memory_space<vmem>>) target_semaphore(%arg17 : memref<!tpu.dma_semaphore, #tpu.memory_space<semaphore_mem>>)
      } else {
      }
      %dma_wait3A_937 = arith.constant 1 : i32
      %dma_wait3A_938 = arith.constant 0 : i32
      %dma_wait3A_939 = arith.constant 0 : i32
      %dma_wait3A_940 = tpu.memref_slice %arg11[%dma_wait3A_937, %dma_wait3A_938, %dma_wait3A_939] : memref<4x32x128xf32, #tpu.memory_space<vmem>> -> memref<1x32x128xf32, #tpu.memory_space<vmem>>
      %dma_wait3A_941 = tpu.memref_squeeze %dma_wait3A_940 : memref<1x32x128xf32, #tpu.memory_space<vmem>> -> memref<32x128xf32, #tpu.memory_space<vmem>>
      %dma_wait3A_942 = arith.constant 0 : i32
      %dma_wait3A_943 = arith.constant 0 : i32
      %dma_wait3A_944 = tpu.memref_slice %arg4[%dma_wait3A_942, %dma_wait3A_943] : memref<32x1000000xf32, #tpu.memory_space<hbm>> -> memref<32x128xf32, #tpu.memory_space<hbm>>
      %dma_wait3A_945 = arith.constant 0 : i32
      %dma_wait3A_946 = arith.constant 0 : i32
      %dma_wait3A_947 = tpu.memref_slice %arg11[%dma_wait3A_937, %dma_wait3A_945, %dma_wait3A_946] : memref<4x32x128xf32, #tpu.memory_space<vmem>> -> memref<1x32x128xf32, #tpu.memory_space<vmem>>
      %dma_wait3A_948 = tpu.memref_squeeze %dma_wait3A_947 : memref<1x32x128xf32, #tpu.memory_space<vmem>> -> memref<32x128xf32, #tpu.memory_space<vmem>>
      %dma_wait3A_949 = arith.constant 0 : i32
      %dma_wait3A_950 = arith.constant 0 : i32
      %dma_wait3A_951 = tpu.memref_slice %arg4[%dma_wait3A_949, %dma_wait3A_950] : memref<32x1000000xf32, #tpu.memory_space<hbm>> -> memref<32x128xf32, #tpu.memory_space<hbm>>
      tpu.wait_dma2 semaphore(%arg17 : memref<!tpu.dma_semaphore, #tpu.memory_space<semaphore_mem>>) src(%dma_wait3A_951 : memref<32x128xf32, #tpu.memory_space<hbm>>) dst(%dma_wait3A_948 : memref<32x128xf32, #tpu.memory_space<vmem>>)
      %dma_wait3A_952 = arith.constant 1 : i32
      %dma_wait3A_953 = arith.constant 0 : i32
      %dma_wait3A_954 = arith.constant 0 : i32
      %dma_wait3A_955 = tpu.memref_slice %arg12[%dma_wait3A_952, %dma_wait3A_953, %dma_wait3A_954] : memref<4x32x128xf32, #tpu.memory_space<vmem>> -> memref<1x32x128xf32, #tpu.memory_space<vmem>>
      %dma_wait3A_956 = tpu.memref_squeeze %dma_wait3A_955 : memref<1x32x128xf32, #tpu.memory_space<vmem>> -> memref<32x128xf32, #tpu.memory_space<vmem>>
      %dma_wait3A_957 = arith.constant 0 : i32
      %dma_wait3A_958 = arith.constant 0 : i32
      %dma_wait3A_959 = tpu.memref_slice %arg5[%dma_wait3A_957, %dma_wait3A_958] : memref<32x1000000xf32, #tpu.memory_space<hbm>> -> memref<32x128xf32, #tpu.memory_space<hbm>>
      %dma_wait3A_960 = arith.constant 0 : i32
      %dma_wait3A_961 = arith.constant 0 : i32
      %dma_wait3A_962 = tpu.memref_slice %arg12[%dma_wait3A_952, %dma_wait3A_960, %dma_wait3A_961] : memref<4x32x128xf32, #tpu.memory_space<vmem>> -> memref<1x32x128xf32, #tpu.memory_space<vmem>>
      %dma_wait3A_963 = tpu.memref_squeeze %dma_wait3A_962 : memref<1x32x128xf32, #tpu.memory_space<vmem>> -> memref<32x128xf32, #tpu.memory_space<vmem>>
      %dma_wait3A_964 = arith.constant 0 : i32
      %dma_wait3A_965 = arith.constant 0 : i32
      %dma_wait3A_966 = tpu.memref_slice %arg5[%dma_wait3A_964, %dma_wait3A_965] : memref<32x1000000xf32, #tpu.memory_space<hbm>> -> memref<32x128xf32, #tpu.memory_space<hbm>>
      tpu.wait_dma2 semaphore(%arg17 : memref<!tpu.dma_semaphore, #tpu.memory_space<semaphore_mem>>) src(%dma_wait3A_966 : memref<32x128xf32, #tpu.memory_space<hbm>>) dst(%dma_wait3A_963 : memref<32x128xf32, #tpu.memory_space<vmem>>)
      %slice3A_967 = vector.extract_strided_slice %get3A_237 {offsets = [9], sizes = [1], strides = [1]} : vector<16xi32> to vector<1xi32>
      %squeeze3A_968 = vector.extract %slice3A_967[0] : i32 from vector<1xi32>
      %and3A_969 = arith.constant 127 : i32
      %and3A_970 = arith.andi %squeeze3A_968, %and3A_969 : i32
      %slice3A_971 = vector.extract_strided_slice %get3A_239 {offsets = [9], sizes = [1], strides = [1]} : vector<16xi32> to vector<1xi32>
      %squeeze3A_972 = vector.extract %slice3A_971[0] : i32 from vector<1xi32>
      %and3A_973 = arith.constant 127 : i32
      %and3A_974 = arith.andi %squeeze3A_972, %and3A_973 : i32
      %broadcast_in_dim3A_975 = arith.constant 0.000000e+00 : f32
      %broadcast_in_dim3A_976 = vector.broadcast %broadcast_in_dim3A_975 : f32 to vector<16xf32>
      %broadcast_in_dim3A_977 = arith.constant 1 : i32
      %broadcast_in_dim3A_978 = vector.broadcast %broadcast_in_dim3A_977 : i32 to vector<16xi32>
      %broadcast_in_dim3A_979 = vector.broadcast %and3A_970 : i32 to vector<16xi32>
      %gather3A_980 = tpu.vector_load_idx %arg11[%broadcast_in_dim3A_978, %add3A_52, %broadcast_in_dim3A_979] : memref<4x32x128xf32, #tpu.memory_space<vmem>>[vector<16xi32>, vector<16xi32>, vector<16xi32>], vector<16xf32>,
      %broadcast_in_dim3A_981 = arith.constant 1 : i32
      %broadcast_in_dim3A_982 = vector.broadcast %broadcast_in_dim3A_981 : i32 to vector<16xi32>
      %broadcast_in_dim3A_983 = vector.broadcast %and3A_974 : i32 to vector<16xi32>
      %gather3A_984 = tpu.vector_load_idx %arg12[%broadcast_in_dim3A_982, %add3A_52, %broadcast_in_dim3A_983] : memref<4x32x128xf32, #tpu.memory_space<vmem>>[vector<16xi32>, vector<16xi32>, vector<16xi32>], vector<16xf32>,
      %mul3A_985 = arith.mulf %gather3A_980, %gather3A_984 : vector<16xf32>
      %add3A_986 = arith.addf %broadcast_in_dim3A_976, %mul3A_985 : vector<16xf32>
      %broadcast_in_dim3A_987 = arith.constant 1 : i32
      %broadcast_in_dim3A_988 = vector.broadcast %broadcast_in_dim3A_987 : i32 to vector<16xi32>
      %broadcast_in_dim3A_989 = vector.broadcast %and3A_970 : i32 to vector<16xi32>
      %gather3A_990 = tpu.vector_load_idx %arg11[%broadcast_in_dim3A_988, %add3A_55, %broadcast_in_dim3A_989] : memref<4x32x128xf32, #tpu.memory_space<vmem>>[vector<16xi32>, vector<16xi32>, vector<16xi32>], vector<16xf32>,
      %broadcast_in_dim3A_991 = arith.constant 1 : i32
      %broadcast_in_dim3A_992 = vector.broadcast %broadcast_in_dim3A_991 : i32 to vector<16xi32>
      %broadcast_in_dim3A_993 = vector.broadcast %and3A_974 : i32 to vector<16xi32>
      %gather3A_994 = tpu.vector_load_idx %arg12[%broadcast_in_dim3A_992, %add3A_55, %broadcast_in_dim3A_993] : memref<4x32x128xf32, #tpu.memory_space<vmem>>[vector<16xi32>, vector<16xi32>, vector<16xi32>], vector<16xf32>,
      %mul3A_995 = arith.mulf %gather3A_990, %gather3A_994 : vector<16xf32>
      %add3A_996 = arith.addf %add3A_986, %mul3A_995 : vector<16xf32>
      %swap3A_997 = arith.index_cast %add3A_925 : i32 to index
      %swap3A_998 = arith.constant 0 : index
      %swap3A_999 = tpu.vector_load %arg15[%swap3A_997, %swap3A_998] {strides = array<i32>} : memref<512x16xf32, #tpu.memory_space<vmem>>, vector<16xf32>,
      tpu.vector_store %arg15[%swap3A_997, %swap3A_998], %add3A_996 {strides = array<i32>} : memref<512x16xf32, #tpu.memory_space<vmem>>, vector<16xf32>,
      %add3A_1000 = arith.constant 10 : i32
      %add3A_1001 = arith.addi %mul3A_235, %add3A_1000 : i32
      %slice3A_1002 = vector.extract_strided_slice %get3A_237 {offsets = [13], sizes = [1], strides = [1]} : vector<16xi32> to vector<1xi32>
      %squeeze3A_1003 = vector.extract %slice3A_1002[0] : i32 from vector<1xi32>
      %slice3A_1004 = vector.extract_strided_slice %get3A_239 {offsets = [13], sizes = [1], strides = [1]} : vector<16xi32> to vector<1xi32>
      %squeeze3A_1005 = vector.extract %slice3A_1004[0] : i32 from vector<1xi32>
      %add3A_1006 = arith.constant 3 : i32
      %add3A_1007 = arith.addi %add3A_1001, %add3A_1006 : i32
      %lt3A_1008 = arith.constant 512 : i32
      %lt3A_1009 = arith.cmpi slt, %add3A_1007, %lt3A_1008 : i32
      %convert_element_type3A_1010 = arith.extui %lt3A_1009 : i1 to i32
      %cond3A_1011 = arith.constant 0 : i32
      %cond3A_1012 = arith.cmpi ne, %convert_element_type3A_1010, %cond3A_1011 : i32
      scf.if %cond3A_1012 {
        %shift_right_arithmetic3A_1456 = arith.constant 7 : i32
        %shift_right_arithmetic3A_1457 = arith.shrsi %squeeze3A_1003, %shift_right_arithmetic3A_1456 : i32
        %mul3A_1458 = arith.constant 128 : i32
        %mul3A_1459 = arith.muli %shift_right_arithmetic3A_1457, %mul3A_1458 : i32
        %multiple_of3A_1460 = tpu.assume_multiple %mul3A_1459, 128 : i32
        %dma_start3A_1461 = arith.constant 1 : i32
        %dma_start3A_1462 = arith.constant 0 : i32
        %dma_start3A_1463 = arith.constant 0 : i32
        %dma_start3A_1464 = tpu.memref_slice %arg11[%dma_start3A_1461, %dma_start3A_1462, %dma_start3A_1463] : memref<4x32x128xf32, #tpu.memory_space<vmem>> -> memref<1x32x128xf32, #tpu.memory_space<vmem>>
        %dma_start3A_1465 = tpu.memref_squeeze %dma_start3A_1464 : memref<1x32x128xf32, #tpu.memory_space<vmem>> -> memref<32x128xf32, #tpu.memory_space<vmem>>
        %dma_start3A_1466 = arith.constant 0 : i32
        %dma_start3A_1467 = tpu.memref_slice %arg4[%dma_start3A_1466, %multiple_of3A_1460] : memref<32x1000000xf32, #tpu.memory_space<hbm>> -> memref<32x128xf32, #tpu.memory_space<hbm>>
        %dma_start3A_1468 = arith.constant 0 : i32
        %dma_start3A_1469 = arith.constant 0 : i32
        %dma_start3A_1470 = tpu.memref_slice %arg11[%dma_start3A_1461, %dma_start3A_1468, %dma_start3A_1469] : memref<4x32x128xf32, #tpu.memory_space<vmem>> -> memref<1x32x128xf32, #tpu.memory_space<vmem>>
        %dma_start3A_1471 = tpu.memref_squeeze %dma_start3A_1470 : memref<1x32x128xf32, #tpu.memory_space<vmem>> -> memref<32x128xf32, #tpu.memory_space<vmem>>
        %dma_start3A_1472 = arith.constant 0 : i32
        %dma_start3A_1473 = tpu.memref_slice %arg4[%dma_start3A_1472, %multiple_of3A_1460] : memref<32x1000000xf32, #tpu.memory_space<hbm>> -> memref<32x128xf32, #tpu.memory_space<hbm>>
        tpu.enqueue_dma source(%dma_start3A_1473 : memref<32x128xf32, #tpu.memory_space<hbm>>) target(%dma_start3A_1471 : memref<32x128xf32, #tpu.memory_space<vmem>>) target_semaphore(%arg17 : memref<!tpu.dma_semaphore, #tpu.memory_space<semaphore_mem>>)
        %shift_right_arithmetic3A_1474 = arith.constant 7 : i32
        %shift_right_arithmetic3A_1475 = arith.shrsi %squeeze3A_1005, %shift_right_arithmetic3A_1474 : i32
        %mul3A_1476 = arith.constant 128 : i32
        %mul3A_1477 = arith.muli %shift_right_arithmetic3A_1475, %mul3A_1476 : i32
        %multiple_of3A_1478 = tpu.assume_multiple %mul3A_1477, 128 : i32
        %dma_start3A_1479 = arith.constant 1 : i32
        %dma_start3A_1480 = arith.constant 0 : i32
        %dma_start3A_1481 = arith.constant 0 : i32
        %dma_start3A_1482 = tpu.memref_slice %arg12[%dma_start3A_1479, %dma_start3A_1480, %dma_start3A_1481] : memref<4x32x128xf32, #tpu.memory_space<vmem>> -> memref<1x32x128xf32, #tpu.memory_space<vmem>>
        %dma_start3A_1483 = tpu.memref_squeeze %dma_start3A_1482 : memref<1x32x128xf32, #tpu.memory_space<vmem>> -> memref<32x128xf32, #tpu.memory_space<vmem>>
        %dma_start3A_1484 = arith.constant 0 : i32
        %dma_start3A_1485 = tpu.memref_slice %arg5[%dma_start3A_1484, %multiple_of3A_1478] : memref<32x1000000xf32, #tpu.memory_space<hbm>> -> memref<32x128xf32, #tpu.memory_space<hbm>>
        %dma_start3A_1486 = arith.constant 0 : i32
        %dma_start3A_1487 = arith.constant 0 : i32
        %dma_start3A_1488 = tpu.memref_slice %arg12[%dma_start3A_1479, %dma_start3A_1486, %dma_start3A_1487] : memref<4x32x128xf32, #tpu.memory_space<vmem>> -> memref<1x32x128xf32, #tpu.memory_space<vmem>>
        %dma_start3A_1489 = tpu.memref_squeeze %dma_start3A_1488 : memref<1x32x128xf32, #tpu.memory_space<vmem>> -> memref<32x128xf32, #tpu.memory_space<vmem>>
        %dma_start3A_1490 = arith.constant 0 : i32
        %dma_start3A_1491 = tpu.memref_slice %arg5[%dma_start3A_1490, %multiple_of3A_1478] : memref<32x1000000xf32, #tpu.memory_space<hbm>> -> memref<32x128xf32, #tpu.memory_space<hbm>>
        tpu.enqueue_dma source(%dma_start3A_1491 : memref<32x128xf32, #tpu.memory_space<hbm>>) target(%dma_start3A_1489 : memref<32x128xf32, #tpu.memory_space<vmem>>) target_semaphore(%arg17 : memref<!tpu.dma_semaphore, #tpu.memory_space<semaphore_mem>>)
      } else {
      }
      %dma_wait3A_1013 = arith.constant 2 : i32
      %dma_wait3A_1014 = arith.constant 0 : i32
      %dma_wait3A_1015 = arith.constant 0 : i32
      %dma_wait3A_1016 = tpu.memref_slice %arg11[%dma_wait3A_1013, %dma_wait3A_1014, %dma_wait3A_1015] : memref<4x32x128xf32, #tpu.memory_space<vmem>> -> memref<1x32x128xf32, #tpu.memory_space<vmem>>
      %dma_wait3A_1017 = tpu.memref_squeeze %dma_wait3A_1016 : memref<1x32x128xf32, #tpu.memory_space<vmem>> -> memref<32x128xf32, #tpu.memory_space<vmem>>
      %dma_wait3A_1018 = arith.constant 0 : i32
      %dma_wait3A_1019 = arith.constant 0 : i32
      %dma_wait3A_1020 = tpu.memref_slice %arg4[%dma_wait3A_1018, %dma_wait3A_1019] : memref<32x1000000xf32, #tpu.memory_space<hbm>> -> memref<32x128xf32, #tpu.memory_space<hbm>>
      %dma_wait3A_1021 = arith.constant 0 : i32
      %dma_wait3A_1022 = arith.constant 0 : i32
      %dma_wait3A_1023 = tpu.memref_slice %arg11[%dma_wait3A_1013, %dma_wait3A_1021, %dma_wait3A_1022] : memref<4x32x128xf32, #tpu.memory_space<vmem>> -> memref<1x32x128xf32, #tpu.memory_space<vmem>>
      %dma_wait3A_1024 = tpu.memref_squeeze %dma_wait3A_1023 : memref<1x32x128xf32, #tpu.memory_space<vmem>> -> memref<32x128xf32, #tpu.memory_space<vmem>>
      %dma_wait3A_1025 = arith.constant 0 : i32
      %dma_wait3A_1026 = arith.constant 0 : i32
      %dma_wait3A_1027 = tpu.memref_slice %arg4[%dma_wait3A_1025, %dma_wait3A_1026] : memref<32x1000000xf32, #tpu.memory_space<hbm>> -> memref<32x128xf32, #tpu.memory_space<hbm>>
      tpu.wait_dma2 semaphore(%arg17 : memref<!tpu.dma_semaphore, #tpu.memory_space<semaphore_mem>>) src(%dma_wait3A_1027 : memref<32x128xf32, #tpu.memory_space<hbm>>) dst(%dma_wait3A_1024 : memref<32x128xf32, #tpu.memory_space<vmem>>)
      %dma_wait3A_1028 = arith.constant 2 : i32
      %dma_wait3A_1029 = arith.constant 0 : i32
      %dma_wait3A_1030 = arith.constant 0 : i32
      %dma_wait3A_1031 = tpu.memref_slice %arg12[%dma_wait3A_1028, %dma_wait3A_1029, %dma_wait3A_1030] : memref<4x32x128xf32, #tpu.memory_space<vmem>> -> memref<1x32x128xf32, #tpu.memory_space<vmem>>
      %dma_wait3A_1032 = tpu.memref_squeeze %dma_wait3A_1031 : memref<1x32x128xf32, #tpu.memory_space<vmem>> -> memref<32x128xf32, #tpu.memory_space<vmem>>
      %dma_wait3A_1033 = arith.constant 0 : i32
      %dma_wait3A_1034 = arith.constant 0 : i32
      %dma_wait3A_1035 = tpu.memref_slice %arg5[%dma_wait3A_1033, %dma_wait3A_1034] : memref<32x1000000xf32, #tpu.memory_space<hbm>> -> memref<32x128xf32, #tpu.memory_space<hbm>>
      %dma_wait3A_1036 = arith.constant 0 : i32
      %dma_wait3A_1037 = arith.constant 0 : i32
      %dma_wait3A_1038 = tpu.memref_slice %arg12[%dma_wait3A_1028, %dma_wait3A_1036, %dma_wait3A_1037] : memref<4x32x128xf32, #tpu.memory_space<vmem>> -> memref<1x32x128xf32, #tpu.memory_space<vmem>>
      %dma_wait3A_1039 = tpu.memref_squeeze %dma_wait3A_1038 : memref<1x32x128xf32, #tpu.memory_space<vmem>> -> memref<32x128xf32, #tpu.memory_space<vmem>>
      %dma_wait3A_1040 = arith.constant 0 : i32
      %dma_wait3A_1041 = arith.constant 0 : i32
      %dma_wait3A_1042 = tpu.memref_slice %arg5[%dma_wait3A_1040, %dma_wait3A_1041] : memref<32x1000000xf32, #tpu.memory_space<hbm>> -> memref<32x128xf32, #tpu.memory_space<hbm>>
      tpu.wait_dma2 semaphore(%arg17 : memref<!tpu.dma_semaphore, #tpu.memory_space<semaphore_mem>>) src(%dma_wait3A_1042 : memref<32x128xf32, #tpu.memory_space<hbm>>) dst(%dma_wait3A_1039 : memref<32x128xf32, #tpu.memory_space<vmem>>)
      %slice3A_1043 = vector.extract_strided_slice %get3A_237 {offsets = [10], sizes = [1], strides = [1]} : vector<16xi32> to vector<1xi32>
      %squeeze3A_1044 = vector.extract %slice3A_1043[0] : i32 from vector<1xi32>
      %and3A_1045 = arith.constant 127 : i32
      %and3A_1046 = arith.andi %squeeze3A_1044, %and3A_1045 : i32
      %slice3A_1047 = vector.extract_strided_slice %get3A_239 {offsets = [10], sizes = [1], strides = [1]} : vector<16xi32> to vector<1xi32>
      %squeeze3A_1048 = vector.extract %slice3A_1047[0] : i32 from vector<1xi32>
      %and3A_1049 = arith.constant 127 : i32
      %and3A_1050 = arith.andi %squeeze3A_1048, %and3A_1049 : i32
      %broadcast_in_dim3A_1051 = arith.constant 0.000000e+00 : f32
      %broadcast_in_dim3A_1052 = vector.broadcast %broadcast_in_dim3A_1051 : f32 to vector<16xf32>
      %broadcast_in_dim3A_1053 = arith.constant 2 : i32
      %broadcast_in_dim3A_1054 = vector.broadcast %broadcast_in_dim3A_1053 : i32 to vector<16xi32>
      %broadcast_in_dim3A_1055 = vector.broadcast %and3A_1046 : i32 to vector<16xi32>
      %gather3A_1056 = tpu.vector_load_idx %arg11[%broadcast_in_dim3A_1054, %add3A_52, %broadcast_in_dim3A_1055] : memref<4x32x128xf32, #tpu.memory_space<vmem>>[vector<16xi32>, vector<16xi32>, vector<16xi32>], vector<16xf32>,
      %broadcast_in_dim3A_1057 = arith.constant 2 : i32
      %broadcast_in_dim3A_1058 = vector.broadcast %broadcast_in_dim3A_1057 : i32 to vector<16xi32>
      %broadcast_in_dim3A_1059 = vector.broadcast %and3A_1050 : i32 to vector<16xi32>
      %gather3A_1060 = tpu.vector_load_idx %arg12[%broadcast_in_dim3A_1058, %add3A_52, %broadcast_in_dim3A_1059] : memref<4x32x128xf32, #tpu.memory_space<vmem>>[vector<16xi32>, vector<16xi32>, vector<16xi32>], vector<16xf32>,
      %mul3A_1061 = arith.mulf %gather3A_1056, %gather3A_1060 : vector<16xf32>
      %add3A_1062 = arith.addf %broadcast_in_dim3A_1052, %mul3A_1061 : vector<16xf32>
      %broadcast_in_dim3A_1063 = arith.constant 2 : i32
      %broadcast_in_dim3A_1064 = vector.broadcast %broadcast_in_dim3A_1063 : i32 to vector<16xi32>
      %broadcast_in_dim3A_1065 = vector.broadcast %and3A_1046 : i32 to vector<16xi32>
      %gather3A_1066 = tpu.vector_load_idx %arg11[%broadcast_in_dim3A_1064, %add3A_55, %broadcast_in_dim3A_1065] : memref<4x32x128xf32, #tpu.memory_space<vmem>>[vector<16xi32>, vector<16xi32>, vector<16xi32>], vector<16xf32>,
      %broadcast_in_dim3A_1067 = arith.constant 2 : i32
      %broadcast_in_dim3A_1068 = vector.broadcast %broadcast_in_dim3A_1067 : i32 to vector<16xi32>
      %broadcast_in_dim3A_1069 = vector.broadcast %and3A_1050 : i32 to vector<16xi32>
      %gather3A_1070 = tpu.vector_load_idx %arg12[%broadcast_in_dim3A_1068, %add3A_55, %broadcast_in_dim3A_1069] : memref<4x32x128xf32, #tpu.memory_space<vmem>>[vector<16xi32>, vector<16xi32>, vector<16xi32>], vector<16xf32>,
      %mul3A_1071 = arith.mulf %gather3A_1066, %gather3A_1070 : vector<16xf32>
      %add3A_1072 = arith.addf %add3A_1062, %mul3A_1071 : vector<16xf32>
      %swap3A_1073 = arith.index_cast %add3A_1001 : i32 to index
      %swap3A_1074 = arith.constant 0 : index
      %swap3A_1075 = tpu.vector_load %arg15[%swap3A_1073, %swap3A_1074] {strides = array<i32>} : memref<512x16xf32, #tpu.memory_space<vmem>>, vector<16xf32>,
      tpu.vector_store %arg15[%swap3A_1073, %swap3A_1074], %add3A_1072 {strides = array<i32>} : memref<512x16xf32, #tpu.memory_space<vmem>>, vector<16xf32>,
      %add3A_1076 = arith.constant 11 : i32
      %add3A_1077 = arith.addi %mul3A_235, %add3A_1076 : i32
      %slice3A_1078 = vector.extract_strided_slice %get3A_237 {offsets = [14], sizes = [1], strides = [1]} : vector<16xi32> to vector<1xi32>
      %squeeze3A_1079 = vector.extract %slice3A_1078[0] : i32 from vector<1xi32>
      %slice3A_1080 = vector.extract_strided_slice %get3A_239 {offsets = [14], sizes = [1], strides = [1]} : vector<16xi32> to vector<1xi32>
      %squeeze3A_1081 = vector.extract %slice3A_1080[0] : i32 from vector<1xi32>
      %add3A_1082 = arith.constant 3 : i32
      %add3A_1083 = arith.addi %add3A_1077, %add3A_1082 : i32
      %lt3A_1084 = arith.constant 512 : i32
      %lt3A_1085 = arith.cmpi slt, %add3A_1083, %lt3A_1084 : i32
      %convert_element_type3A_1086 = arith.extui %lt3A_1085 : i1 to i32
      %cond3A_1087 = arith.constant 0 : i32
      %cond3A_1088 = arith.cmpi ne, %convert_element_type3A_1086, %cond3A_1087 : i32
      scf.if %cond3A_1088 {
        %shift_right_arithmetic3A_1456 = arith.constant 7 : i32
        %shift_right_arithmetic3A_1457 = arith.shrsi %squeeze3A_1079, %shift_right_arithmetic3A_1456 : i32
        %mul3A_1458 = arith.constant 128 : i32
        %mul3A_1459 = arith.muli %shift_right_arithmetic3A_1457, %mul3A_1458 : i32
        %multiple_of3A_1460 = tpu.assume_multiple %mul3A_1459, 128 : i32
        %dma_start3A_1461 = arith.constant 2 : i32
        %dma_start3A_1462 = arith.constant 0 : i32
        %dma_start3A_1463 = arith.constant 0 : i32
        %dma_start3A_1464 = tpu.memref_slice %arg11[%dma_start3A_1461, %dma_start3A_1462, %dma_start3A_1463] : memref<4x32x128xf32, #tpu.memory_space<vmem>> -> memref<1x32x128xf32, #tpu.memory_space<vmem>>
        %dma_start3A_1465 = tpu.memref_squeeze %dma_start3A_1464 : memref<1x32x128xf32, #tpu.memory_space<vmem>> -> memref<32x128xf32, #tpu.memory_space<vmem>>
        %dma_start3A_1466 = arith.constant 0 : i32
        %dma_start3A_1467 = tpu.memref_slice %arg4[%dma_start3A_1466, %multiple_of3A_1460] : memref<32x1000000xf32, #tpu.memory_space<hbm>> -> memref<32x128xf32, #tpu.memory_space<hbm>>
        %dma_start3A_1468 = arith.constant 0 : i32
        %dma_start3A_1469 = arith.constant 0 : i32
        %dma_start3A_1470 = tpu.memref_slice %arg11[%dma_start3A_1461, %dma_start3A_1468, %dma_start3A_1469] : memref<4x32x128xf32, #tpu.memory_space<vmem>> -> memref<1x32x128xf32, #tpu.memory_space<vmem>>
        %dma_start3A_1471 = tpu.memref_squeeze %dma_start3A_1470 : memref<1x32x128xf32, #tpu.memory_space<vmem>> -> memref<32x128xf32, #tpu.memory_space<vmem>>
        %dma_start3A_1472 = arith.constant 0 : i32
        %dma_start3A_1473 = tpu.memref_slice %arg4[%dma_start3A_1472, %multiple_of3A_1460] : memref<32x1000000xf32, #tpu.memory_space<hbm>> -> memref<32x128xf32, #tpu.memory_space<hbm>>
        tpu.enqueue_dma source(%dma_start3A_1473 : memref<32x128xf32, #tpu.memory_space<hbm>>) target(%dma_start3A_1471 : memref<32x128xf32, #tpu.memory_space<vmem>>) target_semaphore(%arg17 : memref<!tpu.dma_semaphore, #tpu.memory_space<semaphore_mem>>)
        %shift_right_arithmetic3A_1474 = arith.constant 7 : i32
        %shift_right_arithmetic3A_1475 = arith.shrsi %squeeze3A_1081, %shift_right_arithmetic3A_1474 : i32
        %mul3A_1476 = arith.constant 128 : i32
        %mul3A_1477 = arith.muli %shift_right_arithmetic3A_1475, %mul3A_1476 : i32
        %multiple_of3A_1478 = tpu.assume_multiple %mul3A_1477, 128 : i32
        %dma_start3A_1479 = arith.constant 2 : i32
        %dma_start3A_1480 = arith.constant 0 : i32
        %dma_start3A_1481 = arith.constant 0 : i32
        %dma_start3A_1482 = tpu.memref_slice %arg12[%dma_start3A_1479, %dma_start3A_1480, %dma_start3A_1481] : memref<4x32x128xf32, #tpu.memory_space<vmem>> -> memref<1x32x128xf32, #tpu.memory_space<vmem>>
        %dma_start3A_1483 = tpu.memref_squeeze %dma_start3A_1482 : memref<1x32x128xf32, #tpu.memory_space<vmem>> -> memref<32x128xf32, #tpu.memory_space<vmem>>
        %dma_start3A_1484 = arith.constant 0 : i32
        %dma_start3A_1485 = tpu.memref_slice %arg5[%dma_start3A_1484, %multiple_of3A_1478] : memref<32x1000000xf32, #tpu.memory_space<hbm>> -> memref<32x128xf32, #tpu.memory_space<hbm>>
        %dma_start3A_1486 = arith.constant 0 : i32
        %dma_start3A_1487 = arith.constant 0 : i32
        %dma_start3A_1488 = tpu.memref_slice %arg12[%dma_start3A_1479, %dma_start3A_1486, %dma_start3A_1487] : memref<4x32x128xf32, #tpu.memory_space<vmem>> -> memref<1x32x128xf32, #tpu.memory_space<vmem>>
        %dma_start3A_1489 = tpu.memref_squeeze %dma_start3A_1488 : memref<1x32x128xf32, #tpu.memory_space<vmem>> -> memref<32x128xf32, #tpu.memory_space<vmem>>
        %dma_start3A_1490 = arith.constant 0 : i32
        %dma_start3A_1491 = tpu.memref_slice %arg5[%dma_start3A_1490, %multiple_of3A_1478] : memref<32x1000000xf32, #tpu.memory_space<hbm>> -> memref<32x128xf32, #tpu.memory_space<hbm>>
        tpu.enqueue_dma source(%dma_start3A_1491 : memref<32x128xf32, #tpu.memory_space<hbm>>) target(%dma_start3A_1489 : memref<32x128xf32, #tpu.memory_space<vmem>>) target_semaphore(%arg17 : memref<!tpu.dma_semaphore, #tpu.memory_space<semaphore_mem>>)
      } else {
      }
      %dma_wait3A_1089 = arith.constant 3 : i32
      %dma_wait3A_1090 = arith.constant 0 : i32
      %dma_wait3A_1091 = arith.constant 0 : i32
      %dma_wait3A_1092 = tpu.memref_slice %arg11[%dma_wait3A_1089, %dma_wait3A_1090, %dma_wait3A_1091] : memref<4x32x128xf32, #tpu.memory_space<vmem>> -> memref<1x32x128xf32, #tpu.memory_space<vmem>>
      %dma_wait3A_1093 = tpu.memref_squeeze %dma_wait3A_1092 : memref<1x32x128xf32, #tpu.memory_space<vmem>> -> memref<32x128xf32, #tpu.memory_space<vmem>>
      %dma_wait3A_1094 = arith.constant 0 : i32
      %dma_wait3A_1095 = arith.constant 0 : i32
      %dma_wait3A_1096 = tpu.memref_slice %arg4[%dma_wait3A_1094, %dma_wait3A_1095] : memref<32x1000000xf32, #tpu.memory_space<hbm>> -> memref<32x128xf32, #tpu.memory_space<hbm>>
      %dma_wait3A_1097 = arith.constant 0 : i32
      %dma_wait3A_1098 = arith.constant 0 : i32
      %dma_wait3A_1099 = tpu.memref_slice %arg11[%dma_wait3A_1089, %dma_wait3A_1097, %dma_wait3A_1098] : memref<4x32x128xf32, #tpu.memory_space<vmem>> -> memref<1x32x128xf32, #tpu.memory_space<vmem>>
      %dma_wait3A_1100 = tpu.memref_squeeze %dma_wait3A_1099 : memref<1x32x128xf32, #tpu.memory_space<vmem>> -> memref<32x128xf32, #tpu.memory_space<vmem>>
      %dma_wait3A_1101 = arith.constant 0 : i32
      %dma_wait3A_1102 = arith.constant 0 : i32
      %dma_wait3A_1103 = tpu.memref_slice %arg4[%dma_wait3A_1101, %dma_wait3A_1102] : memref<32x1000000xf32, #tpu.memory_space<hbm>> -> memref<32x128xf32, #tpu.memory_space<hbm>>
      tpu.wait_dma2 semaphore(%arg17 : memref<!tpu.dma_semaphore, #tpu.memory_space<semaphore_mem>>) src(%dma_wait3A_1103 : memref<32x128xf32, #tpu.memory_space<hbm>>) dst(%dma_wait3A_1100 : memref<32x128xf32, #tpu.memory_space<vmem>>)
      %dma_wait3A_1104 = arith.constant 3 : i32
      %dma_wait3A_1105 = arith.constant 0 : i32
      %dma_wait3A_1106 = arith.constant 0 : i32
      %dma_wait3A_1107 = tpu.memref_slice %arg12[%dma_wait3A_1104, %dma_wait3A_1105, %dma_wait3A_1106] : memref<4x32x128xf32, #tpu.memory_space<vmem>> -> memref<1x32x128xf32, #tpu.memory_space<vmem>>
      %dma_wait3A_1108 = tpu.memref_squeeze %dma_wait3A_1107 : memref<1x32x128xf32, #tpu.memory_space<vmem>> -> memref<32x128xf32, #tpu.memory_space<vmem>>
      %dma_wait3A_1109 = arith.constant 0 : i32
      %dma_wait3A_1110 = arith.constant 0 : i32
      %dma_wait3A_1111 = tpu.memref_slice %arg5[%dma_wait3A_1109, %dma_wait3A_1110] : memref<32x1000000xf32, #tpu.memory_space<hbm>> -> memref<32x128xf32, #tpu.memory_space<hbm>>
      %dma_wait3A_1112 = arith.constant 0 : i32
      %dma_wait3A_1113 = arith.constant 0 : i32
      %dma_wait3A_1114 = tpu.memref_slice %arg12[%dma_wait3A_1104, %dma_wait3A_1112, %dma_wait3A_1113] : memref<4x32x128xf32, #tpu.memory_space<vmem>> -> memref<1x32x128xf32, #tpu.memory_space<vmem>>
      %dma_wait3A_1115 = tpu.memref_squeeze %dma_wait3A_1114 : memref<1x32x128xf32, #tpu.memory_space<vmem>> -> memref<32x128xf32, #tpu.memory_space<vmem>>
      %dma_wait3A_1116 = arith.constant 0 : i32
      %dma_wait3A_1117 = arith.constant 0 : i32
      %dma_wait3A_1118 = tpu.memref_slice %arg5[%dma_wait3A_1116, %dma_wait3A_1117] : memref<32x1000000xf32, #tpu.memory_space<hbm>> -> memref<32x128xf32, #tpu.memory_space<hbm>>
      tpu.wait_dma2 semaphore(%arg17 : memref<!tpu.dma_semaphore, #tpu.memory_space<semaphore_mem>>) src(%dma_wait3A_1118 : memref<32x128xf32, #tpu.memory_space<hbm>>) dst(%dma_wait3A_1115 : memref<32x128xf32, #tpu.memory_space<vmem>>)
      %slice3A_1119 = vector.extract_strided_slice %get3A_237 {offsets = [11], sizes = [1], strides = [1]} : vector<16xi32> to vector<1xi32>
      %squeeze3A_1120 = vector.extract %slice3A_1119[0] : i32 from vector<1xi32>
      %and3A_1121 = arith.constant 127 : i32
      %and3A_1122 = arith.andi %squeeze3A_1120, %and3A_1121 : i32
      %slice3A_1123 = vector.extract_strided_slice %get3A_239 {offsets = [11], sizes = [1], strides = [1]} : vector<16xi32> to vector<1xi32>
      %squeeze3A_1124 = vector.extract %slice3A_1123[0] : i32 from vector<1xi32>
      %and3A_1125 = arith.constant 127 : i32
      %and3A_1126 = arith.andi %squeeze3A_1124, %and3A_1125 : i32
      %broadcast_in_dim3A_1127 = arith.constant 0.000000e+00 : f32
      %broadcast_in_dim3A_1128 = vector.broadcast %broadcast_in_dim3A_1127 : f32 to vector<16xf32>
      %broadcast_in_dim3A_1129 = arith.constant 3 : i32
      %broadcast_in_dim3A_1130 = vector.broadcast %broadcast_in_dim3A_1129 : i32 to vector<16xi32>
      %broadcast_in_dim3A_1131 = vector.broadcast %and3A_1122 : i32 to vector<16xi32>
      %gather3A_1132 = tpu.vector_load_idx %arg11[%broadcast_in_dim3A_1130, %add3A_52, %broadcast_in_dim3A_1131] : memref<4x32x128xf32, #tpu.memory_space<vmem>>[vector<16xi32>, vector<16xi32>, vector<16xi32>], vector<16xf32>,
      %broadcast_in_dim3A_1133 = arith.constant 3 : i32
      %broadcast_in_dim3A_1134 = vector.broadcast %broadcast_in_dim3A_1133 : i32 to vector<16xi32>
      %broadcast_in_dim3A_1135 = vector.broadcast %and3A_1126 : i32 to vector<16xi32>
      %gather3A_1136 = tpu.vector_load_idx %arg12[%broadcast_in_dim3A_1134, %add3A_52, %broadcast_in_dim3A_1135] : memref<4x32x128xf32, #tpu.memory_space<vmem>>[vector<16xi32>, vector<16xi32>, vector<16xi32>], vector<16xf32>,
      %mul3A_1137 = arith.mulf %gather3A_1132, %gather3A_1136 : vector<16xf32>
      %add3A_1138 = arith.addf %broadcast_in_dim3A_1128, %mul3A_1137 : vector<16xf32>
      %broadcast_in_dim3A_1139 = arith.constant 3 : i32
      %broadcast_in_dim3A_1140 = vector.broadcast %broadcast_in_dim3A_1139 : i32 to vector<16xi32>
      %broadcast_in_dim3A_1141 = vector.broadcast %and3A_1122 : i32 to vector<16xi32>
      %gather3A_1142 = tpu.vector_load_idx %arg11[%broadcast_in_dim3A_1140, %add3A_55, %broadcast_in_dim3A_1141] : memref<4x32x128xf32, #tpu.memory_space<vmem>>[vector<16xi32>, vector<16xi32>, vector<16xi32>], vector<16xf32>,
      %broadcast_in_dim3A_1143 = arith.constant 3 : i32
      %broadcast_in_dim3A_1144 = vector.broadcast %broadcast_in_dim3A_1143 : i32 to vector<16xi32>
      %broadcast_in_dim3A_1145 = vector.broadcast %and3A_1126 : i32 to vector<16xi32>
      %gather3A_1146 = tpu.vector_load_idx %arg12[%broadcast_in_dim3A_1144, %add3A_55, %broadcast_in_dim3A_1145] : memref<4x32x128xf32, #tpu.memory_space<vmem>>[vector<16xi32>, vector<16xi32>, vector<16xi32>], vector<16xf32>,
      %mul3A_1147 = arith.mulf %gather3A_1142, %gather3A_1146 : vector<16xf32>
      %add3A_1148 = arith.addf %add3A_1138, %mul3A_1147 : vector<16xf32>
      %swap3A_1149 = arith.index_cast %add3A_1077 : i32 to index
      %swap3A_1150 = arith.constant 0 : index
      %swap3A_1151 = tpu.vector_load %arg15[%swap3A_1149, %swap3A_1150] {strides = array<i32>} : memref<512x16xf32, #tpu.memory_space<vmem>>, vector<16xf32>,
      tpu.vector_store %arg15[%swap3A_1149, %swap3A_1150], %add3A_1148 {strides = array<i32>} : memref<512x16xf32, #tpu.memory_space<vmem>>, vector<16xf32>,
      %add3A_1152 = arith.constant 12 : i32
      %add3A_1153 = arith.addi %mul3A_235, %add3A_1152 : i32
      %slice3A_1154 = vector.extract_strided_slice %get3A_237 {offsets = [15], sizes = [1], strides = [1]} : vector<16xi32> to vector<1xi32>
      %squeeze3A_1155 = vector.extract %slice3A_1154[0] : i32 from vector<1xi32>
      %slice3A_1156 = vector.extract_strided_slice %get3A_239 {offsets = [15], sizes = [1], strides = [1]} : vector<16xi32> to vector<1xi32>
      %squeeze3A_1157 = vector.extract %slice3A_1156[0] : i32 from vector<1xi32>
      %add3A_1158 = arith.constant 3 : i32
      %add3A_1159 = arith.addi %add3A_1153, %add3A_1158 : i32
      %lt3A_1160 = arith.constant 512 : i32
      %lt3A_1161 = arith.cmpi slt, %add3A_1159, %lt3A_1160 : i32
      %convert_element_type3A_1162 = arith.extui %lt3A_1161 : i1 to i32
      %cond3A_1163 = arith.constant 0 : i32
      %cond3A_1164 = arith.cmpi ne, %convert_element_type3A_1162, %cond3A_1163 : i32
      scf.if %cond3A_1164 {
        %shift_right_arithmetic3A_1456 = arith.constant 7 : i32
        %shift_right_arithmetic3A_1457 = arith.shrsi %squeeze3A_1155, %shift_right_arithmetic3A_1456 : i32
        %mul3A_1458 = arith.constant 128 : i32
        %mul3A_1459 = arith.muli %shift_right_arithmetic3A_1457, %mul3A_1458 : i32
        %multiple_of3A_1460 = tpu.assume_multiple %mul3A_1459, 128 : i32
        %dma_start3A_1461 = arith.constant 3 : i32
        %dma_start3A_1462 = arith.constant 0 : i32
        %dma_start3A_1463 = arith.constant 0 : i32
        %dma_start3A_1464 = tpu.memref_slice %arg11[%dma_start3A_1461, %dma_start3A_1462, %dma_start3A_1463] : memref<4x32x128xf32, #tpu.memory_space<vmem>> -> memref<1x32x128xf32, #tpu.memory_space<vmem>>
        %dma_start3A_1465 = tpu.memref_squeeze %dma_start3A_1464 : memref<1x32x128xf32, #tpu.memory_space<vmem>> -> memref<32x128xf32, #tpu.memory_space<vmem>>
        %dma_start3A_1466 = arith.constant 0 : i32
        %dma_start3A_1467 = tpu.memref_slice %arg4[%dma_start3A_1466, %multiple_of3A_1460] : memref<32x1000000xf32, #tpu.memory_space<hbm>> -> memref<32x128xf32, #tpu.memory_space<hbm>>
        %dma_start3A_1468 = arith.constant 0 : i32
        %dma_start3A_1469 = arith.constant 0 : i32
        %dma_start3A_1470 = tpu.memref_slice %arg11[%dma_start3A_1461, %dma_start3A_1468, %dma_start3A_1469] : memref<4x32x128xf32, #tpu.memory_space<vmem>> -> memref<1x32x128xf32, #tpu.memory_space<vmem>>
        %dma_start3A_1471 = tpu.memref_squeeze %dma_start3A_1470 : memref<1x32x128xf32, #tpu.memory_space<vmem>> -> memref<32x128xf32, #tpu.memory_space<vmem>>
        %dma_start3A_1472 = arith.constant 0 : i32
        %dma_start3A_1473 = tpu.memref_slice %arg4[%dma_start3A_1472, %multiple_of3A_1460] : memref<32x1000000xf32, #tpu.memory_space<hbm>> -> memref<32x128xf32, #tpu.memory_space<hbm>>
        tpu.enqueue_dma source(%dma_start3A_1473 : memref<32x128xf32, #tpu.memory_space<hbm>>) target(%dma_start3A_1471 : memref<32x128xf32, #tpu.memory_space<vmem>>) target_semaphore(%arg17 : memref<!tpu.dma_semaphore, #tpu.memory_space<semaphore_mem>>)
        %shift_right_arithmetic3A_1474 = arith.constant 7 : i32
        %shift_right_arithmetic3A_1475 = arith.shrsi %squeeze3A_1157, %shift_right_arithmetic3A_1474 : i32
        %mul3A_1476 = arith.constant 128 : i32
        %mul3A_1477 = arith.muli %shift_right_arithmetic3A_1475, %mul3A_1476 : i32
        %multiple_of3A_1478 = tpu.assume_multiple %mul3A_1477, 128 : i32
        %dma_start3A_1479 = arith.constant 3 : i32
        %dma_start3A_1480 = arith.constant 0 : i32
        %dma_start3A_1481 = arith.constant 0 : i32
        %dma_start3A_1482 = tpu.memref_slice %arg12[%dma_start3A_1479, %dma_start3A_1480, %dma_start3A_1481] : memref<4x32x128xf32, #tpu.memory_space<vmem>> -> memref<1x32x128xf32, #tpu.memory_space<vmem>>
        %dma_start3A_1483 = tpu.memref_squeeze %dma_start3A_1482 : memref<1x32x128xf32, #tpu.memory_space<vmem>> -> memref<32x128xf32, #tpu.memory_space<vmem>>
        %dma_start3A_1484 = arith.constant 0 : i32
        %dma_start3A_1485 = tpu.memref_slice %arg5[%dma_start3A_1484, %multiple_of3A_1478] : memref<32x1000000xf32, #tpu.memory_space<hbm>> -> memref<32x128xf32, #tpu.memory_space<hbm>>
        %dma_start3A_1486 = arith.constant 0 : i32
        %dma_start3A_1487 = arith.constant 0 : i32
        %dma_start3A_1488 = tpu.memref_slice %arg12[%dma_start3A_1479, %dma_start3A_1486, %dma_start3A_1487] : memref<4x32x128xf32, #tpu.memory_space<vmem>> -> memref<1x32x128xf32, #tpu.memory_space<vmem>>
        %dma_start3A_1489 = tpu.memref_squeeze %dma_start3A_1488 : memref<1x32x128xf32, #tpu.memory_space<vmem>> -> memref<32x128xf32, #tpu.memory_space<vmem>>
        %dma_start3A_1490 = arith.constant 0 : i32
        %dma_start3A_1491 = tpu.memref_slice %arg5[%dma_start3A_1490, %multiple_of3A_1478] : memref<32x1000000xf32, #tpu.memory_space<hbm>> -> memref<32x128xf32, #tpu.memory_space<hbm>>
        tpu.enqueue_dma source(%dma_start3A_1491 : memref<32x128xf32, #tpu.memory_space<hbm>>) target(%dma_start3A_1489 : memref<32x128xf32, #tpu.memory_space<vmem>>) target_semaphore(%arg17 : memref<!tpu.dma_semaphore, #tpu.memory_space<semaphore_mem>>)
      } else {
      }
      %dma_wait3A_1165 = arith.constant 0 : i32
      %dma_wait3A_1166 = arith.constant 0 : i32
      %dma_wait3A_1167 = arith.constant 0 : i32
      %dma_wait3A_1168 = tpu.memref_slice %arg11[%dma_wait3A_1165, %dma_wait3A_1166, %dma_wait3A_1167] : memref<4x32x128xf32, #tpu.memory_space<vmem>> -> memref<1x32x128xf32, #tpu.memory_space<vmem>>
      %dma_wait3A_1169 = tpu.memref_squeeze %dma_wait3A_1168 : memref<1x32x128xf32, #tpu.memory_space<vmem>> -> memref<32x128xf32, #tpu.memory_space<vmem>>
      %dma_wait3A_1170 = arith.constant 0 : i32
      %dma_wait3A_1171 = arith.constant 0 : i32
      %dma_wait3A_1172 = tpu.memref_slice %arg4[%dma_wait3A_1170, %dma_wait3A_1171] : memref<32x1000000xf32, #tpu.memory_space<hbm>> -> memref<32x128xf32, #tpu.memory_space<hbm>>
      %dma_wait3A_1173 = arith.constant 0 : i32
      %dma_wait3A_1174 = arith.constant 0 : i32
      %dma_wait3A_1175 = tpu.memref_slice %arg11[%dma_wait3A_1165, %dma_wait3A_1173, %dma_wait3A_1174] : memref<4x32x128xf32, #tpu.memory_space<vmem>> -> memref<1x32x128xf32, #tpu.memory_space<vmem>>
      %dma_wait3A_1176 = tpu.memref_squeeze %dma_wait3A_1175 : memref<1x32x128xf32, #tpu.memory_space<vmem>> -> memref<32x128xf32, #tpu.memory_space<vmem>>
      %dma_wait3A_1177 = arith.constant 0 : i32
      %dma_wait3A_1178 = arith.constant 0 : i32
      %dma_wait3A_1179 = tpu.memref_slice %arg4[%dma_wait3A_1177, %dma_wait3A_1178] : memref<32x1000000xf32, #tpu.memory_space<hbm>> -> memref<32x128xf32, #tpu.memory_space<hbm>>
      tpu.wait_dma2 semaphore(%arg17 : memref<!tpu.dma_semaphore, #tpu.memory_space<semaphore_mem>>) src(%dma_wait3A_1179 : memref<32x128xf32, #tpu.memory_space<hbm>>) dst(%dma_wait3A_1176 : memref<32x128xf32, #tpu.memory_space<vmem>>)
      %dma_wait3A_1180 = arith.constant 0 : i32
      %dma_wait3A_1181 = arith.constant 0 : i32
      %dma_wait3A_1182 = arith.constant 0 : i32
      %dma_wait3A_1183 = tpu.memref_slice %arg12[%dma_wait3A_1180, %dma_wait3A_1181, %dma_wait3A_1182] : memref<4x32x128xf32, #tpu.memory_space<vmem>> -> memref<1x32x128xf32, #tpu.memory_space<vmem>>
      %dma_wait3A_1184 = tpu.memref_squeeze %dma_wait3A_1183 : memref<1x32x128xf32, #tpu.memory_space<vmem>> -> memref<32x128xf32, #tpu.memory_space<vmem>>
      %dma_wait3A_1185 = arith.constant 0 : i32
      %dma_wait3A_1186 = arith.constant 0 : i32
      %dma_wait3A_1187 = tpu.memref_slice %arg5[%dma_wait3A_1185, %dma_wait3A_1186] : memref<32x1000000xf32, #tpu.memory_space<hbm>> -> memref<32x128xf32, #tpu.memory_space<hbm>>
      %dma_wait3A_1188 = arith.constant 0 : i32
      %dma_wait3A_1189 = arith.constant 0 : i32
      %dma_wait3A_1190 = tpu.memref_slice %arg12[%dma_wait3A_1180, %dma_wait3A_1188, %dma_wait3A_1189] : memref<4x32x128xf32, #tpu.memory_space<vmem>> -> memref<1x32x128xf32, #tpu.memory_space<vmem>>
      %dma_wait3A_1191 = tpu.memref_squeeze %dma_wait3A_1190 : memref<1x32x128xf32, #tpu.memory_space<vmem>> -> memref<32x128xf32, #tpu.memory_space<vmem>>
      %dma_wait3A_1192 = arith.constant 0 : i32
      %dma_wait3A_1193 = arith.constant 0 : i32
      %dma_wait3A_1194 = tpu.memref_slice %arg5[%dma_wait3A_1192, %dma_wait3A_1193] : memref<32x1000000xf32, #tpu.memory_space<hbm>> -> memref<32x128xf32, #tpu.memory_space<hbm>>
      tpu.wait_dma2 semaphore(%arg17 : memref<!tpu.dma_semaphore, #tpu.memory_space<semaphore_mem>>) src(%dma_wait3A_1194 : memref<32x128xf32, #tpu.memory_space<hbm>>) dst(%dma_wait3A_1191 : memref<32x128xf32, #tpu.memory_space<vmem>>)
      %slice3A_1195 = vector.extract_strided_slice %get3A_237 {offsets = [12], sizes = [1], strides = [1]} : vector<16xi32> to vector<1xi32>
      %squeeze3A_1196 = vector.extract %slice3A_1195[0] : i32 from vector<1xi32>
      %and3A_1197 = arith.constant 127 : i32
      %and3A_1198 = arith.andi %squeeze3A_1196, %and3A_1197 : i32
      %slice3A_1199 = vector.extract_strided_slice %get3A_239 {offsets = [12], sizes = [1], strides = [1]} : vector<16xi32> to vector<1xi32>
      %squeeze3A_1200 = vector.extract %slice3A_1199[0] : i32 from vector<1xi32>
      %and3A_1201 = arith.constant 127 : i32
      %and3A_1202 = arith.andi %squeeze3A_1200, %and3A_1201 : i32
      %broadcast_in_dim3A_1203 = arith.constant 0.000000e+00 : f32
      %broadcast_in_dim3A_1204 = vector.broadcast %broadcast_in_dim3A_1203 : f32 to vector<16xf32>
      %broadcast_in_dim3A_1205 = arith.constant 0 : i32
      %broadcast_in_dim3A_1206 = vector.broadcast %broadcast_in_dim3A_1205 : i32 to vector<16xi32>
      %broadcast_in_dim3A_1207 = vector.broadcast %and3A_1198 : i32 to vector<16xi32>
      %gather3A_1208 = tpu.vector_load_idx %arg11[%broadcast_in_dim3A_1206, %add3A_52, %broadcast_in_dim3A_1207] : memref<4x32x128xf32, #tpu.memory_space<vmem>>[vector<16xi32>, vector<16xi32>, vector<16xi32>], vector<16xf32>,
      %broadcast_in_dim3A_1209 = arith.constant 0 : i32
      %broadcast_in_dim3A_1210 = vector.broadcast %broadcast_in_dim3A_1209 : i32 to vector<16xi32>
      %broadcast_in_dim3A_1211 = vector.broadcast %and3A_1202 : i32 to vector<16xi32>
      %gather3A_1212 = tpu.vector_load_idx %arg12[%broadcast_in_dim3A_1210, %add3A_52, %broadcast_in_dim3A_1211] : memref<4x32x128xf32, #tpu.memory_space<vmem>>[vector<16xi32>, vector<16xi32>, vector<16xi32>], vector<16xf32>,
      %mul3A_1213 = arith.mulf %gather3A_1208, %gather3A_1212 : vector<16xf32>
      %add3A_1214 = arith.addf %broadcast_in_dim3A_1204, %mul3A_1213 : vector<16xf32>
      %broadcast_in_dim3A_1215 = arith.constant 0 : i32
      %broadcast_in_dim3A_1216 = vector.broadcast %broadcast_in_dim3A_1215 : i32 to vector<16xi32>
      %broadcast_in_dim3A_1217 = vector.broadcast %and3A_1198 : i32 to vector<16xi32>
      %gather3A_1218 = tpu.vector_load_idx %arg11[%broadcast_in_dim3A_1216, %add3A_55, %broadcast_in_dim3A_1217] : memref<4x32x128xf32, #tpu.memory_space<vmem>>[vector<16xi32>, vector<16xi32>, vector<16xi32>], vector<16xf32>,
      %broadcast_in_dim3A_1219 = arith.constant 0 : i32
      %broadcast_in_dim3A_1220 = vector.broadcast %broadcast_in_dim3A_1219 : i32 to vector<16xi32>
      %broadcast_in_dim3A_1221 = vector.broadcast %and3A_1202 : i32 to vector<16xi32>
      %gather3A_1222 = tpu.vector_load_idx %arg12[%broadcast_in_dim3A_1220, %add3A_55, %broadcast_in_dim3A_1221] : memref<4x32x128xf32, #tpu.memory_space<vmem>>[vector<16xi32>, vector<16xi32>, vector<16xi32>], vector<16xf32>,
      %mul3A_1223 = arith.mulf %gather3A_1218, %gather3A_1222 : vector<16xf32>
      %add3A_1224 = arith.addf %add3A_1214, %mul3A_1223 : vector<16xf32>
      %swap3A_1225 = arith.index_cast %add3A_1153 : i32 to index
      %swap3A_1226 = arith.constant 0 : index
      %swap3A_1227 = tpu.vector_load %arg15[%swap3A_1225, %swap3A_1226] {strides = array<i32>} : memref<512x16xf32, #tpu.memory_space<vmem>>, vector<16xf32>,
      tpu.vector_store %arg15[%swap3A_1225, %swap3A_1226], %add3A_1224 {strides = array<i32>} : memref<512x16xf32, #tpu.memory_space<vmem>>, vector<16xf32>,
      %add3A_1228 = arith.constant 13 : i32
      %add3A_1229 = arith.addi %mul3A_235, %add3A_1228 : i32
      %slice3A_1230 = vector.extract_strided_slice %get3A_244 {offsets = [0], sizes = [1], strides = [1]} : vector<16xi32> to vector<1xi32>
      %squeeze3A_1231 = vector.extract %slice3A_1230[0] : i32 from vector<1xi32>
      %slice3A_1232 = vector.extract_strided_slice %get3A_246 {offsets = [0], sizes = [1], strides = [1]} : vector<16xi32> to vector<1xi32>
      %squeeze3A_1233 = vector.extract %slice3A_1232[0] : i32 from vector<1xi32>
      %add3A_1234 = arith.constant 3 : i32
      %add3A_1235 = arith.addi %add3A_1229, %add3A_1234 : i32
      %lt3A_1236 = arith.constant 512 : i32
      %lt3A_1237 = arith.cmpi slt, %add3A_1235, %lt3A_1236 : i32
      %convert_element_type3A_1238 = arith.extui %lt3A_1237 : i1 to i32
      %cond3A_1239 = arith.constant 0 : i32
      %cond3A_1240 = arith.cmpi ne, %convert_element_type3A_1238, %cond3A_1239 : i32
      scf.if %cond3A_1240 {
        %shift_right_arithmetic3A_1456 = arith.constant 7 : i32
        %shift_right_arithmetic3A_1457 = arith.shrsi %squeeze3A_1231, %shift_right_arithmetic3A_1456 : i32
        %mul3A_1458 = arith.constant 128 : i32
        %mul3A_1459 = arith.muli %shift_right_arithmetic3A_1457, %mul3A_1458 : i32
        %multiple_of3A_1460 = tpu.assume_multiple %mul3A_1459, 128 : i32
        %dma_start3A_1461 = arith.constant 0 : i32
        %dma_start3A_1462 = arith.constant 0 : i32
        %dma_start3A_1463 = arith.constant 0 : i32
        %dma_start3A_1464 = tpu.memref_slice %arg11[%dma_start3A_1461, %dma_start3A_1462, %dma_start3A_1463] : memref<4x32x128xf32, #tpu.memory_space<vmem>> -> memref<1x32x128xf32, #tpu.memory_space<vmem>>
        %dma_start3A_1465 = tpu.memref_squeeze %dma_start3A_1464 : memref<1x32x128xf32, #tpu.memory_space<vmem>> -> memref<32x128xf32, #tpu.memory_space<vmem>>
        %dma_start3A_1466 = arith.constant 0 : i32
        %dma_start3A_1467 = tpu.memref_slice %arg4[%dma_start3A_1466, %multiple_of3A_1460] : memref<32x1000000xf32, #tpu.memory_space<hbm>> -> memref<32x128xf32, #tpu.memory_space<hbm>>
        %dma_start3A_1468 = arith.constant 0 : i32
        %dma_start3A_1469 = arith.constant 0 : i32
        %dma_start3A_1470 = tpu.memref_slice %arg11[%dma_start3A_1461, %dma_start3A_1468, %dma_start3A_1469] : memref<4x32x128xf32, #tpu.memory_space<vmem>> -> memref<1x32x128xf32, #tpu.memory_space<vmem>>
        %dma_start3A_1471 = tpu.memref_squeeze %dma_start3A_1470 : memref<1x32x128xf32, #tpu.memory_space<vmem>> -> memref<32x128xf32, #tpu.memory_space<vmem>>
        %dma_start3A_1472 = arith.constant 0 : i32
        %dma_start3A_1473 = tpu.memref_slice %arg4[%dma_start3A_1472, %multiple_of3A_1460] : memref<32x1000000xf32, #tpu.memory_space<hbm>> -> memref<32x128xf32, #tpu.memory_space<hbm>>
        tpu.enqueue_dma source(%dma_start3A_1473 : memref<32x128xf32, #tpu.memory_space<hbm>>) target(%dma_start3A_1471 : memref<32x128xf32, #tpu.memory_space<vmem>>) target_semaphore(%arg17 : memref<!tpu.dma_semaphore, #tpu.memory_space<semaphore_mem>>)
        %shift_right_arithmetic3A_1474 = arith.constant 7 : i32
        %shift_right_arithmetic3A_1475 = arith.shrsi %squeeze3A_1233, %shift_right_arithmetic3A_1474 : i32
        %mul3A_1476 = arith.constant 128 : i32
        %mul3A_1477 = arith.muli %shift_right_arithmetic3A_1475, %mul3A_1476 : i32
        %multiple_of3A_1478 = tpu.assume_multiple %mul3A_1477, 128 : i32
        %dma_start3A_1479 = arith.constant 0 : i32
        %dma_start3A_1480 = arith.constant 0 : i32
        %dma_start3A_1481 = arith.constant 0 : i32
        %dma_start3A_1482 = tpu.memref_slice %arg12[%dma_start3A_1479, %dma_start3A_1480, %dma_start3A_1481] : memref<4x32x128xf32, #tpu.memory_space<vmem>> -> memref<1x32x128xf32, #tpu.memory_space<vmem>>
        %dma_start3A_1483 = tpu.memref_squeeze %dma_start3A_1482 : memref<1x32x128xf32, #tpu.memory_space<vmem>> -> memref<32x128xf32, #tpu.memory_space<vmem>>
        %dma_start3A_1484 = arith.constant 0 : i32
        %dma_start3A_1485 = tpu.memref_slice %arg5[%dma_start3A_1484, %multiple_of3A_1478] : memref<32x1000000xf32, #tpu.memory_space<hbm>> -> memref<32x128xf32, #tpu.memory_space<hbm>>
        %dma_start3A_1486 = arith.constant 0 : i32
        %dma_start3A_1487 = arith.constant 0 : i32
        %dma_start3A_1488 = tpu.memref_slice %arg12[%dma_start3A_1479, %dma_start3A_1486, %dma_start3A_1487] : memref<4x32x128xf32, #tpu.memory_space<vmem>> -> memref<1x32x128xf32, #tpu.memory_space<vmem>>
        %dma_start3A_1489 = tpu.memref_squeeze %dma_start3A_1488 : memref<1x32x128xf32, #tpu.memory_space<vmem>> -> memref<32x128xf32, #tpu.memory_space<vmem>>
        %dma_start3A_1490 = arith.constant 0 : i32
        %dma_start3A_1491 = tpu.memref_slice %arg5[%dma_start3A_1490, %multiple_of3A_1478] : memref<32x1000000xf32, #tpu.memory_space<hbm>> -> memref<32x128xf32, #tpu.memory_space<hbm>>
        tpu.enqueue_dma source(%dma_start3A_1491 : memref<32x128xf32, #tpu.memory_space<hbm>>) target(%dma_start3A_1489 : memref<32x128xf32, #tpu.memory_space<vmem>>) target_semaphore(%arg17 : memref<!tpu.dma_semaphore, #tpu.memory_space<semaphore_mem>>)
      } else {
      }
      %dma_wait3A_1241 = arith.constant 1 : i32
      %dma_wait3A_1242 = arith.constant 0 : i32
      %dma_wait3A_1243 = arith.constant 0 : i32
      %dma_wait3A_1244 = tpu.memref_slice %arg11[%dma_wait3A_1241, %dma_wait3A_1242, %dma_wait3A_1243] : memref<4x32x128xf32, #tpu.memory_space<vmem>> -> memref<1x32x128xf32, #tpu.memory_space<vmem>>
      %dma_wait3A_1245 = tpu.memref_squeeze %dma_wait3A_1244 : memref<1x32x128xf32, #tpu.memory_space<vmem>> -> memref<32x128xf32, #tpu.memory_space<vmem>>
      %dma_wait3A_1246 = arith.constant 0 : i32
      %dma_wait3A_1247 = arith.constant 0 : i32
      %dma_wait3A_1248 = tpu.memref_slice %arg4[%dma_wait3A_1246, %dma_wait3A_1247] : memref<32x1000000xf32, #tpu.memory_space<hbm>> -> memref<32x128xf32, #tpu.memory_space<hbm>>
      %dma_wait3A_1249 = arith.constant 0 : i32
      %dma_wait3A_1250 = arith.constant 0 : i32
      %dma_wait3A_1251 = tpu.memref_slice %arg11[%dma_wait3A_1241, %dma_wait3A_1249, %dma_wait3A_1250] : memref<4x32x128xf32, #tpu.memory_space<vmem>> -> memref<1x32x128xf32, #tpu.memory_space<vmem>>
      %dma_wait3A_1252 = tpu.memref_squeeze %dma_wait3A_1251 : memref<1x32x128xf32, #tpu.memory_space<vmem>> -> memref<32x128xf32, #tpu.memory_space<vmem>>
      %dma_wait3A_1253 = arith.constant 0 : i32
      %dma_wait3A_1254 = arith.constant 0 : i32
      %dma_wait3A_1255 = tpu.memref_slice %arg4[%dma_wait3A_1253, %dma_wait3A_1254] : memref<32x1000000xf32, #tpu.memory_space<hbm>> -> memref<32x128xf32, #tpu.memory_space<hbm>>
      tpu.wait_dma2 semaphore(%arg17 : memref<!tpu.dma_semaphore, #tpu.memory_space<semaphore_mem>>) src(%dma_wait3A_1255 : memref<32x128xf32, #tpu.memory_space<hbm>>) dst(%dma_wait3A_1252 : memref<32x128xf32, #tpu.memory_space<vmem>>)
      %dma_wait3A_1256 = arith.constant 1 : i32
      %dma_wait3A_1257 = arith.constant 0 : i32
      %dma_wait3A_1258 = arith.constant 0 : i32
      %dma_wait3A_1259 = tpu.memref_slice %arg12[%dma_wait3A_1256, %dma_wait3A_1257, %dma_wait3A_1258] : memref<4x32x128xf32, #tpu.memory_space<vmem>> -> memref<1x32x128xf32, #tpu.memory_space<vmem>>
      %dma_wait3A_1260 = tpu.memref_squeeze %dma_wait3A_1259 : memref<1x32x128xf32, #tpu.memory_space<vmem>> -> memref<32x128xf32, #tpu.memory_space<vmem>>
      %dma_wait3A_1261 = arith.constant 0 : i32
      %dma_wait3A_1262 = arith.constant 0 : i32
      %dma_wait3A_1263 = tpu.memref_slice %arg5[%dma_wait3A_1261, %dma_wait3A_1262] : memref<32x1000000xf32, #tpu.memory_space<hbm>> -> memref<32x128xf32, #tpu.memory_space<hbm>>
      %dma_wait3A_1264 = arith.constant 0 : i32
      %dma_wait3A_1265 = arith.constant 0 : i32
      %dma_wait3A_1266 = tpu.memref_slice %arg12[%dma_wait3A_1256, %dma_wait3A_1264, %dma_wait3A_1265] : memref<4x32x128xf32, #tpu.memory_space<vmem>> -> memref<1x32x128xf32, #tpu.memory_space<vmem>>
      %dma_wait3A_1267 = tpu.memref_squeeze %dma_wait3A_1266 : memref<1x32x128xf32, #tpu.memory_space<vmem>> -> memref<32x128xf32, #tpu.memory_space<vmem>>
      %dma_wait3A_1268 = arith.constant 0 : i32
      %dma_wait3A_1269 = arith.constant 0 : i32
      %dma_wait3A_1270 = tpu.memref_slice %arg5[%dma_wait3A_1268, %dma_wait3A_1269] : memref<32x1000000xf32, #tpu.memory_space<hbm>> -> memref<32x128xf32, #tpu.memory_space<hbm>>
      tpu.wait_dma2 semaphore(%arg17 : memref<!tpu.dma_semaphore, #tpu.memory_space<semaphore_mem>>) src(%dma_wait3A_1270 : memref<32x128xf32, #tpu.memory_space<hbm>>) dst(%dma_wait3A_1267 : memref<32x128xf32, #tpu.memory_space<vmem>>)
      %slice3A_1271 = vector.extract_strided_slice %get3A_237 {offsets = [13], sizes = [1], strides = [1]} : vector<16xi32> to vector<1xi32>
      %squeeze3A_1272 = vector.extract %slice3A_1271[0] : i32 from vector<1xi32>
      %and3A_1273 = arith.constant 127 : i32
      %and3A_1274 = arith.andi %squeeze3A_1272, %and3A_1273 : i32
      %slice3A_1275 = vector.extract_strided_slice %get3A_239 {offsets = [13], sizes = [1], strides = [1]} : vector<16xi32> to vector<1xi32>
      %squeeze3A_1276 = vector.extract %slice3A_1275[0] : i32 from vector<1xi32>
      %and3A_1277 = arith.constant 127 : i32
      %and3A_1278 = arith.andi %squeeze3A_1276, %and3A_1277 : i32
      %broadcast_in_dim3A_1279 = arith.constant 0.000000e+00 : f32
      %broadcast_in_dim3A_1280 = vector.broadcast %broadcast_in_dim3A_1279 : f32 to vector<16xf32>
      %broadcast_in_dim3A_1281 = arith.constant 1 : i32
      %broadcast_in_dim3A_1282 = vector.broadcast %broadcast_in_dim3A_1281 : i32 to vector<16xi32>
      %broadcast_in_dim3A_1283 = vector.broadcast %and3A_1274 : i32 to vector<16xi32>
      %gather3A_1284 = tpu.vector_load_idx %arg11[%broadcast_in_dim3A_1282, %add3A_52, %broadcast_in_dim3A_1283] : memref<4x32x128xf32, #tpu.memory_space<vmem>>[vector<16xi32>, vector<16xi32>, vector<16xi32>], vector<16xf32>,
      %broadcast_in_dim3A_1285 = arith.constant 1 : i32
      %broadcast_in_dim3A_1286 = vector.broadcast %broadcast_in_dim3A_1285 : i32 to vector<16xi32>
      %broadcast_in_dim3A_1287 = vector.broadcast %and3A_1278 : i32 to vector<16xi32>
      %gather3A_1288 = tpu.vector_load_idx %arg12[%broadcast_in_dim3A_1286, %add3A_52, %broadcast_in_dim3A_1287] : memref<4x32x128xf32, #tpu.memory_space<vmem>>[vector<16xi32>, vector<16xi32>, vector<16xi32>], vector<16xf32>,
      %mul3A_1289 = arith.mulf %gather3A_1284, %gather3A_1288 : vector<16xf32>
      %add3A_1290 = arith.addf %broadcast_in_dim3A_1280, %mul3A_1289 : vector<16xf32>
      %broadcast_in_dim3A_1291 = arith.constant 1 : i32
      %broadcast_in_dim3A_1292 = vector.broadcast %broadcast_in_dim3A_1291 : i32 to vector<16xi32>
      %broadcast_in_dim3A_1293 = vector.broadcast %and3A_1274 : i32 to vector<16xi32>
      %gather3A_1294 = tpu.vector_load_idx %arg11[%broadcast_in_dim3A_1292, %add3A_55, %broadcast_in_dim3A_1293] : memref<4x32x128xf32, #tpu.memory_space<vmem>>[vector<16xi32>, vector<16xi32>, vector<16xi32>], vector<16xf32>,
      %broadcast_in_dim3A_1295 = arith.constant 1 : i32
      %broadcast_in_dim3A_1296 = vector.broadcast %broadcast_in_dim3A_1295 : i32 to vector<16xi32>
      %broadcast_in_dim3A_1297 = vector.broadcast %and3A_1278 : i32 to vector<16xi32>
      %gather3A_1298 = tpu.vector_load_idx %arg12[%broadcast_in_dim3A_1296, %add3A_55, %broadcast_in_dim3A_1297] : memref<4x32x128xf32, #tpu.memory_space<vmem>>[vector<16xi32>, vector<16xi32>, vector<16xi32>], vector<16xf32>,
      %mul3A_1299 = arith.mulf %gather3A_1294, %gather3A_1298 : vector<16xf32>
      %add3A_1300 = arith.addf %add3A_1290, %mul3A_1299 : vector<16xf32>
      %swap3A_1301 = arith.index_cast %add3A_1229 : i32 to index
      %swap3A_1302 = arith.constant 0 : index
      %swap3A_1303 = tpu.vector_load %arg15[%swap3A_1301, %swap3A_1302] {strides = array<i32>} : memref<512x16xf32, #tpu.memory_space<vmem>>, vector<16xf32>,
      tpu.vector_store %arg15[%swap3A_1301, %swap3A_1302], %add3A_1300 {strides = array<i32>} : memref<512x16xf32, #tpu.memory_space<vmem>>, vector<16xf32>,
      %add3A_1304 = arith.constant 14 : i32
      %add3A_1305 = arith.addi %mul3A_235, %add3A_1304 : i32
      %slice3A_1306 = vector.extract_strided_slice %get3A_244 {offsets = [1], sizes = [1], strides = [1]} : vector<16xi32> to vector<1xi32>
      %squeeze3A_1307 = vector.extract %slice3A_1306[0] : i32 from vector<1xi32>
      %slice3A_1308 = vector.extract_strided_slice %get3A_246 {offsets = [1], sizes = [1], strides = [1]} : vector<16xi32> to vector<1xi32>
      %squeeze3A_1309 = vector.extract %slice3A_1308[0] : i32 from vector<1xi32>
      %add3A_1310 = arith.constant 3 : i32
      %add3A_1311 = arith.addi %add3A_1305, %add3A_1310 : i32
      %lt3A_1312 = arith.constant 512 : i32
      %lt3A_1313 = arith.cmpi slt, %add3A_1311, %lt3A_1312 : i32
      %convert_element_type3A_1314 = arith.extui %lt3A_1313 : i1 to i32
      %cond3A_1315 = arith.constant 0 : i32
      %cond3A_1316 = arith.cmpi ne, %convert_element_type3A_1314, %cond3A_1315 : i32
      scf.if %cond3A_1316 {
        %shift_right_arithmetic3A_1456 = arith.constant 7 : i32
        %shift_right_arithmetic3A_1457 = arith.shrsi %squeeze3A_1307, %shift_right_arithmetic3A_1456 : i32
        %mul3A_1458 = arith.constant 128 : i32
        %mul3A_1459 = arith.muli %shift_right_arithmetic3A_1457, %mul3A_1458 : i32
        %multiple_of3A_1460 = tpu.assume_multiple %mul3A_1459, 128 : i32
        %dma_start3A_1461 = arith.constant 1 : i32
        %dma_start3A_1462 = arith.constant 0 : i32
        %dma_start3A_1463 = arith.constant 0 : i32
        %dma_start3A_1464 = tpu.memref_slice %arg11[%dma_start3A_1461, %dma_start3A_1462, %dma_start3A_1463] : memref<4x32x128xf32, #tpu.memory_space<vmem>> -> memref<1x32x128xf32, #tpu.memory_space<vmem>>
        %dma_start3A_1465 = tpu.memref_squeeze %dma_start3A_1464 : memref<1x32x128xf32, #tpu.memory_space<vmem>> -> memref<32x128xf32, #tpu.memory_space<vmem>>
        %dma_start3A_1466 = arith.constant 0 : i32
        %dma_start3A_1467 = tpu.memref_slice %arg4[%dma_start3A_1466, %multiple_of3A_1460] : memref<32x1000000xf32, #tpu.memory_space<hbm>> -> memref<32x128xf32, #tpu.memory_space<hbm>>
        %dma_start3A_1468 = arith.constant 0 : i32
        %dma_start3A_1469 = arith.constant 0 : i32
        %dma_start3A_1470 = tpu.memref_slice %arg11[%dma_start3A_1461, %dma_start3A_1468, %dma_start3A_1469] : memref<4x32x128xf32, #tpu.memory_space<vmem>> -> memref<1x32x128xf32, #tpu.memory_space<vmem>>
        %dma_start3A_1471 = tpu.memref_squeeze %dma_start3A_1470 : memref<1x32x128xf32, #tpu.memory_space<vmem>> -> memref<32x128xf32, #tpu.memory_space<vmem>>
        %dma_start3A_1472 = arith.constant 0 : i32
        %dma_start3A_1473 = tpu.memref_slice %arg4[%dma_start3A_1472, %multiple_of3A_1460] : memref<32x1000000xf32, #tpu.memory_space<hbm>> -> memref<32x128xf32, #tpu.memory_space<hbm>>
        tpu.enqueue_dma source(%dma_start3A_1473 : memref<32x128xf32, #tpu.memory_space<hbm>>) target(%dma_start3A_1471 : memref<32x128xf32, #tpu.memory_space<vmem>>) target_semaphore(%arg17 : memref<!tpu.dma_semaphore, #tpu.memory_space<semaphore_mem>>)
        %shift_right_arithmetic3A_1474 = arith.constant 7 : i32
        %shift_right_arithmetic3A_1475 = arith.shrsi %squeeze3A_1309, %shift_right_arithmetic3A_1474 : i32
        %mul3A_1476 = arith.constant 128 : i32
        %mul3A_1477 = arith.muli %shift_right_arithmetic3A_1475, %mul3A_1476 : i32
        %multiple_of3A_1478 = tpu.assume_multiple %mul3A_1477, 128 : i32
        %dma_start3A_1479 = arith.constant 1 : i32
        %dma_start3A_1480 = arith.constant 0 : i32
        %dma_start3A_1481 = arith.constant 0 : i32
        %dma_start3A_1482 = tpu.memref_slice %arg12[%dma_start3A_1479, %dma_start3A_1480, %dma_start3A_1481] : memref<4x32x128xf32, #tpu.memory_space<vmem>> -> memref<1x32x128xf32, #tpu.memory_space<vmem>>
        %dma_start3A_1483 = tpu.memref_squeeze %dma_start3A_1482 : memref<1x32x128xf32, #tpu.memory_space<vmem>> -> memref<32x128xf32, #tpu.memory_space<vmem>>
        %dma_start3A_1484 = arith.constant 0 : i32
        %dma_start3A_1485 = tpu.memref_slice %arg5[%dma_start3A_1484, %multiple_of3A_1478] : memref<32x1000000xf32, #tpu.memory_space<hbm>> -> memref<32x128xf32, #tpu.memory_space<hbm>>
        %dma_start3A_1486 = arith.constant 0 : i32
        %dma_start3A_1487 = arith.constant 0 : i32
        %dma_start3A_1488 = tpu.memref_slice %arg12[%dma_start3A_1479, %dma_start3A_1486, %dma_start3A_1487] : memref<4x32x128xf32, #tpu.memory_space<vmem>> -> memref<1x32x128xf32, #tpu.memory_space<vmem>>
        %dma_start3A_1489 = tpu.memref_squeeze %dma_start3A_1488 : memref<1x32x128xf32, #tpu.memory_space<vmem>> -> memref<32x128xf32, #tpu.memory_space<vmem>>
        %dma_start3A_1490 = arith.constant 0 : i32
        %dma_start3A_1491 = tpu.memref_slice %arg5[%dma_start3A_1490, %multiple_of3A_1478] : memref<32x1000000xf32, #tpu.memory_space<hbm>> -> memref<32x128xf32, #tpu.memory_space<hbm>>
        tpu.enqueue_dma source(%dma_start3A_1491 : memref<32x128xf32, #tpu.memory_space<hbm>>) target(%dma_start3A_1489 : memref<32x128xf32, #tpu.memory_space<vmem>>) target_semaphore(%arg17 : memref<!tpu.dma_semaphore, #tpu.memory_space<semaphore_mem>>)
      } else {
      }
      %dma_wait3A_1317 = arith.constant 2 : i32
      %dma_wait3A_1318 = arith.constant 0 : i32
      %dma_wait3A_1319 = arith.constant 0 : i32
      %dma_wait3A_1320 = tpu.memref_slice %arg11[%dma_wait3A_1317, %dma_wait3A_1318, %dma_wait3A_1319] : memref<4x32x128xf32, #tpu.memory_space<vmem>> -> memref<1x32x128xf32, #tpu.memory_space<vmem>>
      %dma_wait3A_1321 = tpu.memref_squeeze %dma_wait3A_1320 : memref<1x32x128xf32, #tpu.memory_space<vmem>> -> memref<32x128xf32, #tpu.memory_space<vmem>>
      %dma_wait3A_1322 = arith.constant 0 : i32
      %dma_wait3A_1323 = arith.constant 0 : i32
      %dma_wait3A_1324 = tpu.memref_slice %arg4[%dma_wait3A_1322, %dma_wait3A_1323] : memref<32x1000000xf32, #tpu.memory_space<hbm>> -> memref<32x128xf32, #tpu.memory_space<hbm>>
      %dma_wait3A_1325 = arith.constant 0 : i32
      %dma_wait3A_1326 = arith.constant 0 : i32
      %dma_wait3A_1327 = tpu.memref_slice %arg11[%dma_wait3A_1317, %dma_wait3A_1325, %dma_wait3A_1326] : memref<4x32x128xf32, #tpu.memory_space<vmem>> -> memref<1x32x128xf32, #tpu.memory_space<vmem>>
      %dma_wait3A_1328 = tpu.memref_squeeze %dma_wait3A_1327 : memref<1x32x128xf32, #tpu.memory_space<vmem>> -> memref<32x128xf32, #tpu.memory_space<vmem>>
      %dma_wait3A_1329 = arith.constant 0 : i32
      %dma_wait3A_1330 = arith.constant 0 : i32
      %dma_wait3A_1331 = tpu.memref_slice %arg4[%dma_wait3A_1329, %dma_wait3A_1330] : memref<32x1000000xf32, #tpu.memory_space<hbm>> -> memref<32x128xf32, #tpu.memory_space<hbm>>
      tpu.wait_dma2 semaphore(%arg17 : memref<!tpu.dma_semaphore, #tpu.memory_space<semaphore_mem>>) src(%dma_wait3A_1331 : memref<32x128xf32, #tpu.memory_space<hbm>>) dst(%dma_wait3A_1328 : memref<32x128xf32, #tpu.memory_space<vmem>>)
      %dma_wait3A_1332 = arith.constant 2 : i32
      %dma_wait3A_1333 = arith.constant 0 : i32
      %dma_wait3A_1334 = arith.constant 0 : i32
      %dma_wait3A_1335 = tpu.memref_slice %arg12[%dma_wait3A_1332, %dma_wait3A_1333, %dma_wait3A_1334] : memref<4x32x128xf32, #tpu.memory_space<vmem>> -> memref<1x32x128xf32, #tpu.memory_space<vmem>>
      %dma_wait3A_1336 = tpu.memref_squeeze %dma_wait3A_1335 : memref<1x32x128xf32, #tpu.memory_space<vmem>> -> memref<32x128xf32, #tpu.memory_space<vmem>>
      %dma_wait3A_1337 = arith.constant 0 : i32
      %dma_wait3A_1338 = arith.constant 0 : i32
      %dma_wait3A_1339 = tpu.memref_slice %arg5[%dma_wait3A_1337, %dma_wait3A_1338] : memref<32x1000000xf32, #tpu.memory_space<hbm>> -> memref<32x128xf32, #tpu.memory_space<hbm>>
      %dma_wait3A_1340 = arith.constant 0 : i32
      %dma_wait3A_1341 = arith.constant 0 : i32
      %dma_wait3A_1342 = tpu.memref_slice %arg12[%dma_wait3A_1332, %dma_wait3A_1340, %dma_wait3A_1341] : memref<4x32x128xf32, #tpu.memory_space<vmem>> -> memref<1x32x128xf32, #tpu.memory_space<vmem>>
      %dma_wait3A_1343 = tpu.memref_squeeze %dma_wait3A_1342 : memref<1x32x128xf32, #tpu.memory_space<vmem>> -> memref<32x128xf32, #tpu.memory_space<vmem>>
      %dma_wait3A_1344 = arith.constant 0 : i32
      %dma_wait3A_1345 = arith.constant 0 : i32
      %dma_wait3A_1346 = tpu.memref_slice %arg5[%dma_wait3A_1344, %dma_wait3A_1345] : memref<32x1000000xf32, #tpu.memory_space<hbm>> -> memref<32x128xf32, #tpu.memory_space<hbm>>
      tpu.wait_dma2 semaphore(%arg17 : memref<!tpu.dma_semaphore, #tpu.memory_space<semaphore_mem>>) src(%dma_wait3A_1346 : memref<32x128xf32, #tpu.memory_space<hbm>>) dst(%dma_wait3A_1343 : memref<32x128xf32, #tpu.memory_space<vmem>>)
      %slice3A_1347 = vector.extract_strided_slice %get3A_237 {offsets = [14], sizes = [1], strides = [1]} : vector<16xi32> to vector<1xi32>
      %squeeze3A_1348 = vector.extract %slice3A_1347[0] : i32 from vector<1xi32>
      %and3A_1349 = arith.constant 127 : i32
      %and3A_1350 = arith.andi %squeeze3A_1348, %and3A_1349 : i32
      %slice3A_1351 = vector.extract_strided_slice %get3A_239 {offsets = [14], sizes = [1], strides = [1]} : vector<16xi32> to vector<1xi32>
      %squeeze3A_1352 = vector.extract %slice3A_1351[0] : i32 from vector<1xi32>
      %and3A_1353 = arith.constant 127 : i32
      %and3A_1354 = arith.andi %squeeze3A_1352, %and3A_1353 : i32
      %broadcast_in_dim3A_1355 = arith.constant 0.000000e+00 : f32
      %broadcast_in_dim3A_1356 = vector.broadcast %broadcast_in_dim3A_1355 : f32 to vector<16xf32>
      %broadcast_in_dim3A_1357 = arith.constant 2 : i32
      %broadcast_in_dim3A_1358 = vector.broadcast %broadcast_in_dim3A_1357 : i32 to vector<16xi32>
      %broadcast_in_dim3A_1359 = vector.broadcast %and3A_1350 : i32 to vector<16xi32>
      %gather3A_1360 = tpu.vector_load_idx %arg11[%broadcast_in_dim3A_1358, %add3A_52, %broadcast_in_dim3A_1359] : memref<4x32x128xf32, #tpu.memory_space<vmem>>[vector<16xi32>, vector<16xi32>, vector<16xi32>], vector<16xf32>,
      %broadcast_in_dim3A_1361 = arith.constant 2 : i32
      %broadcast_in_dim3A_1362 = vector.broadcast %broadcast_in_dim3A_1361 : i32 to vector<16xi32>
      %broadcast_in_dim3A_1363 = vector.broadcast %and3A_1354 : i32 to vector<16xi32>
      %gather3A_1364 = tpu.vector_load_idx %arg12[%broadcast_in_dim3A_1362, %add3A_52, %broadcast_in_dim3A_1363] : memref<4x32x128xf32, #tpu.memory_space<vmem>>[vector<16xi32>, vector<16xi32>, vector<16xi32>], vector<16xf32>,
      %mul3A_1365 = arith.mulf %gather3A_1360, %gather3A_1364 : vector<16xf32>
      %add3A_1366 = arith.addf %broadcast_in_dim3A_1356, %mul3A_1365 : vector<16xf32>
      %broadcast_in_dim3A_1367 = arith.constant 2 : i32
      %broadcast_in_dim3A_1368 = vector.broadcast %broadcast_in_dim3A_1367 : i32 to vector<16xi32>
      %broadcast_in_dim3A_1369 = vector.broadcast %and3A_1350 : i32 to vector<16xi32>
      %gather3A_1370 = tpu.vector_load_idx %arg11[%broadcast_in_dim3A_1368, %add3A_55, %broadcast_in_dim3A_1369] : memref<4x32x128xf32, #tpu.memory_space<vmem>>[vector<16xi32>, vector<16xi32>, vector<16xi32>], vector<16xf32>,
      %broadcast_in_dim3A_1371 = arith.constant 2 : i32
      %broadcast_in_dim3A_1372 = vector.broadcast %broadcast_in_dim3A_1371 : i32 to vector<16xi32>
      %broadcast_in_dim3A_1373 = vector.broadcast %and3A_1354 : i32 to vector<16xi32>
      %gather3A_1374 = tpu.vector_load_idx %arg12[%broadcast_in_dim3A_1372, %add3A_55, %broadcast_in_dim3A_1373] : memref<4x32x128xf32, #tpu.memory_space<vmem>>[vector<16xi32>, vector<16xi32>, vector<16xi32>], vector<16xf32>,
      %mul3A_1375 = arith.mulf %gather3A_1370, %gather3A_1374 : vector<16xf32>
      %add3A_1376 = arith.addf %add3A_1366, %mul3A_1375 : vector<16xf32>
      %swap3A_1377 = arith.index_cast %add3A_1305 : i32 to index
      %swap3A_1378 = arith.constant 0 : index
      %swap3A_1379 = tpu.vector_load %arg15[%swap3A_1377, %swap3A_1378] {strides = array<i32>} : memref<512x16xf32, #tpu.memory_space<vmem>>, vector<16xf32>,
      tpu.vector_store %arg15[%swap3A_1377, %swap3A_1378], %add3A_1376 {strides = array<i32>} : memref<512x16xf32, #tpu.memory_space<vmem>>, vector<16xf32>,
      %add3A_1380 = arith.constant 15 : i32
      %add3A_1381 = arith.addi %mul3A_235, %add3A_1380 : i32
      %slice3A_1382 = vector.extract_strided_slice %get3A_244 {offsets = [2], sizes = [1], strides = [1]} : vector<16xi32> to vector<1xi32>
      %squeeze3A_1383 = vector.extract %slice3A_1382[0] : i32 from vector<1xi32>
      %slice3A_1384 = vector.extract_strided_slice %get3A_246 {offsets = [2], sizes = [1], strides = [1]} : vector<16xi32> to vector<1xi32>
      %squeeze3A_1385 = vector.extract %slice3A_1384[0] : i32 from vector<1xi32>
      %add3A_1386 = arith.constant 3 : i32
      %add3A_1387 = arith.addi %add3A_1381, %add3A_1386 : i32
      %lt3A_1388 = arith.constant 512 : i32
      %lt3A_1389 = arith.cmpi slt, %add3A_1387, %lt3A_1388 : i32
      %convert_element_type3A_1390 = arith.extui %lt3A_1389 : i1 to i32
      %cond3A_1391 = arith.constant 0 : i32
      %cond3A_1392 = arith.cmpi ne, %convert_element_type3A_1390, %cond3A_1391 : i32
      scf.if %cond3A_1392 {
        %shift_right_arithmetic3A_1456 = arith.constant 7 : i32
        %shift_right_arithmetic3A_1457 = arith.shrsi %squeeze3A_1383, %shift_right_arithmetic3A_1456 : i32
        %mul3A_1458 = arith.constant 128 : i32
        %mul3A_1459 = arith.muli %shift_right_arithmetic3A_1457, %mul3A_1458 : i32
        %multiple_of3A_1460 = tpu.assume_multiple %mul3A_1459, 128 : i32
        %dma_start3A_1461 = arith.constant 2 : i32
        %dma_start3A_1462 = arith.constant 0 : i32
        %dma_start3A_1463 = arith.constant 0 : i32
        %dma_start3A_1464 = tpu.memref_slice %arg11[%dma_start3A_1461, %dma_start3A_1462, %dma_start3A_1463] : memref<4x32x128xf32, #tpu.memory_space<vmem>> -> memref<1x32x128xf32, #tpu.memory_space<vmem>>
        %dma_start3A_1465 = tpu.memref_squeeze %dma_start3A_1464 : memref<1x32x128xf32, #tpu.memory_space<vmem>> -> memref<32x128xf32, #tpu.memory_space<vmem>>
        %dma_start3A_1466 = arith.constant 0 : i32
        %dma_start3A_1467 = tpu.memref_slice %arg4[%dma_start3A_1466, %multiple_of3A_1460] : memref<32x1000000xf32, #tpu.memory_space<hbm>> -> memref<32x128xf32, #tpu.memory_space<hbm>>
        %dma_start3A_1468 = arith.constant 0 : i32
        %dma_start3A_1469 = arith.constant 0 : i32
        %dma_start3A_1470 = tpu.memref_slice %arg11[%dma_start3A_1461, %dma_start3A_1468, %dma_start3A_1469] : memref<4x32x128xf32, #tpu.memory_space<vmem>> -> memref<1x32x128xf32, #tpu.memory_space<vmem>>
        %dma_start3A_1471 = tpu.memref_squeeze %dma_start3A_1470 : memref<1x32x128xf32, #tpu.memory_space<vmem>> -> memref<32x128xf32, #tpu.memory_space<vmem>>
        %dma_start3A_1472 = arith.constant 0 : i32
        %dma_start3A_1473 = tpu.memref_slice %arg4[%dma_start3A_1472, %multiple_of3A_1460] : memref<32x1000000xf32, #tpu.memory_space<hbm>> -> memref<32x128xf32, #tpu.memory_space<hbm>>
        tpu.enqueue_dma source(%dma_start3A_1473 : memref<32x128xf32, #tpu.memory_space<hbm>>) target(%dma_start3A_1471 : memref<32x128xf32, #tpu.memory_space<vmem>>) target_semaphore(%arg17 : memref<!tpu.dma_semaphore, #tpu.memory_space<semaphore_mem>>)
        %shift_right_arithmetic3A_1474 = arith.constant 7 : i32
        %shift_right_arithmetic3A_1475 = arith.shrsi %squeeze3A_1385, %shift_right_arithmetic3A_1474 : i32
        %mul3A_1476 = arith.constant 128 : i32
        %mul3A_1477 = arith.muli %shift_right_arithmetic3A_1475, %mul3A_1476 : i32
        %multiple_of3A_1478 = tpu.assume_multiple %mul3A_1477, 128 : i32
        %dma_start3A_1479 = arith.constant 2 : i32
        %dma_start3A_1480 = arith.constant 0 : i32
        %dma_start3A_1481 = arith.constant 0 : i32
        %dma_start3A_1482 = tpu.memref_slice %arg12[%dma_start3A_1479, %dma_start3A_1480, %dma_start3A_1481] : memref<4x32x128xf32, #tpu.memory_space<vmem>> -> memref<1x32x128xf32, #tpu.memory_space<vmem>>
        %dma_start3A_1483 = tpu.memref_squeeze %dma_start3A_1482 : memref<1x32x128xf32, #tpu.memory_space<vmem>> -> memref<32x128xf32, #tpu.memory_space<vmem>>
        %dma_start3A_1484 = arith.constant 0 : i32
        %dma_start3A_1485 = tpu.memref_slice %arg5[%dma_start3A_1484, %multiple_of3A_1478] : memref<32x1000000xf32, #tpu.memory_space<hbm>> -> memref<32x128xf32, #tpu.memory_space<hbm>>
        %dma_start3A_1486 = arith.constant 0 : i32
        %dma_start3A_1487 = arith.constant 0 : i32
        %dma_start3A_1488 = tpu.memref_slice %arg12[%dma_start3A_1479, %dma_start3A_1486, %dma_start3A_1487] : memref<4x32x128xf32, #tpu.memory_space<vmem>> -> memref<1x32x128xf32, #tpu.memory_space<vmem>>
        %dma_start3A_1489 = tpu.memref_squeeze %dma_start3A_1488 : memref<1x32x128xf32, #tpu.memory_space<vmem>> -> memref<32x128xf32, #tpu.memory_space<vmem>>
        %dma_start3A_1490 = arith.constant 0 : i32
        %dma_start3A_1491 = tpu.memref_slice %arg5[%dma_start3A_1490, %multiple_of3A_1478] : memref<32x1000000xf32, #tpu.memory_space<hbm>> -> memref<32x128xf32, #tpu.memory_space<hbm>>
        tpu.enqueue_dma source(%dma_start3A_1491 : memref<32x128xf32, #tpu.memory_space<hbm>>) target(%dma_start3A_1489 : memref<32x128xf32, #tpu.memory_space<vmem>>) target_semaphore(%arg17 : memref<!tpu.dma_semaphore, #tpu.memory_space<semaphore_mem>>)
      } else {
      }
      %dma_wait3A_1393 = arith.constant 3 : i32
      %dma_wait3A_1394 = arith.constant 0 : i32
      %dma_wait3A_1395 = arith.constant 0 : i32
      %dma_wait3A_1396 = tpu.memref_slice %arg11[%dma_wait3A_1393, %dma_wait3A_1394, %dma_wait3A_1395] : memref<4x32x128xf32, #tpu.memory_space<vmem>> -> memref<1x32x128xf32, #tpu.memory_space<vmem>>
      %dma_wait3A_1397 = tpu.memref_squeeze %dma_wait3A_1396 : memref<1x32x128xf32, #tpu.memory_space<vmem>> -> memref<32x128xf32, #tpu.memory_space<vmem>>
      %dma_wait3A_1398 = arith.constant 0 : i32
      %dma_wait3A_1399 = arith.constant 0 : i32
      %dma_wait3A_1400 = tpu.memref_slice %arg4[%dma_wait3A_1398, %dma_wait3A_1399] : memref<32x1000000xf32, #tpu.memory_space<hbm>> -> memref<32x128xf32, #tpu.memory_space<hbm>>
      %dma_wait3A_1401 = arith.constant 0 : i32
      %dma_wait3A_1402 = arith.constant 0 : i32
      %dma_wait3A_1403 = tpu.memref_slice %arg11[%dma_wait3A_1393, %dma_wait3A_1401, %dma_wait3A_1402] : memref<4x32x128xf32, #tpu.memory_space<vmem>> -> memref<1x32x128xf32, #tpu.memory_space<vmem>>
      %dma_wait3A_1404 = tpu.memref_squeeze %dma_wait3A_1403 : memref<1x32x128xf32, #tpu.memory_space<vmem>> -> memref<32x128xf32, #tpu.memory_space<vmem>>
      %dma_wait3A_1405 = arith.constant 0 : i32
      %dma_wait3A_1406 = arith.constant 0 : i32
      %dma_wait3A_1407 = tpu.memref_slice %arg4[%dma_wait3A_1405, %dma_wait3A_1406] : memref<32x1000000xf32, #tpu.memory_space<hbm>> -> memref<32x128xf32, #tpu.memory_space<hbm>>
      tpu.wait_dma2 semaphore(%arg17 : memref<!tpu.dma_semaphore, #tpu.memory_space<semaphore_mem>>) src(%dma_wait3A_1407 : memref<32x128xf32, #tpu.memory_space<hbm>>) dst(%dma_wait3A_1404 : memref<32x128xf32, #tpu.memory_space<vmem>>)
      %dma_wait3A_1408 = arith.constant 3 : i32
      %dma_wait3A_1409 = arith.constant 0 : i32
      %dma_wait3A_1410 = arith.constant 0 : i32
      %dma_wait3A_1411 = tpu.memref_slice %arg12[%dma_wait3A_1408, %dma_wait3A_1409, %dma_wait3A_1410] : memref<4x32x128xf32, #tpu.memory_space<vmem>> -> memref<1x32x128xf32, #tpu.memory_space<vmem>>
      %dma_wait3A_1412 = tpu.memref_squeeze %dma_wait3A_1411 : memref<1x32x128xf32, #tpu.memory_space<vmem>> -> memref<32x128xf32, #tpu.memory_space<vmem>>
      %dma_wait3A_1413 = arith.constant 0 : i32
      %dma_wait3A_1414 = arith.constant 0 : i32
      %dma_wait3A_1415 = tpu.memref_slice %arg5[%dma_wait3A_1413, %dma_wait3A_1414] : memref<32x1000000xf32, #tpu.memory_space<hbm>> -> memref<32x128xf32, #tpu.memory_space<hbm>>
      %dma_wait3A_1416 = arith.constant 0 : i32
      %dma_wait3A_1417 = arith.constant 0 : i32
      %dma_wait3A_1418 = tpu.memref_slice %arg12[%dma_wait3A_1408, %dma_wait3A_1416, %dma_wait3A_1417] : memref<4x32x128xf32, #tpu.memory_space<vmem>> -> memref<1x32x128xf32, #tpu.memory_space<vmem>>
      %dma_wait3A_1419 = tpu.memref_squeeze %dma_wait3A_1418 : memref<1x32x128xf32, #tpu.memory_space<vmem>> -> memref<32x128xf32, #tpu.memory_space<vmem>>
      %dma_wait3A_1420 = arith.constant 0 : i32
      %dma_wait3A_1421 = arith.constant 0 : i32
      %dma_wait3A_1422 = tpu.memref_slice %arg5[%dma_wait3A_1420, %dma_wait3A_1421] : memref<32x1000000xf32, #tpu.memory_space<hbm>> -> memref<32x128xf32, #tpu.memory_space<hbm>>
      tpu.wait_dma2 semaphore(%arg17 : memref<!tpu.dma_semaphore, #tpu.memory_space<semaphore_mem>>) src(%dma_wait3A_1422 : memref<32x128xf32, #tpu.memory_space<hbm>>) dst(%dma_wait3A_1419 : memref<32x128xf32, #tpu.memory_space<vmem>>)
      %slice3A_1423 = vector.extract_strided_slice %get3A_237 {offsets = [15], sizes = [1], strides = [1]} : vector<16xi32> to vector<1xi32>
      %squeeze3A_1424 = vector.extract %slice3A_1423[0] : i32 from vector<1xi32>
      %and3A_1425 = arith.constant 127 : i32
      %and3A_1426 = arith.andi %squeeze3A_1424, %and3A_1425 : i32
      %slice3A_1427 = vector.extract_strided_slice %get3A_239 {offsets = [15], sizes = [1], strides = [1]} : vector<16xi32> to vector<1xi32>
      %squeeze3A_1428 = vector.extract %slice3A_1427[0] : i32 from vector<1xi32>
      %and3A_1429 = arith.constant 127 : i32
      %and3A_1430 = arith.andi %squeeze3A_1428, %and3A_1429 : i32
      %broadcast_in_dim3A_1431 = arith.constant 0.000000e+00 : f32
      %broadcast_in_dim3A_1432 = vector.broadcast %broadcast_in_dim3A_1431 : f32 to vector<16xf32>
      %broadcast_in_dim3A_1433 = arith.constant 3 : i32
      %broadcast_in_dim3A_1434 = vector.broadcast %broadcast_in_dim3A_1433 : i32 to vector<16xi32>
      %broadcast_in_dim3A_1435 = vector.broadcast %and3A_1426 : i32 to vector<16xi32>
      %gather3A_1436 = tpu.vector_load_idx %arg11[%broadcast_in_dim3A_1434, %add3A_52, %broadcast_in_dim3A_1435] : memref<4x32x128xf32, #tpu.memory_space<vmem>>[vector<16xi32>, vector<16xi32>, vector<16xi32>], vector<16xf32>,
      %broadcast_in_dim3A_1437 = arith.constant 3 : i32
      %broadcast_in_dim3A_1438 = vector.broadcast %broadcast_in_dim3A_1437 : i32 to vector<16xi32>
      %broadcast_in_dim3A_1439 = vector.broadcast %and3A_1430 : i32 to vector<16xi32>
      %gather3A_1440 = tpu.vector_load_idx %arg12[%broadcast_in_dim3A_1438, %add3A_52, %broadcast_in_dim3A_1439] : memref<4x32x128xf32, #tpu.memory_space<vmem>>[vector<16xi32>, vector<16xi32>, vector<16xi32>], vector<16xf32>,
      %mul3A_1441 = arith.mulf %gather3A_1436, %gather3A_1440 : vector<16xf32>
      %add3A_1442 = arith.addf %broadcast_in_dim3A_1432, %mul3A_1441 : vector<16xf32>
      %broadcast_in_dim3A_1443 = arith.constant 3 : i32
      %broadcast_in_dim3A_1444 = vector.broadcast %broadcast_in_dim3A_1443 : i32 to vector<16xi32>
      %broadcast_in_dim3A_1445 = vector.broadcast %and3A_1426 : i32 to vector<16xi32>
      %gather3A_1446 = tpu.vector_load_idx %arg11[%broadcast_in_dim3A_1444, %add3A_55, %broadcast_in_dim3A_1445] : memref<4x32x128xf32, #tpu.memory_space<vmem>>[vector<16xi32>, vector<16xi32>, vector<16xi32>], vector<16xf32>,
      %broadcast_in_dim3A_1447 = arith.constant 3 : i32
      %broadcast_in_dim3A_1448 = vector.broadcast %broadcast_in_dim3A_1447 : i32 to vector<16xi32>
      %broadcast_in_dim3A_1449 = vector.broadcast %and3A_1430 : i32 to vector<16xi32>
      %gather3A_1450 = tpu.vector_load_idx %arg12[%broadcast_in_dim3A_1448, %add3A_55, %broadcast_in_dim3A_1449] : memref<4x32x128xf32, #tpu.memory_space<vmem>>[vector<16xi32>, vector<16xi32>, vector<16xi32>], vector<16xf32>,
      %mul3A_1451 = arith.mulf %gather3A_1446, %gather3A_1450 : vector<16xf32>
      %add3A_1452 = arith.addf %add3A_1442, %mul3A_1451 : vector<16xf32>
      %swap3A_1453 = arith.index_cast %add3A_1381 : i32 to index
      %swap3A_1454 = arith.constant 0 : index
      %swap3A_1455 = tpu.vector_load %arg15[%swap3A_1453, %swap3A_1454] {strides = array<i32>} : memref<512x16xf32, #tpu.memory_space<vmem>>, vector<16xf32>,
      tpu.vector_store %arg15[%swap3A_1453, %swap3A_1454], %add3A_1452 {strides = array<i32>} : memref<512x16xf32, #tpu.memory_space<vmem>>, vector<16xf32>,
    }
    %scan3A_179 = arith.constant 32 : i32
    %dma_wait3A = arith.constant 0 : i32
    %dma_wait3A_180 = tpu.memref_slice %arg13[%dma_wait3A] : memref<512xf32, #tpu.memory_space<vmem>> -> memref<128xf32, #tpu.memory_space<vmem>>
    %dma_wait3A_181 = arith.constant 0 : i32
    %dma_wait3A_182 = tpu.memref_slice %arg9[%dma_wait3A_181] : memref<512xi32, #tpu.memory_space<vmem>> -> memref<128xi32, #tpu.memory_space<vmem>>
    %dma_wait3A_183 = arith.constant 0 : i32
    %dma_wait3A_184 = tpu.memref_slice %arg6[%dma_wait3A_183] : memref<1000000xf32, #tpu.memory_space<hbm>> -> memref<1000000xf32, #tpu.memory_space<hbm>>
    tpu.wait_indirect_dma semaphore(%arg18 : memref<!tpu.dma_semaphore, #tpu.memory_space<semaphore_mem>>) src(%dma_wait3A_184 : memref<1000000xf32, #tpu.memory_space<hbm>>) dst(%dma_wait3A_180 : memref<128xf32, #tpu.memory_space<vmem>>)
    %dma_wait3A_185 = arith.constant 0 : i32
    %dma_wait3A_186 = tpu.memref_slice %arg14[%dma_wait3A_185] : memref<512xf32, #tpu.memory_space<vmem>> -> memref<128xf32, #tpu.memory_space<vmem>>
    %dma_wait3A_187 = arith.constant 0 : i32
    %dma_wait3A_188 = tpu.memref_slice %arg10[%dma_wait3A_187] : memref<512xi32, #tpu.memory_space<vmem>> -> memref<128xi32, #tpu.memory_space<vmem>>
    %dma_wait3A_189 = arith.constant 0 : i32
    %dma_wait3A_190 = tpu.memref_slice %arg7[%dma_wait3A_189] : memref<1000000xf32, #tpu.memory_space<hbm>> -> memref<1000000xf32, #tpu.memory_space<hbm>>
    tpu.wait_indirect_dma semaphore(%arg18 : memref<!tpu.dma_semaphore, #tpu.memory_space<semaphore_mem>>) src(%dma_wait3A_190 : memref<1000000xf32, #tpu.memory_space<hbm>>) dst(%dma_wait3A_186 : memref<128xf32, #tpu.memory_space<vmem>>)
    %dma_wait3A_191 = arith.constant 128 : i32
    %dma_wait3A_192 = tpu.memref_slice %arg13[%dma_wait3A_191] : memref<512xf32, #tpu.memory_space<vmem>> -> memref<128xf32, #tpu.memory_space<vmem>>
    %dma_wait3A_193 = arith.constant 128 : i32
    %dma_wait3A_194 = tpu.memref_slice %arg9[%dma_wait3A_193] : memref<512xi32, #tpu.memory_space<vmem>> -> memref<128xi32, #tpu.memory_space<vmem>>
    %dma_wait3A_195 = arith.constant 0 : i32
    %dma_wait3A_196 = tpu.memref_slice %arg6[%dma_wait3A_195] : memref<1000000xf32, #tpu.memory_space<hbm>> -> memref<1000000xf32, #tpu.memory_space<hbm>>
    tpu.wait_indirect_dma semaphore(%arg18 : memref<!tpu.dma_semaphore, #tpu.memory_space<semaphore_mem>>) src(%dma_wait3A_196 : memref<1000000xf32, #tpu.memory_space<hbm>>) dst(%dma_wait3A_192 : memref<128xf32, #tpu.memory_space<vmem>>)
    %dma_wait3A_197 = arith.constant 128 : i32
    %dma_wait3A_198 = tpu.memref_slice %arg14[%dma_wait3A_197] : memref<512xf32, #tpu.memory_space<vmem>> -> memref<128xf32, #tpu.memory_space<vmem>>
    %dma_wait3A_199 = arith.constant 128 : i32
    %dma_wait3A_200 = tpu.memref_slice %arg10[%dma_wait3A_199] : memref<512xi32, #tpu.memory_space<vmem>> -> memref<128xi32, #tpu.memory_space<vmem>>
    %dma_wait3A_201 = arith.constant 0 : i32
    %dma_wait3A_202 = tpu.memref_slice %arg7[%dma_wait3A_201] : memref<1000000xf32, #tpu.memory_space<hbm>> -> memref<1000000xf32, #tpu.memory_space<hbm>>
    tpu.wait_indirect_dma semaphore(%arg18 : memref<!tpu.dma_semaphore, #tpu.memory_space<semaphore_mem>>) src(%dma_wait3A_202 : memref<1000000xf32, #tpu.memory_space<hbm>>) dst(%dma_wait3A_198 : memref<128xf32, #tpu.memory_space<vmem>>)
    %dma_wait3A_203 = arith.constant 256 : i32
    %dma_wait3A_204 = tpu.memref_slice %arg13[%dma_wait3A_203] : memref<512xf32, #tpu.memory_space<vmem>> -> memref<128xf32, #tpu.memory_space<vmem>>
    %dma_wait3A_205 = arith.constant 256 : i32
    %dma_wait3A_206 = tpu.memref_slice %arg9[%dma_wait3A_205] : memref<512xi32, #tpu.memory_space<vmem>> -> memref<128xi32, #tpu.memory_space<vmem>>
    %dma_wait3A_207 = arith.constant 0 : i32
    %dma_wait3A_208 = tpu.memref_slice %arg6[%dma_wait3A_207] : memref<1000000xf32, #tpu.memory_space<hbm>> -> memref<1000000xf32, #tpu.memory_space<hbm>>
    tpu.wait_indirect_dma semaphore(%arg18 : memref<!tpu.dma_semaphore, #tpu.memory_space<semaphore_mem>>) src(%dma_wait3A_208 : memref<1000000xf32, #tpu.memory_space<hbm>>) dst(%dma_wait3A_204 : memref<128xf32, #tpu.memory_space<vmem>>)
    %dma_wait3A_209 = arith.constant 256 : i32
    %dma_wait3A_210 = tpu.memref_slice %arg14[%dma_wait3A_209] : memref<512xf32, #tpu.memory_space<vmem>> -> memref<128xf32, #tpu.memory_space<vmem>>
    %dma_wait3A_211 = arith.constant 256 : i32
    %dma_wait3A_212 = tpu.memref_slice %arg10[%dma_wait3A_211] : memref<512xi32, #tpu.memory_space<vmem>> -> memref<128xi32, #tpu.memory_space<vmem>>
    %dma_wait3A_213 = arith.constant 0 : i32
    %dma_wait3A_214 = tpu.memref_slice %arg7[%dma_wait3A_213] : memref<1000000xf32, #tpu.memory_space<hbm>> -> memref<1000000xf32, #tpu.memory_space<hbm>>
    tpu.wait_indirect_dma semaphore(%arg18 : memref<!tpu.dma_semaphore, #tpu.memory_space<semaphore_mem>>) src(%dma_wait3A_214 : memref<1000000xf32, #tpu.memory_space<hbm>>) dst(%dma_wait3A_210 : memref<128xf32, #tpu.memory_space<vmem>>)
    %dma_wait3A_215 = arith.constant 384 : i32
    %dma_wait3A_216 = tpu.memref_slice %arg13[%dma_wait3A_215] : memref<512xf32, #tpu.memory_space<vmem>> -> memref<128xf32, #tpu.memory_space<vmem>>
    %dma_wait3A_217 = arith.constant 384 : i32
    %dma_wait3A_218 = tpu.memref_slice %arg9[%dma_wait3A_217] : memref<512xi32, #tpu.memory_space<vmem>> -> memref<128xi32, #tpu.memory_space<vmem>>
    %dma_wait3A_219 = arith.constant 0 : i32
    %dma_wait3A_220 = tpu.memref_slice %arg6[%dma_wait3A_219] : memref<1000000xf32, #tpu.memory_space<hbm>> -> memref<1000000xf32, #tpu.memory_space<hbm>>
    tpu.wait_indirect_dma semaphore(%arg18 : memref<!tpu.dma_semaphore, #tpu.memory_space<semaphore_mem>>) src(%dma_wait3A_220 : memref<1000000xf32, #tpu.memory_space<hbm>>) dst(%dma_wait3A_216 : memref<128xf32, #tpu.memory_space<vmem>>)
    %dma_wait3A_221 = arith.constant 384 : i32
    %dma_wait3A_222 = tpu.memref_slice %arg14[%dma_wait3A_221] : memref<512xf32, #tpu.memory_space<vmem>> -> memref<128xf32, #tpu.memory_space<vmem>>
    %dma_wait3A_223 = arith.constant 384 : i32
    %dma_wait3A_224 = tpu.memref_slice %arg10[%dma_wait3A_223] : memref<512xi32, #tpu.memory_space<vmem>> -> memref<128xi32, #tpu.memory_space<vmem>>
    %dma_wait3A_225 = arith.constant 0 : i32
    %dma_wait3A_226 = tpu.memref_slice %arg7[%dma_wait3A_225] : memref<1000000xf32, #tpu.memory_space<hbm>> -> memref<1000000xf32, #tpu.memory_space<hbm>>
    tpu.wait_indirect_dma semaphore(%arg18 : memref<!tpu.dma_semaphore, #tpu.memory_space<semaphore_mem>>) src(%dma_wait3A_226 : memref<1000000xf32, #tpu.memory_space<hbm>>) dst(%dma_wait3A_222 : memref<128xf32, #tpu.memory_space<vmem>>)
    %scan3A_227 = arith.constant 0 : i32
    %scan3A_228 = arith.constant 0 : i32
    %scan3A_229 = arith.constant 32 : i32
    %scan3A_230 = arith.addi %scan3A_228, %scan3A_229 : i32
    %scan3A_231 = arith.constant 1 : i32
    scf.for %scan3A_233 = %scan3A_228 to %scan3A_230 step %scan3A_231  : i32 {
      %mul3A_234 = arith.constant 16 : i32
      %mul3A_235 = arith.muli %scan3A_233, %mul3A_234 : i32
      %add3A_236 = vector.broadcast %mul3A_235 : i32 to vector<16xi32>
      %add3A_237 = arith.addi %add3A_236, %iota3A : vector<16xi32>
      %get3A_238 = arith.index_cast %mul3A_235 : i32 to index
      %get3A_239 = tpu.vector_load %arg13[%get3A_238] {strides = array<i32>} : memref<512xf32, #tpu.memory_space<vmem>>, vector<16xf32>,
      %get3A_240 = arith.index_cast %mul3A_235 : i32 to index
      %get3A_241 = tpu.vector_load %arg14[%get3A_240] {strides = array<i32>} : memref<512xf32, #tpu.memory_space<vmem>>, vector<16xf32>,
      %add3A_242 = arith.addf %get3A_239, %get3A_241 : vector<16xf32>
      %broadcast_in_dim3A = arith.constant 0 : i32
      %broadcast_in_dim3A_243 = vector.broadcast %broadcast_in_dim3A : i32 to vector<16xi32>
      %gather3A = tpu.vector_load_idx %arg15[%add3A_237, %broadcast_in_dim3A_243] : memref<512x16xf32, #tpu.memory_space<vmem>>[vector<16xi32>, vector<16xi32>], vector<16xf32>,
      %add3A_244 = arith.addf %add3A_242, %gather3A : vector<16xf32>
      %broadcast_in_dim3A_245 = arith.constant 1 : i32
      %broadcast_in_dim3A_246 = vector.broadcast %broadcast_in_dim3A_245 : i32 to vector<16xi32>
      %gather3A_247 = tpu.vector_load_idx %arg15[%add3A_237, %broadcast_in_dim3A_246] : memref<512x16xf32, #tpu.memory_space<vmem>>[vector<16xi32>, vector<16xi32>], vector<16xf32>,
      %add3A_248 = arith.addf %add3A_244, %gather3A_247 : vector<16xf32>
      %broadcast_in_dim3A_249 = arith.constant 2 : i32
      %broadcast_in_dim3A_250 = vector.broadcast %broadcast_in_dim3A_249 : i32 to vector<16xi32>
      %gather3A_251 = tpu.vector_load_idx %arg15[%add3A_237, %broadcast_in_dim3A_250] : memref<512x16xf32, #tpu.memory_space<vmem>>[vector<16xi32>, vector<16xi32>], vector<16xf32>,
      %add3A_252 = arith.addf %add3A_248, %gather3A_251 : vector<16xf32>
      %broadcast_in_dim3A_253 = arith.constant 3 : i32
      %broadcast_in_dim3A_254 = vector.broadcast %broadcast_in_dim3A_253 : i32 to vector<16xi32>
      %gather3A_255 = tpu.vector_load_idx %arg15[%add3A_237, %broadcast_in_dim3A_254] : memref<512x16xf32, #tpu.memory_space<vmem>>[vector<16xi32>, vector<16xi32>], vector<16xf32>,
      %add3A_256 = arith.addf %add3A_252, %gather3A_255 : vector<16xf32>
      %broadcast_in_dim3A_257 = arith.constant 4 : i32
      %broadcast_in_dim3A_258 = vector.broadcast %broadcast_in_dim3A_257 : i32 to vector<16xi32>
      %gather3A_259 = tpu.vector_load_idx %arg15[%add3A_237, %broadcast_in_dim3A_258] : memref<512x16xf32, #tpu.memory_space<vmem>>[vector<16xi32>, vector<16xi32>], vector<16xf32>,
      %add3A_260 = arith.addf %add3A_256, %gather3A_259 : vector<16xf32>
      %broadcast_in_dim3A_261 = arith.constant 5 : i32
      %broadcast_in_dim3A_262 = vector.broadcast %broadcast_in_dim3A_261 : i32 to vector<16xi32>
      %gather3A_263 = tpu.vector_load_idx %arg15[%add3A_237, %broadcast_in_dim3A_262] : memref<512x16xf32, #tpu.memory_space<vmem>>[vector<16xi32>, vector<16xi32>], vector<16xf32>,
      %add3A_264 = arith.addf %add3A_260, %gather3A_263 : vector<16xf32>
      %broadcast_in_dim3A_265 = arith.constant 6 : i32
      %broadcast_in_dim3A_266 = vector.broadcast %broadcast_in_dim3A_265 : i32 to vector<16xi32>
      %gather3A_267 = tpu.vector_load_idx %arg15[%add3A_237, %broadcast_in_dim3A_266] : memref<512x16xf32, #tpu.memory_space<vmem>>[vector<16xi32>, vector<16xi32>], vector<16xf32>,
      %add3A_268 = arith.addf %add3A_264, %gather3A_267 : vector<16xf32>
      %broadcast_in_dim3A_269 = arith.constant 7 : i32
      %broadcast_in_dim3A_270 = vector.broadcast %broadcast_in_dim3A_269 : i32 to vector<16xi32>
      %gather3A_271 = tpu.vector_load_idx %arg15[%add3A_237, %broadcast_in_dim3A_270] : memref<512x16xf32, #tpu.memory_space<vmem>>[vector<16xi32>, vector<16xi32>], vector<16xf32>,
      %add3A_272 = arith.addf %add3A_268, %gather3A_271 : vector<16xf32>
      %broadcast_in_dim3A_273 = arith.constant 8 : i32
      %broadcast_in_dim3A_274 = vector.broadcast %broadcast_in_dim3A_273 : i32 to vector<16xi32>
      %gather3A_275 = tpu.vector_load_idx %arg15[%add3A_237, %broadcast_in_dim3A_274] : memref<512x16xf32, #tpu.memory_space<vmem>>[vector<16xi32>, vector<16xi32>], vector<16xf32>,
      %add3A_276 = arith.addf %add3A_272, %gather3A_275 : vector<16xf32>
      %broadcast_in_dim3A_277 = arith.constant 9 : i32
      %broadcast_in_dim3A_278 = vector.broadcast %broadcast_in_dim3A_277 : i32 to vector<16xi32>
      %gather3A_279 = tpu.vector_load_idx %arg15[%add3A_237, %broadcast_in_dim3A_278] : memref<512x16xf32, #tpu.memory_space<vmem>>[vector<16xi32>, vector<16xi32>], vector<16xf32>,
      %add3A_280 = arith.addf %add3A_276, %gather3A_279 : vector<16xf32>
      %broadcast_in_dim3A_281 = arith.constant 10 : i32
      %broadcast_in_dim3A_282 = vector.broadcast %broadcast_in_dim3A_281 : i32 to vector<16xi32>
      %gather3A_283 = tpu.vector_load_idx %arg15[%add3A_237, %broadcast_in_dim3A_282] : memref<512x16xf32, #tpu.memory_space<vmem>>[vector<16xi32>, vector<16xi32>], vector<16xf32>,
      %add3A_284 = arith.addf %add3A_280, %gather3A_283 : vector<16xf32>
      %broadcast_in_dim3A_285 = arith.constant 11 : i32
      %broadcast_in_dim3A_286 = vector.broadcast %broadcast_in_dim3A_285 : i32 to vector<16xi32>
      %gather3A_287 = tpu.vector_load_idx %arg15[%add3A_237, %broadcast_in_dim3A_286] : memref<512x16xf32, #tpu.memory_space<vmem>>[vector<16xi32>, vector<16xi32>], vector<16xf32>,
      %add3A_288 = arith.addf %add3A_284, %gather3A_287 : vector<16xf32>
      %broadcast_in_dim3A_289 = arith.constant 12 : i32
      %broadcast_in_dim3A_290 = vector.broadcast %broadcast_in_dim3A_289 : i32 to vector<16xi32>
      %gather3A_291 = tpu.vector_load_idx %arg15[%add3A_237, %broadcast_in_dim3A_290] : memref<512x16xf32, #tpu.memory_space<vmem>>[vector<16xi32>, vector<16xi32>], vector<16xf32>,
      %add3A_292 = arith.addf %add3A_288, %gather3A_291 : vector<16xf32>
      %broadcast_in_dim3A_293 = arith.constant 13 : i32
      %broadcast_in_dim3A_294 = vector.broadcast %broadcast_in_dim3A_293 : i32 to vector<16xi32>
      %gather3A_295 = tpu.vector_load_idx %arg15[%add3A_237, %broadcast_in_dim3A_294] : memref<512x16xf32, #tpu.memory_space<vmem>>[vector<16xi32>, vector<16xi32>], vector<16xf32>,
      %add3A_296 = arith.addf %add3A_292, %gather3A_295 : vector<16xf32>
      %broadcast_in_dim3A_297 = arith.constant 14 : i32
      %broadcast_in_dim3A_298 = vector.broadcast %broadcast_in_dim3A_297 : i32 to vector<16xi32>
      %gather3A_299 = tpu.vector_load_idx %arg15[%add3A_237, %broadcast_in_dim3A_298] : memref<512x16xf32, #tpu.memory_space<vmem>>[vector<16xi32>, vector<16xi32>], vector<16xf32>,
      %add3A_300 = arith.addf %add3A_296, %gather3A_299 : vector<16xf32>
      %broadcast_in_dim3A_301 = arith.constant 15 : i32
      %broadcast_in_dim3A_302 = vector.broadcast %broadcast_in_dim3A_301 : i32 to vector<16xi32>
      %gather3A_303 = tpu.vector_load_idx %arg15[%add3A_237, %broadcast_in_dim3A_302] : memref<512x16xf32, #tpu.memory_space<vmem>>[vector<16xi32>, vector<16xi32>], vector<16xf32>,
      %add3A_304 = arith.addf %add3A_300, %gather3A_303 : vector<16xf32>
      %swap3A = arith.index_cast %mul3A_235 : i32 to index
      %swap3A_305 = tpu.vector_load %arg16[%swap3A] {strides = array<i32>} : memref<512xf32, #tpu.memory_space<vmem>>, vector<16xf32>,
      tpu.vector_store %arg16[%swap3A], %add3A_304 {strides = array<i32>} : memref<512xf32, #tpu.memory_space<vmem>>, vector<16xf32>,
    }
    %scan3A_232 = arith.constant 32 : i32
    "tpu.region"() ({
      %run_scoped3A = tpu.sem_alloc : memref<!tpu.dma_semaphore, #tpu.memory_space<semaphore_mem>>
      %dma_start3A_233 = tpu.memref_slice %arg8[%mul3A_2] : memref<16384xf32, #tpu.memory_space<hbm>> -> memref<512xf32, #tpu.memory_space<hbm>>
      %dma_start3A_234 = tpu.memref_slice %arg8[%mul3A_2] : memref<16384xf32, #tpu.memory_space<hbm>> -> memref<512xf32, #tpu.memory_space<hbm>>
      tpu.enqueue_dma source(%arg16 : memref<512xf32, #tpu.memory_space<vmem>>) target(%dma_start3A_234 : memref<512xf32, #tpu.memory_space<hbm>>) target_semaphore(%run_scoped3A : memref<!tpu.dma_semaphore, #tpu.memory_space<semaphore_mem>>)
      %dma_wait3A_235 = tpu.memref_slice %arg8[%mul3A_2] : memref<16384xf32, #tpu.memory_space<hbm>> -> memref<512xf32, #tpu.memory_space<hbm>>
      %dma_wait3A_236 = tpu.memref_slice %arg8[%mul3A_2] : memref<16384xf32, #tpu.memory_space<hbm>> -> memref<512xf32, #tpu.memory_space<hbm>>
      tpu.wait_dma2 semaphore(%run_scoped3A : memref<!tpu.dma_semaphore, #tpu.memory_space<semaphore_mem>>) src(%arg16 : memref<512xf32, #tpu.memory_space<vmem>>) dst(%dma_wait3A_236 : memref<512xf32, #tpu.memory_space<hbm>>)
      tpu.yield
    }) : () -> ()
    return
  }
}

</mosaic_0001>

<sc_bundles>
// kernel: _sc_score.3.cloned.1.call-start
scs
__scs_entry_jumppad:
0x0: {  	(pc) =	sbr.rel $0x88, $3  }
0x1: {  	(tag) =	ssettag $0x0;
	lr =	simm.s32 $0x1  }
0x2: {  	[smem:$0x3F9B] =	sst lr;
	_ =	strace $0xD0000000  }
0x3: {  	_ = 	snop  }
0x4: {  	_ = 	snop  }
0x5: {  	_ = 	snop  }
0x6: {  	_ = 	snop  }
0x7: {  	_ = 	snop  }
__scs_overlays_trampoline_lowered:
0x8: {  	[smem:$0x3FAA] =	sst s0  }
0x9: {  	[smem:$0x3FAB] =	sst s1  }
0xa: {  	[smem:$0x3FAC] =	sst s2  }
0xb: {  	[smem:$0x3FAD] =	sst s3  }
0xc: {  	[smem:$0x3FAE] =	sst s4  }
0xd: {  	[smem:$0x3FAF] =	sst s5  }
0xe: {  	[smem:$0x3FB0] =	sst s6  }
0xf: {  	[smem:$0x3FB1] =	sst s7  }
0x10: {  	[smem:$0x3FB2] =	sst s8  }
0x11: {  	[smem:$0x3FB3] =	sst s9;
	s0 =	simm.s32 @!p0 $0x0  }
0x12: {  	s1 =	sld [smem:$0x3F99];
	s0 =	simm.s32 @p0 $0x1  }
0x13: {  	[smem:$0x3FB4] =	sst s0;
	s0 =	simm.s32 @!p1 $0x0  }
0x14: {  	s2 =	sld [smem:$0x3F98];
	s0 =	simm.s32 @p1 $0x1  }
0x15: {  	[smem:$0x3FB5] =	sst s0;
	s0 =	simm.s32 @!p2 $0x0  }
0x16: {  	s3 =	sld [smem:$0x3FDB];
	s0 =	simm.s32 @p2 $0x1  }
0x17: {  	s4 =	simm.s32 $0x1BF5;
	[smem:$0x3FB7] =	sst s0  }
0x18: {  	s0 =	sld [smem:$0x3F9A];
	_ =	swait.ge [sflag:s4], $0x0  }
0x19: {  	s7 =	sld [smem:$0x3F9B]  }
0x1a: {  	s8 =	sadd.s32 $0xFFFFE003, lr  }
0x1b: {  	s9 =	sadd.s32 $0xFFFFFEF7, lr;
	s5 =	simm.s32 $0xFFFFFFFF;
	p2 =	slt.u32 s8, $0xFFFFF086  }
0x1c: {  	p1 =	slt.u32 s9, $0xF7A;
	s5 =	simm.s32 @!p2 $0x0  }
0x1d: {  	s5 =	simm.s32 @p1 $0x1;
	p0 =	seq.s32 s7, s2  }
0x1e: {  	s7 =	smul.u32 @!p0 $0xF7A, s2;
	p2 =	seq.s32 @!p0 s5, $0x0  }
0x1f: {  	s9 =	smul.u32 $0xF7A, s1;
	s8 =	simm.s32 @!p0 $0x1BF5;
	p2 =	por !p2, p0  }
0x20: {  	[sflag:s8] =	ssyncset.s32 @!p0 $0xFFFFF086;
	s6 =	sadd.s32 @!p0 s3, s7;
	s7 =	simm.s32 @!p0 $0x108  }
0x21: {  	s3 =	sadd.s32 s3, s9;
	s6 =	sadd.s32 @!p0 $0x88, s6;
	s7 =	simm.s32 @p2 $0x1082  }
0x22: {  	[simem:s7], [sflag:s8] =	dma.local @!p0 [hbm:s6], $0xF7A  }
0x23: {  	s9 =	sor.u32 $0xD0000000, s2;
	s6 =	simm.s32 $0x108;
	_ =	swait.ge @!p0 [sflag:s8], $0x0  }
0x24: {  	s3 =	sadd.s32 $0x88, s3;
	s6 =	simm.s32 @!p1 $0x1082;
	[sflag:s4] =	ssyncset.s32 $0xFFFFF086  }
0x25: {  	[simem:s6], [sflag:s4] =	dma.local [hbm:s3], $0xF7A  }
0x26: {  	[smem:$0x3F9B] =	sst s1;
	(tag) =	ssettag s2;
	_ =	strace s9  }
0x27: {  	s1 =	sld [smem:$0x3FAB]  }
0x28: {  	s2 =	sld [smem:$0x3FAC]  }
0x29: {  	s4 =	sld [smem:$0x3FAE]  }
0x2a: {  	p0 =	seq.s32 s5, $0x0;
	s5 =	sld [smem:$0x3FAF]  }
0x2b: {  	s6 =	sld [smem:$0x3FB0]  }
0x2c: {  	s7 =	sld [smem:$0x3FB1]  }
0x2d: {  	s3 =	simm.s32 $0x108;
	s8 =	sld [smem:$0x3FB2]  }
0x2e: {  	s3 =	simm.s32 @!p0 $0x1082;
	s9 =	sld [smem:$0x3FB3]  }
0x2f: {  	lr =	sadd.s32 s0, s3;
	s0 =	sld [smem:$0x3FAA]  }
0x30: {  	s3 =	sld [smem:$0x3FAD]  }
0x31: {  	[smem:$0x3FB6] =	sst s10  }
0x32: {  	s10 =	sld [smem:$0x3FB4];
	_ =	sdelay $0x3  }
0x33: {  	p0 =	seq.s32 s10, $0x1;
	s10 =	sld [smem:$0x3FB6];
	_ =	sdelay $0x3  }
0x34: {  	[smem:$0x3FB6] =	sst s10  }
0x35: {  	s10 =	sld [smem:$0x3FB5];
	_ =	sdelay $0x3  }
0x36: {  	p1 =	seq.s32 s10, $0x1;
	s10 =	sld [smem:$0x3FB6];
	_ =	sdelay $0x3  }
0x37: {  	[smem:$0x3FB6] =	sst s10  }
0x38: {  	s10 =	sld [smem:$0x3FB7]  }
0x39: {  	_ = 	snop;
	(pc) =	sbr.ind lr, $3  }
0x3a: {  	_ = 	snop  }
0x3b: {  	_ = 	snop  }
0x3c: {  	p2 =	seq.s32 s10, $0x1;
	s10 =	sld [smem:$0x3FB6]  }
0x3d: {  	_ =	shalt  }
0x3e: {  	_ =	shalt  }
0x3f: {  	_ =	shalt  }
0x40: {  	_ =	shalt  }
0x41: {  	_ =	shalt  }
0x42: {  	_ =	shalt  }
0x43: {  	_ =	shalt  }
0x44: {  	_ =	shalt  }
0x45: {  	_ =	shalt  }
0x46: {  	_ =	shalt  }
0x47: {  	_ =	shalt  }
0x48: {  	_ =	shalt  }
0x49: {  	_ =	shalt  }
0x4a: {  	_ =	shalt  }
0x4b: {  	_ =	shalt  }
0x4c: {  	_ =	shalt  }
0x4d: {  	_ =	shalt  }
0x4e: {  	_ =	shalt  }
0x4f: {  	_ =	shalt  }
0x50: {  	_ =	shalt  }
0x51: {  	_ =	shalt  }
0x52: {  	_ =	shalt  }
0x53: {  	_ =	shalt  }
0x54: {  	_ =	shalt  }
0x55: {  	_ =	shalt  }
0x56: {  	_ =	shalt  }
0x57: {  	_ =	shalt  }
0x58: {  	_ =	shalt  }
0x59: {  	_ =	shalt  }
0x5a: {  	_ =	shalt  }
0x5b: {  	_ =	shalt  }
0x5c: {  	_ =	shalt  }
0x5d: {  	_ =	shalt  }
0x5e: {  	_ =	shalt  }
0x5f: {  	_ =	shalt  }
0x60: {  	_ =	shalt  }
0x61: {  	_ =	shalt  }
0x62: {  	_ =	shalt  }
0x63: {  	_ =	shalt  }
0x64: {  	_ =	shalt  }
0x65: {  	_ =	shalt  }
0x66: {  	_ =	shalt  }
0x67: {  	_ =	shalt  }
0x68: {  	_ =	shalt  }
0x69: {  	_ =	shalt  }
0x6a: {  	_ =	shalt  }
0x6b: {  	_ =	shalt  }
0x6c: {  	_ =	shalt  }
0x6d: {  	_ =	shalt  }
0x6e: {  	_ =	shalt  }
0x6f: {  	_ =	shalt  }
0x70: {  	_ =	shalt  }
0x71: {  	_ =	shalt  }
0x72: {  	_ =	shalt  }
0x73: {  	_ =	shalt  }
0x74: {  	_ =	shalt  }
0x75: {  	_ =	shalt  }
0x76: {  	_ =	shalt  }
0x77: {  	_ =	shalt  }
0x78: {  	_ =	shalt  }
0x79: {  	_ =	shalt  }
0x7a: {  	_ =	shalt  }
0x7b: {  	_ =	shalt  }
0x7c: {  	_ =	shalt  }
0x7d: {  	_ =	shalt  }
0x7e: {  	_ =	shalt  }
0x7f: {  	_ =	shalt  }
0x80: {  	_ =	shalt  }
0x81: {  	_ =	shalt  }
0x82: {  	_ =	shalt  }
0x83: {  	_ =	shalt  }
0x84: {  	_ =	shalt  }
0x85: {  	_ =	shalt  }
0x86: {  	_ =	shalt  }
0x87: {  	_ =	shalt  }
.Lfunc_end0:
.L_simem_size_0:
called_computation_lowered:
.L_overlay_start_0:
0x88: {  	s2 =	sld [smem:$0x3FD9]  }
0x89: {  	s3 =	sld [smem:$0x3FFE];
	_ =	sdelay $0x1  }
0x8a: {  	s1 =	srdreg.scid  }
0x8b: {  	s0 =	sand.u32 $0x1, s1  }
0x8c: {  	s18 =	sshll.u32 s0, $0xA;
	s2 =	sadd.s32 s3, s2  }
0x8d: {  	s2 =	sadd.s32 s2, s18  }
0x8e: {  	[smem:$0x3FC2] =	sst s2  }
0x8f: {  	_ = 	snop  }
0x90: {  	s2 =	sld [smem:$0x3FC9]  }
0x91: {  	s19 =	sld [smem:$0x3FC8]  }
0x92: {  	s4 =	sld [smem:$0x3FC7]  }
0x93: {  	s5 =	sld [smem:$0x3FC6]  }
0x94: {  	s6 =	sld [smem:$0x3FC5]  }
0x95: {  	s7 =	sld [smem:$0x3FC4]  }
0x96: {  	s8 =	sld [smem:$0x3FD0];
	(tm) =	ssettm $0x1  }
0x97: {  	s9 =	sld [smem:$0x3FFB];
	_ =	sdelay $0x3  }
0x98: {  	_ =	strace s9  }
0x99: {  	s9 =	sld [smem:$0x3FFC];
	_ =	sdelay $0x3  }
0x9a: {  	_ =	strace s9  }
0x9b: {  	s9 =	sld [smem:$0x3FFD];
	_ =	sdelay $0x3  }
0x9c: {  	_ =	strace s9  }
0x9d: {  	_ =	strace $0x8FFFFFFF  }
0x9e: {  	s20 =	sld [smem:$0x3FDB];
	_ =	sdelay $0x1  }
0x9f: {  	s10 =	simm.s32 $_scs_section_size  }
0xa0: {  	s11 =	simm.s32 $_size__tile_overlayer_lowered;
	s12 =	simm.s32 $_tile_overlayer_lowered  }
0xa1: {  	s23 =	simm.s32 $0x1BFF;
	s22 =	sshll.u32 s12, $0x1;
	s9 =	sadd.s32 s10, s20  }
0xa2: {  	s13 =	simm.s32 $0x0;
	s21 =	sshll.u32 s11, $0x1;
	s11 =	sadd.s32 s22, s9  }
0xa3: {  	[timem:s13], [sflag:s23] =	dma.local [hbm:s11], s21  }
0xa4: {  	_ =	swait.ge [sflag:s23], s21  }
0xa5: {  	s10 =	ssub.s32 $0x0, s21;
	[sflag:s23] =	ssyncset.done $0x0  }
0xa6: {  	[sflag:s23] =	ssyncadd.s32 s10;
	_ =	sdelay $0x1  }
0xa7: {  	s24 =	simm.s32 $0x1B8B  }
0xa8: {  	_ =	swait.ge [sflag:s24], $0x1  }
0xa9: {  	[sflag:s24] =	ssyncset.done $0x0  }
0xaa: {  	s25 =	simm.s32 $0x1B8E;
	[sflag:s24] =	ssyncadd.s32 $0xFFFFFFFF  }
0xab: {  	s26 =	simm.s32 $execute0_lowered;
	[smem:$0x3FD2] =	sst s25  }
0xac: {  	s10 =	sshll.u32 s26, $0x1;
	_ =	strace $0x80000046;
	[dreg:$0x1] =	wrdreg $0xFFFFFFFF  }
0xad: {  	s28 =	simm.s32 $_size_execute0_lowered;
	s9 =	sadd.s32 s9, s10;
	[dreg:$0x0] =	wrdreg $0x0  }
0xae: {  	s10 =	sshll.u32 s28, $0x1;
	[dreg:$0x2] =	wrdreg s9  }
0xaf: {  	[dreg:$0x3] =	wrdreg s10  }
0xb0: {  	[dreg:$0x4] =	wrdreg $0xC0  }
0xb1: {  	_ =	task [dreg:s13], $0x5FFFF  }
0xb2: {  	[dreg:$0x1] =	wrdreg $0xFFFFFFFF  }
0xb3: {  	[dreg:$0x0] =	wrdreg $0x60  }
0xb4: {  	[dreg:$0x2] =	wrdreg s2  }
0xb5: {  	[dreg:$0x3] =	wrdreg s19  }
0xb6: {  	[dreg:$0x4] =	wrdreg s4  }
0xb7: {  	[dreg:$0x5] =	wrdreg s5  }
0xb8: {  	[dreg:$0x6] =	wrdreg s6  }
0xb9: {  	[dreg:$0x7] =	wrdreg s7  }
0xba: {  	[dreg:$0x8] =	wrdreg s8  }
0xbb: {  	[dreg:$0x9] =	wrdreg $0x9  }
0xbc: {  	_ =	task.clear_ibuf [dreg:s13], $0xAFFFF;
	_ =	strace $0x90000046  }
0xbd: {  	s29 =	simm.s32 $0x9;
	_ =	strace $0x80000048  }
0xbe: {  	_ =	swait.ge [sflag:s29], $0x1  }
0xbf: {  	[sflag:s29] =	ssyncadd.s32 $0xFFFFFFFF  }
0xc0: {  	_ =	strace $0x90000048  }
0xc1: {  	_ =	sfence  }
0xc2: {  	s30 =	sld [smem:$0x0];
	_ =	sdelay $0x2  }
0xc3: {  	s31 =	sshll.u32 s1, $0xD;
	s1 =	sshrl.u32 s1, $0x2  }
0xc4: {  	s3 =	sand.u32 $0x4000, s31;
	s1 =	sadd.s32 s1, s30  }
0xc5: {  	s0 =	sor.u32 s3, s0;
	s1 =	sshll.u32 s1, $0x11  }
0xc6: {  	s0 =	sor.u32 s1, s0  }
0xc7: {  	s0 =	sadd.s32 $0x8F2B, s0  }
0xc8: {  	[sflag:s0] =	ssyncadd.remote.s32 $0x1  }
0xc9: {  	_ =	sfence.sel $0xFFFF  }
0xca: {  	[dreg:$0x0] =	wrdreg $0xFFFFFFFF;
	(pc) =	sbr.abs _section_cstart, $3  }
0xcb: {  	[dreg:$0x1] =	wrdreg $0xFFFFFFFF  }
0xcc: {  	_ =	task.clear_ibuf [dreg:s13], $0x2FFFF;
	_ =	strace $0x9FFFFFFF  }
0xcd: {  	(tm) =	ssettm $0x7FFFFFFF  }
tec
execute0_lowered:
.L_overlay_start_1:
0x0: {  	(tag) =	ssettag $0x1  }
0x1: {  	s0 =	rddreg [dreg:$0x0]  }
0x2: {  	s3 =	rddreg [dreg:$0x1]  }
0x3: {  	s1 =	rddreg [dreg:$0x2]  }
0x4: {  	s2 =	rddreg [dreg:$0x3]  }
0x5: {  	s4 =	rddreg [dreg:$0x6];
	s5 =	srdreg.scid;
	s9 =	simm.s32 $0x0  }
0x6: {  	s7 =	stileid.u32;
	s11 =	simm.s32 $0x3;
	s13 =	simm.s32 $0x80  }
0x7: {  	s28 =	simm.s32 $0x7A1400;
	s29 =	simm.s32 $0x400;
	s30 =	simm.s32 $0x4400  }
0x8: {  	s31 =	simm.s32 $0x1400;
	s14 =	simm.s32 $0x6400;
	s15 =	simm.s32 $0x3400  }
0x9: {  	s16 =	simm.s32 $0x7400;
	s17 =	simm.s32 $0x1;
	s5 =	sand.u32 $0x1, s5  }
0xa: {  	s7 =	sshll.u32 s7, $0x7;
	s6 =	ssub.s32 $0x2, s5;
	s5 =	sshll.u32 s5, $0x6  }
0xb: {  	v0 =	vlaneseq.u32;
	s18 =	simm.s32 $0x2;
	[smem:$0x7FF] =	sst s9;
	s5 =	sor.u32 s5, s7  }
0xc: {  	s19 =	simm.s32 $0x8800;
	v0 =	vmul.u32 $0x80, v0;
	_ =	strace $0x80000047;
	s0 =	sadd.s32 s0, s5  }
0xd: {  	s8 =	sshrl.u32 s6, $0x1;
	s24 =	sadd.s32 s3, s5;
	[dreg:$0x8] =	wrdreg s0  }
0xe: {  	v1 =	vor.u32 $0x800, v0;
	s6 =	ssub.s32 s6, s8;
	s25 =	sadd.s32 s4, s5;
	[dreg:$0x9] =	wrdreg s24  }
0xf: {  	s21 =	simm.s32 $0x0;
	v2 =	vor.u32 $0x1000, v0;
	v3 =	vor.u32 $0x1800, v0;
	v4 =	vor.u32 $0x2000, v0;
	[dreg:$0xa] =	wrdreg s25;
	s26 =	smax.u32 s6, $0x1  }
0x10: {  	v5 =	vor.u32 $0x2800, v0;
	v6 =	vor.u32 $0x3000, v0;
	v7 =	vor.u32 $0x3800, v0;
	s5 =	simm.s32 $0x2400;
	s0 =	simm.s32 $0x5400;
	[dreg:$0xb] =	wrdreg s26  }
.LBB2_1:
0x11: {  	s3 =	rddreg [dreg:$0x8]  }
0x12: {  	[tilespmem:s9], [sflag:$0x3] =	stream.linear.gather [hbm4b:s3+s9], $0x200, $0x38;
	[tilespmem:$0x18A00] =	vst v63  }
0x13: {  	_ =	swait.ge [sflag:s11], $0x200  }
0x14: {  	[sflag:s11] =	ssyncset.done $0x0  }
0x15: {  	s6 =	simm.s32 $0x200;
	s7 =	rddreg [dreg:$0x9];
	[sflag:s11] =	ssyncadd.s32 $0xFFFFFE00  }
0x16: {  	[tilespmem:s6], [sflag:$0x3] =	stream.linear.gather [hbm4b:s7+s9], $0x200, $0x38;
	[tilespmem:$0x18A00] =	vst v63  }
0x17: {  	_ =	swait.ge [sflag:s11], $0x200  }
0x18: {  	[sflag:s11] =	ssyncset.done $0x0  }
0x19: {  	[sflag:s11] =	ssyncadd.s32 $0xFFFFFE00  }
0x1a: {  	s4 =	simm.s32 $0x8400;
	s3 =	rddreg [dreg:$0x4]  }
0x1b: {  	[tilespmem:s4], [sflag:$0x2] =	stream.indirect.gather [hbm4b:s3+s13], $0x1, s9, s13, $0xb8;
	[tilespmem:$0x18A00] =	vst v63  }
0x1c: {  	s7 =	simm.s32 $0x8600;
	s8 =	rddreg [dreg:$0x5]  }
0x1d: {  	[tilespmem:s7], [sflag:$0x2] =	stream.indirect.gather [hbm4b:s8+s13], $0x1, s6, s13, $0xb8;
	[tilespmem:$0x18A00] =	vst v63  }
0x1e: {  	s9 =	simm.s32 $0x8480  }
0x1f: {  	[tilespmem:s9], [sflag:$0x2] =	stream.indirect.gather [hbm4b:s3+s13], $0x1, s13, s13, $0xb8;
	[tilespmem:$0x18A00] =	vst v63  }
0x20: {  	s10 =	simm.s32 $0x280;
	s12 =	simm.s32 $0x8680  }
0x21: {  	[tilespmem:s12], [sflag:$0x2] =	stream.indirect.gather [hbm4b:s8+s13], $0x1, s10, s13, $0xb8;
	[tilespmem:$0x18A00] =	vst v63  }
0x22: {  	s20 =	simm.s32 $0x100;
	s22 =	simm.s32 $0x8500  }
0x23: {  	[tilespmem:s22], [sflag:$0x2] =	stream.indirect.gather [hbm4b:s3+s13], $0x1, s20, s13, $0xb8;
	[tilespmem:$0x18A00] =	vst v63  }
0x24: {  	s23 =	simm.s32 $0x300;
	s24 =	simm.s32 $0x8700  }
0x25: {  	[tilespmem:s24], [sflag:$0x2] =	stream.indirect.gather [hbm4b:s8+s13], $0x1, s23, s13, $0xb8;
	[tilespmem:$0x18A00] =	vst v63  }
0x26: {  	s25 =	simm.s32 $0x180;
	s26 =	simm.s32 $0x8580  }
0x27: {  	[tilespmem:s26], [sflag:$0x2] =	stream.indirect.gather [hbm4b:s3+s13], $0x1, s25, s13, $0xb8;
	[tilespmem:$0x18A00] =	vst v63  }
0x28: {  	s6 =	simm.s32 $0x380;
	s7 =	simm.s32 $0x8780  }
0x29: {  	[tilespmem:s7], [sflag:$0x2] =	stream.indirect.gather [hbm4b:s8+s13], $0x1, s6, s13, $0xb8;
	[tilespmem:$0x18A00] =	vst v63  }
0x2a: {  	v8 =	vld [tilespmem:$0x0];
	_ =	sdelay $0x3  }
0x2b: {  	v9 =	vld [tilespmem:$0x200]  }
0x2c: {  	(v2sf) =	vpush v8, $0x0;
	_ =	sdelay $0x3  }
0x2d: {  	(v2sf) =	vpush v9, $0x0  }
0x2e: {  	(v2sf) =	vpush v8, $0x1;
	_ =	sdelay $0x1  }
0x2f: {  	(v2sf) =	vpush v9, $0x1;
	_ =	sdelay $0x1  }
0x30: {  	(v2sf) =	vpush v8, $0x2;
	_ =	sdelay $0x5  }
0x31: {  	s8 =	spop (v2sf);
	(v2sf) =	vpush v9, $0x2;
	_ =	sdelay $0x3  }
0x32: {  	s3 =	sand.u32 $0xFFFFF80, s8;
	s9 =	spop (v2sf)  }
0x33: {  	s3 =	sadd.s32 s1, s3;
	s10 =	sand.u32 $0xFFFFF80, s9;
	s12 =	spop (v2sf)  }
0x34: {  	[tilespmem:s29], [sflag:$0x1] =	stream.strided.gather [hbm4b:s3+s29], $0x1000, s28, s29, $0x38;
	[tilespmem:$0x18A00] =	vst v63  }
0x35: {  	s3 =	sadd.s32 s2, s10;
	s20 =	sand.u32 $0xFFFFF80, s12;
	s22 =	spop (v2sf)  }
0x36: {  	[tilespmem:s30], [sflag:$0x1] =	stream.strided.gather [hbm4b:s3+s29], $0x1000, s28, s29, $0x38;
	[tilespmem:$0x18A00] =	vst v63  }
0x37: {  	s23 =	sand.u32 $0xFFFFF80, s22;
	s24 =	spop (v2sf);
	s3 =	sadd.s32 s1, s20  }
0x38: {  	[tilespmem:s31], [sflag:$0x1] =	stream.strided.gather [hbm4b:s3+s29], $0x1000, s28, s29, $0x38;
	[tilespmem:$0x18A00] =	vst v63  }
0x39: {  	s25 =	sand.u32 $0xFFFFF80, s24;
	s3 =	sadd.s32 s2, s23  }
0x3a: {  	[tilespmem:s0], [sflag:$0x1] =	stream.strided.gather [hbm4b:s3+s29], $0x1000, s28, s29, $0x38;
	[tilespmem:$0x18A00] =	vst v63  }
0x3b: {  	s3 =	sadd.s32 s1, s25  }
0x3c: {  	[tilespmem:s5], [sflag:$0x1] =	stream.strided.gather [hbm4b:s3+s29], $0x1000, s28, s29, $0x38;
	[tilespmem:$0x18A00] =	vst v63  }
0x3d: {  	s26 =	spop (v2sf)  }
0x3e: {  	s22 =	simm.s32 $0x8C00;
	s3 =	sand.u32 $0xFFFFF80, s26  }
0x3f: {  	s24 =	simm.s32 $0x0;
	s23 =	simm.s32 $0x0;
	s3 =	sadd.s32 s2, s3  }
0x40: {  	[tilespmem:s14], [sflag:$0x1] =	stream.strided.gather [hbm4b:s3+s29], $0x1000, s28, s29, $0x38;
	[tilespmem:$0x18A00] =	vst v63  }
.LBB2_2:
0x41: {  	s3 =	sshra.s32 s24, $0x2  }
0x42: {  	v11 =	vld [tilespmem:s3+$0x0]  }
0x43: {  	v10 =	vld [tilespmem:s3+$0x200];
	_ =	sdelay $0x3  }
0x44: {  	(v2sf) =	vpush v11, $0x3  }
0x45: {  	(v2sf) =	vpush v10, $0x3;
	_ =	sdelay $0xd  }
0x46: {  	s25 =	spop (v2sf)  }
0x47: {  	s10 =	smin.u32 s23, $0x1E0;
	s4 =	sand.u32 $0xFFFFF80, s25;
	s26 =	spop (v2sf)  }
0x48: {  	v8 =	vld [tilespmem:s10+$0x10];
	s12 =	sadd.s32 s1, s4;
	s20 =	sand.u32 $0xFFFFF80, s26  }
0x49: {  	v9 =	vld [tilespmem:s10+$0x210];
	[tilespmem:s15], [sflag:$0x1] =	stream.strided.gather [hbm4b:s12+s29], $0x1000, s28, s29, $0x38  }
0x4a: {  	s3 =	sadd.s32 s2, s20  }
0x4b: {  	[tilespmem:s16], [sflag:$0x1] =	stream.strided.gather [hbm4b:s3+s29], $0x1000, s28, s29, $0x38;
	[tilespmem:$0x18A00] =	vst v63  }
0x4c: {  	_ =	swait.ge [sflag:s17], $0x1000  }
0x4d: {  	[sflag:s17] =	ssyncset.done $0x0  }
0x4e: {  	[sflag:s17] =	ssyncadd.s32 $0xFFFFF000  }
0x4f: {  	_ =	swait.ge [sflag:s17], $0x1000  }
0x50: {  	(v2sf) =	vpush v11, $0x0  }
0x51: {  	(v2sf) =	vpush v10, $0x0;
	_ =	sdelay $0xd  }
0x52: {  	s4 =	spop (v2sf)  }
0x53: {  	s3 =	sand.u32 $0x7F, s4;
	s6 =	spop (v2sf)  }
0x54: {  	(v2sf) =	vpush v11, $0x4;
	s4 =	sand.u32 $0x7F, s6;
	v12 =	vor.u32 s3, v0  }
0x55: {  	(v2sf) =	vpush v10, $0x4;
	v13 =	vor.u32 s4, v0  }
0x56: {  	v14 =	vor.u32 s3, v1  }
0x57: {  	[sflag:s17] =	ssyncset.done $0x0;
	v15 =	vor.u32 s4, v1  }
0x58: {  	[sflag:s17] =	ssyncadd.s32 $0xFFFFF000  }
0x59: {  	v12 =	vld.idx.msk [tilespmem:v12+s29+$0x0], $0xffff  }
0x5a: {  	v13 =	vld.idx.msk [tilespmem:v13+s30+$0x0], $0xffff  }
0x5b: {  	v14 =	vld.idx.msk [tilespmem:v14+s29+$0x0], $0xffff  }
0x5c: {  	v15 =	vld.idx.msk [tilespmem:v15+s30+$0x0], $0xffff;
	_ =	sdelay $0x2  }
0x5d: {  	v12 =	vmul.f32 v13, v12;
	_ =	sdelay $0x1  }
0x5e: {  	v37 =	vmul.f32 v15, v14;
	v12 =	vadd.f32 $0.0e+00, v12;
	_ =	sdelay $0x1  }
0x5f: {  	s20 =	spop (v2sf);
	v12 =	vadd.f32 v37, v12  }
0x60: {  	s7 =	sand.u32 $0xFFFFF80, s20;
	s12 =	spop (v2sf)  }
0x61: {  	s3 =	sadd.s32 s1, s7;
	s8 =	sand.u32 $0xFFFFF80, s12;
	[tilespmem:s22+$0xFFFFFC00] =	vst v12  }
0x62: {  	[tilespmem:s29], [sflag:$0x1] =	stream.strided.gather [hbm4b:s3+s29], $0x1000, s28, s29, $0x38;
	[tilespmem:$0x18A00] =	vst v63  }
0x63: {  	s3 =	sadd.s32 s2, s8  }
0x64: {  	[tilespmem:s30], [sflag:$0x1] =	stream.strided.gather [hbm4b:s3+s29], $0x1000, s28, s29, $0x38;
	[tilespmem:$0x18A00] =	vst v63  }
0x65: {  	_ =	swait.ge [sflag:s17], $0x1000  }
0x66: {  	[sflag:s17] =	ssyncset.done $0x0  }
0x67: {  	[sflag:s17] =	ssyncadd.s32 $0xFFFFF000  }
0x68: {  	_ =	swait.ge [sflag:s17], $0x1000  }
0x69: {  	(v2sf) =	vpush v11, $0x1  }
0x6a: {  	(v2sf) =	vpush v10, $0x1;
	_ =	sdelay $0xd  }
0x6b: {  	s9 =	spop (v2sf)  }
0x6c: {  	s3 =	sand.u32 $0x7F, s9;
	s10 =	spop (v2sf)  }
0x6d: {  	(v2sf) =	vpush v11, $0x5;
	s4 =	sand.u32 $0x7F, s10;
	v38 =	vor.u32 s3, v2  }
0x6e: {  	(v2sf) =	vpush v10, $0x5;
	v39 =	vor.u32 s4, v2  }
0x6f: {  	v40 =	vor.u32 s3, v3  }
0x70: {  	[sflag:s17] =	ssyncset.done $0x0;
	v41 =	vor.u32 s4, v3  }
0x71: {  	[sflag:s17] =	ssyncadd.s32 $0xFFFFF000  }
0x72: {  	v12 =	vld.idx.msk [tilespmem:v38+s29+$0x0], $0xffff  }
0x73: {  	v13 =	vld.idx.msk [tilespmem:v39+s30+$0x0], $0xffff  }
0x74: {  	v14 =	vld.idx.msk [tilespmem:v40+s29+$0x0], $0xffff  }
0x75: {  	v15 =	vld.idx.msk [tilespmem:v41+s30+$0x0], $0xffff;
	_ =	sdelay $0x2  }
0x76: {  	v12 =	vmul.f32 v13, v12;
	_ =	sdelay $0x1  }
0x77: {  	v42 =	vmul.f32 v15, v14;
	v12 =	vadd.f32 $0.0e+00, v12;
	_ =	sdelay $0x1  }
0x78: {  	s7 =	spop (v2sf);
	v12 =	vadd.f32 v42, v12  }
0x79: {  	s4 =	sand.u32 $0xFFFFF80, s7;
	s8 =	spop (v2sf)  }
0x7a: {  	s3 =	sadd.s32 s1, s4;
	s6 =	sand.u32 $0xFFFFF80, s8;
	[tilespmem:s22+$0xFFFFFC80] =	vst v12  }
0x7b: {  	[tilespmem:s31], [sflag:$0x1] =	stream.strided.gather [hbm4b:s3+s29], $0x1000, s28, s29, $0x38;
	[tilespmem:$0x18A00] =	vst v63  }
0x7c: {  	s3 =	sadd.s32 s2, s6  }
0x7d: {  	[tilespmem:s0], [sflag:$0x1] =	stream.strided.gather [hbm4b:s3+s29], $0x1000, s28, s29, $0x38;
	[tilespmem:$0x18A00] =	vst v63  }
0x7e: {  	_ =	swait.ge [sflag:s17], $0x1000  }
0x7f: {  	[sflag:s17] =	ssyncset.done $0x0  }
0x80: {  	[sflag:s17] =	ssyncadd.s32 $0xFFFFF000  }
0x81: {  	_ =	swait.ge [sflag:s17], $0x1000  }
0x82: {  	(v2sf) =	vpush v11, $0x2  }
0x83: {  	(v2sf) =	vpush v10, $0x2;
	_ =	sdelay $0xd  }
0x84: {  	s9 =	spop (v2sf)  }
0x85: {  	s3 =	sand.u32 $0x7F, s9;
	s10 =	spop (v2sf)  }
0x86: {  	(v2sf) =	vpush v11, $0x6;
	s4 =	sand.u32 $0x7F, s10;
	v43 =	vor.u32 s3, v4  }
0x87: {  	(v2sf) =	vpush v10, $0x6;
	v44 =	vor.u32 s4, v4  }
0x88: {  	v45 =	vor.u32 s3, v5  }
0x89: {  	[sflag:s17] =	ssyncset.done $0x0;
	v46 =	vor.u32 s4, v5  }
0x8a: {  	[sflag:s17] =	ssyncadd.s32 $0xFFFFF000  }
0x8b: {  	v12 =	vld.idx.msk [tilespmem:v43+s29+$0x0], $0xffff  }
0x8c: {  	v13 =	vld.idx.msk [tilespmem:v44+s30+$0x0], $0xffff  }
0x8d: {  	v14 =	vld.idx.msk [tilespmem:v45+s29+$0x0], $0xffff  }
0x8e: {  	v15 =	vld.idx.msk [tilespmem:v46+s30+$0x0], $0xffff;
	_ =	sdelay $0x2  }
0x8f: {  	v12 =	vmul.f32 v13, v12;
	_ =	sdelay $0x1  }
0x90: {  	v47 =	vmul.f32 v15, v14;
	v12 =	vadd.f32 $0.0e+00, v12;
	_ =	sdelay $0x1  }
0x91: {  	s9 =	spop (v2sf);
	v12 =	vadd.f32 v47, v12  }
0x92: {  	s4 =	sand.u32 $0xFFFFF80, s9;
	s10 =	spop (v2sf)  }
0x93: {  	s3 =	sadd.s32 s1, s4;
	s6 =	sand.u32 $0xFFFFF80, s10;
	[tilespmem:s22+$0xFFFFFD00] =	vst v12  }
0x94: {  	[tilespmem:s5], [sflag:$0x1] =	stream.strided.gather [hbm4b:s3+s29], $0x1000, s28, s29, $0x38;
	[tilespmem:$0x18A00] =	vst v63  }
0x95: {  	s3 =	sadd.s32 s2, s6  }
0x96: {  	[tilespmem:s14], [sflag:$0x1] =	stream.strided.gather [hbm4b:s3+s29], $0x1000, s28, s29, $0x38;
	[tilespmem:$0x18A00] =	vst v63  }
0x97: {  	_ =	swait.ge [sflag:s17], $0x1000  }
0x98: {  	[sflag:s17] =	ssyncset.done $0x0  }
0x99: {  	[sflag:s17] =	ssyncadd.s32 $0xFFFFF000  }
0x9a: {  	s25 =	sand.u32 $0x7F, s25;
	_ =	swait.ge [sflag:s17], $0x1000  }
0x9b: {  	s26 =	sand.u32 $0x7F, s26;
	v48 =	vor.u32 s25, v6;
	(v2sf) =	vpush v11, $0x7  }
0x9c: {  	v49 =	vor.u32 s26, v6;
	(v2sf) =	vpush v10, $0x7  }
0x9d: {  	v50 =	vor.u32 s25, v7  }
0x9e: {  	v51 =	vor.u32 s26, v7;
	[sflag:s17] =	ssyncset.done $0x0  }
0x9f: {  	[sflag:s17] =	ssyncadd.s32 $0xFFFFF000  }
0xa0: {  	v12 =	vld.idx.msk [tilespmem:v48+s29+$0x0], $0xffff  }
0xa1: {  	v13 =	vld.idx.msk [tilespmem:v49+s30+$0x0], $0xffff  }
0xa2: {  	v14 =	vld.idx.msk [tilespmem:v50+s29+$0x0], $0xffff  }
0xa3: {  	v15 =	vld.idx.msk [tilespmem:v51+s30+$0x0], $0xffff;
	_ =	sdelay $0x2  }
0xa4: {  	v12 =	vmul.f32 v13, v12;
	_ =	sdelay $0x1  }
0xa5: {  	v52 =	vmul.f32 v15, v14;
	v12 =	vadd.f32 $0.0e+00, v12;
	_ =	sdelay $0x1  }
0xa6: {  	v12 =	vadd.f32 v52, v12;
	s25 =	spop (v2sf)  }
0xa7: {  	s6 =	sand.u32 $0xFFFFF80, s25;
	s26 =	spop (v2sf)  }
0xa8: {  	[tilespmem:s22+$0xFFFFFD80] =	vst v12;
	s3 =	sadd.s32 s1, s6;
	s4 =	sand.u32 $0xFFFFF80, s26  }
0xa9: {  	[tilespmem:s15], [sflag:$0x1] =	stream.strided.gather [hbm4b:s3+s29], $0x1000, s28, s29, $0x38;
	[tilespmem:$0x18A00] =	vst v63  }
0xaa: {  	s3 =	sadd.s32 s2, s4  }
0xab: {  	[tilespmem:s16], [sflag:$0x1] =	stream.strided.gather [hbm4b:s3+s29], $0x1000, s28, s29, $0x38;
	[tilespmem:$0x18A00] =	vst v63  }
0xac: {  	_ =	swait.ge [sflag:s17], $0x1000  }
0xad: {  	[sflag:s17] =	ssyncset.done $0x0  }
0xae: {  	[sflag:s17] =	ssyncadd.s32 $0xFFFFF000  }
0xaf: {  	s6 =	sand.u32 $0x7F, s20;
	_ =	swait.ge [sflag:s17], $0x1000  }
0xb0: {  	s12 =	sand.u32 $0x7F, s12;
	v53 =	vor.u32 s6, v0;
	(v2sf) =	vpush v11, $0x8  }
0xb1: {  	v54 =	vor.u32 s12, v0;
	(v2sf) =	vpush v10, $0x8  }
0xb2: {  	v55 =	vor.u32 s6, v1  }
0xb3: {  	v56 =	vor.u32 s12, v1;
	[sflag:s17] =	ssyncset.done $0x0  }
0xb4: {  	[sflag:s17] =	ssyncadd.s32 $0xFFFFF000  }
0xb5: {  	v12 =	vld.idx.msk [tilespmem:v53+s29+$0x0], $0xffff  }
0xb6: {  	v13 =	vld.idx.msk [tilespmem:v54+s30+$0x0], $0xffff  }
0xb7: {  	v14 =	vld.idx.msk [tilespmem:v55+s29+$0x0], $0xffff  }
0xb8: {  	v15 =	vld.idx.msk [tilespmem:v56+s30+$0x0], $0xffff;
	_ =	sdelay $0x2  }
0xb9: {  	v12 =	vmul.f32 v13, v12;
	_ =	sdelay $0x1  }
0xba: {  	v57 =	vmul.f32 v15, v14;
	v12 =	vadd.f32 $0.0e+00, v12;
	_ =	sdelay $0x1  }
0xbb: {  	v12 =	vadd.f32 v57, v12;
	s12 =	spop (v2sf)  }
0xbc: {  	s20 =	sand.u32 $0xFFFFF80, s12;
	s3 =	spop (v2sf)  }
0xbd: {  	[tilespmem:s22+$0xFFFFFE00] =	vst v12;
	s4 =	sadd.s32 s1, s20;
	s6 =	sand.u32 $0xFFFFF80, s3  }
0xbe: {  	[tilespmem:s29], [sflag:$0x1] =	stream.strided.gather [hbm4b:s4+s29], $0x1000, s28, s29, $0x38;
	[tilespmem:$0x18A00] =	vst v63  }
0xbf: {  	s4 =	sadd.s32 s2, s6  }
0xc0: {  	[tilespmem:s30], [sflag:$0x1] =	stream.strided.gather [hbm4b:s4+s29], $0x1000, s28, s29, $0x38;
	[tilespmem:$0x18A00] =	vst v63  }
0xc1: {  	_ =	swait.ge [sflag:s17], $0x1000  }
0xc2: {  	[sflag:s17] =	ssyncset.done $0x0  }
0xc3: {  	[sflag:s17] =	ssyncadd.s32 $0xFFFFF000  }
0xc4: {  	s7 =	sand.u32 $0x7F, s7;
	_ =	swait.ge [sflag:s17], $0x1000  }
0xc5: {  	v58 =	vor.u32 s7, v2;
	s6 =	sand.u32 $0x7F, s8;
	(v2sf) =	vpush v11, $0x9  }
0xc6: {  	v59 =	vor.u32 s6, v2;
	(v2sf) =	vpush v10, $0x9  }
0xc7: {  	v60 =	vor.u32 s7, v3  }
0xc8: {  	v61 =	vor.u32 s6, v3;
	[sflag:s17] =	ssyncset.done $0x0  }
0xc9: {  	[sflag:s17] =	ssyncadd.s32 $0xFFFFF000  }
0xca: {  	v12 =	vld.idx.msk [tilespmem:v58+s29+$0x0], $0xffff  }
0xcb: {  	v13 =	vld.idx.msk [tilespmem:v59+s30+$0x0], $0xffff  }
0xcc: {  	v14 =	vld.idx.msk [tilespmem:v60+s29+$0x0], $0xffff  }
0xcd: {  	v15 =	vld.idx.msk [tilespmem:v61+s30+$0x0], $0xffff;
	_ =	sdelay $0x2  }
0xce: {  	v12 =	vmul.f32 v13, v12;
	_ =	sdelay $0x1  }
0xcf: {  	v62 =	vmul.f32 v15, v14;
	v12 =	vadd.f32 $0.0e+00, v12;
	_ =	sdelay $0x1  }
0xd0: {  	v12 =	vadd.f32 v62, v12;
	s7 =	spop (v2sf)  }
0xd1: {  	s20 =	sand.u32 $0xFFFFF80, s7;
	s8 =	spop (v2sf)  }
0xd2: {  	[tilespmem:s22+$0xFFFFFE80] =	vst v12;
	s4 =	sadd.s32 s1, s20;
	s6 =	sand.u32 $0xFFFFF80, s8  }
0xd3: {  	[tilespmem:s31], [sflag:$0x1] =	stream.strided.gather [hbm4b:s4+s29], $0x1000, s28, s29, $0x38;
	[tilespmem:$0x18A00] =	vst v63  }
0xd4: {  	s4 =	sadd.s32 s2, s6  }
0xd5: {  	[tilespmem:s0], [sflag:$0x1] =	stream.strided.gather [hbm4b:s4+s29], $0x1000, s28, s29, $0x38;
	[tilespmem:$0x18A00] =	vst v63  }
0xd6: {  	_ =	swait.ge [sflag:s17], $0x1000  }
0xd7: {  	[sflag:s17] =	ssyncset.done $0x0  }
0xd8: {  	[sflag:s17] =	ssyncadd.s32 $0xFFFFF000  }
0xd9: {  	s9 =	sand.u32 $0x7F, s9;
	_ =	swait.ge [sflag:s17], $0x1000  }
0xda: {  	v63 =	vor.u32 s9, v4;
	s20 =	sand.u32 $0x7F, s10;
	(v2sf) =	vpush v11, $0xA  }
0xdb: {  	v18 =	vor.u32 s20, v4;
	(v2sf) =	vpush v10, $0xA  }
0xdc: {  	v19 =	vor.u32 s9, v5  }
0xdd: {  	v20 =	vor.u32 s20, v5;
	[sflag:s17] =	ssyncset.done $0x0  }
0xde: {  	[sflag:s17] =	ssyncadd.s32 $0xFFFFF000  }
0xdf: {  	v12 =	vld.idx.msk [tilespmem:v63+s29+$0x0], $0xffff  }
0xe0: {  	v13 =	vld.idx.msk [tilespmem:v18+s30+$0x0], $0xffff  }
0xe1: {  	v14 =	vld.idx.msk [tilespmem:v19+s29+$0x0], $0xffff  }
0xe2: {  	v15 =	vld.idx.msk [tilespmem:v20+s30+$0x0], $0xffff;
	_ =	sdelay $0x2  }
0xe3: {  	v12 =	vmul.f32 v13, v12;
	_ =	sdelay $0x1  }
0xe4: {  	v21 =	vmul.f32 v15, v14;
	v12 =	vadd.f32 $0.0e+00, v12;
	_ =	sdelay $0x1  }
0xe5: {  	v12 =	vadd.f32 v21, v12;
	s20 =	spop (v2sf)  }
0xe6: {  	s9 =	sand.u32 $0xFFFFF80, s20;
	s4 =	spop (v2sf)  }
0xe7: {  	[tilespmem:s22+$0xFFFFFF00] =	vst v12;
	s6 =	sadd.s32 s1, s9;
	s10 =	sand.u32 $0xFFFFF80, s4  }
0xe8: {  	[tilespmem:s5], [sflag:$0x1] =	stream.strided.gather [hbm4b:s6+s29], $0x1000, s28, s29, $0x38;
	[tilespmem:$0x18A00] =	vst v63  }
0xe9: {  	s6 =	sadd.s32 s2, s10  }
0xea: {  	[tilespmem:s14], [sflag:$0x1] =	stream.strided.gather [hbm4b:s6+s29], $0x1000, s28, s29, $0x38;
	[tilespmem:$0x18A00] =	vst v63  }
0xeb: {  	_ =	swait.ge [sflag:s17], $0x1000  }
0xec: {  	[sflag:s17] =	ssyncset.done $0x0  }
0xed: {  	[sflag:s17] =	ssyncadd.s32 $0xFFFFF000  }
0xee: {  	s25 =	sand.u32 $0x7F, s25;
	_ =	swait.ge [sflag:s17], $0x1000  }
0xef: {  	s26 =	sand.u32 $0x7F, s26;
	v22 =	vor.u32 s25, v6;
	(v2sf) =	vpush v11, $0xB  }
0xf0: {  	v23 =	vor.u32 s26, v6;
	(v2sf) =	vpush v10, $0xB  }
0xf1: {  	v24 =	vor.u32 s25, v7  }
0xf2: {  	v25 =	vor.u32 s26, v7;
	[sflag:s17] =	ssyncset.done $0x0  }
0xf3: {  	[sflag:s17] =	ssyncadd.s32 $0xFFFFF000  }
0xf4: {  	v12 =	vld.idx.msk [tilespmem:v22+s29+$0x0], $0xffff  }
0xf5: {  	v13 =	vld.idx.msk [tilespmem:v23+s30+$0x0], $0xffff  }
0xf6: {  	v14 =	vld.idx.msk [tilespmem:v24+s29+$0x0], $0xffff  }
0xf7: {  	v15 =	vld.idx.msk [tilespmem:v25+s30+$0x0], $0xffff;
	_ =	sdelay $0x2  }
0xf8: {  	v12 =	vmul.f32 v13, v12;
	_ =	sdelay $0x1  }
0xf9: {  	v26 =	vmul.f32 v15, v14;
	v12 =	vadd.f32 $0.0e+00, v12;
	_ =	sdelay $0x1  }
0xfa: {  	v12 =	vadd.f32 v26, v12;
	s25 =	spop (v2sf)  }
0xfb: {  	s10 =	sand.u32 $0xFFFFF80, s25;
	s6 =	spop (v2sf)  }
0xfc: {  	[tilespmem:s22+$0xFFFFFF80] =	vst v12;
	s9 =	sadd.s32 s1, s10;
	s26 =	sand.u32 $0xFFFFF80, s6  }
0xfd: {  	[tilespmem:s15], [sflag:$0x1] =	stream.strided.gather [hbm4b:s9+s29], $0x1000, s28, s29, $0x38;
	[tilespmem:$0x18A00] =	vst v63  }
0xfe: {  	s9 =	sadd.s32 s2, s26  }
0xff: {  	[tilespmem:s16], [sflag:$0x1] =	stream.strided.gather [hbm4b:s9+s29], $0x1000, s28, s29, $0x38;
	[tilespmem:$0x18A00] =	vst v63  }
0x100: {  	_ =	swait.ge [sflag:s17], $0x1000  }
0x101: {  	[sflag:s17] =	ssyncset.done $0x0  }
0x102: {  	[sflag:s17] =	ssyncadd.s32 $0xFFFFF000  }
0x103: {  	s10 =	sand.u32 $0x7F, s12;
	_ =	swait.ge [sflag:s17], $0x1000  }
0x104: {  	s3 =	sand.u32 $0x7F, s3;
	v27 =	vor.u32 s10, v0;
	(v2sf) =	vpush v11, $0xC  }
0x105: {  	v28 =	vor.u32 s3, v0;
	(v2sf) =	vpush v10, $0xC  }
0x106: {  	v29 =	vor.u32 s10, v1  }
0x107: {  	v30 =	vor.u32 s3, v1;
	[sflag:s17] =	ssyncset.done $0x0  }
0x108: {  	[sflag:s17] =	ssyncadd.s32 $0xFFFFF000  }
0x109: {  	v12 =	vld.idx.msk [tilespmem:v27+s29+$0x0], $0xffff  }
0x10a: {  	v13 =	vld.idx.msk [tilespmem:v28+s30+$0x0], $0xffff  }
0x10b: {  	v14 =	vld.idx.msk [tilespmem:v29+s29+$0x0], $0xffff  }
0x10c: {  	v15 =	vld.idx.msk [tilespmem:v30+s30+$0x0], $0xffff;
	_ =	sdelay $0x2  }
0x10d: {  	v12 =	vmul.f32 v13, v12;
	_ =	sdelay $0x1  }
0x10e: {  	v31 =	vmul.f32 v15, v14;
	v12 =	vadd.f32 $0.0e+00, v12;
	_ =	sdelay $0x1  }
0x10f: {  	v12 =	vadd.f32 v31, v12;
	s9 =	spop (v2sf)  }
0x110: {  	s12 =	sand.u32 $0xFFFFF80, s9;
	s10 =	spop (v2sf)  }
0x111: {  	[tilespmem:s22+$0x0] =	vst v12;
	s3 =	sadd.s32 s1, s12;
	s26 =	sand.u32 $0xFFFFF80, s10  }
0x112: {  	[tilespmem:s29], [sflag:$0x1] =	stream.strided.gather [hbm4b:s3+s29], $0x1000, s28, s29, $0x38;
	[tilespmem:$0x18A00] =	vst v63  }
0x113: {  	s3 =	sadd.s32 s2, s26  }
0x114: {  	[tilespmem:s30], [sflag:$0x1] =	stream.strided.gather [hbm4b:s3+s29], $0x1000, s28, s29, $0x38;
	[tilespmem:$0x18A00] =	vst v63  }
0x115: {  	_ =	swait.ge [sflag:s17], $0x1000  }
0x116: {  	[sflag:s17] =	ssyncset.done $0x0  }
0x117: {  	[sflag:s17] =	ssyncadd.s32 $0xFFFFF000  }
0x118: {  	s12 =	sand.u32 $0x7F, s7;
	_ =	swait.ge [sflag:s17], $0x1000  }
0x119: {  	s26 =	sand.u32 $0x7F, s8;
	v32 =	vor.u32 s12, v2;
	(v2sf) =	vpush v11, $0xD  }
0x11a: {  	v33 =	vor.u32 s26, v2;
	(v2sf) =	vpush v10, $0xD  }
0x11b: {  	v34 =	vor.u32 s12, v3  }
0x11c: {  	v35 =	vor.u32 s26, v3;
	[sflag:s17] =	ssyncset.done $0x0  }
0x11d: {  	[sflag:s17] =	ssyncadd.s32 $0xFFFFF000  }
0x11e: {  	v12 =	vld.idx.msk [tilespmem:v32+s29+$0x0], $0xffff  }
0x11f: {  	v13 =	vld.idx.msk [tilespmem:v33+s30+$0x0], $0xffff  }
0x120: {  	v14 =	vld.idx.msk [tilespmem:v34+s29+$0x0], $0xffff  }
0x121: {  	v15 =	vld.idx.msk [tilespmem:v35+s30+$0x0], $0xffff;
	_ =	sdelay $0x2  }
0x122: {  	v12 =	vmul.f32 v13, v12;
	_ =	sdelay $0x1  }
0x123: {  	v36 =	vmul.f32 v15, v14;
	v12 =	vadd.f32 $0.0e+00, v12;
	_ =	sdelay $0x1  }
0x124: {  	v12 =	vadd.f32 v36, v12;
	s26 =	spop (v2sf)  }
0x125: {  	s7 =	sand.u32 $0xFFFFF80, s26;
	s8 =	spop (v2sf)  }
0x126: {  	[tilespmem:s22+$0x80] =	vst v12;
	s3 =	sadd.s32 s1, s7;
	s12 =	sand.u32 $0xFFFFF80, s8  }
0x127: {  	[tilespmem:s31], [sflag:$0x1] =	stream.strided.gather [hbm4b:s3+s29], $0x1000, s28, s29, $0x38;
	[tilespmem:$0x18A00] =	vst v63  }
0x128: {  	s3 =	sadd.s32 s2, s12  }
0x129: {  	[tilespmem:s0], [sflag:$0x1] =	stream.strided.gather [hbm4b:s3+s29], $0x1000, s28, s29, $0x38;
	[tilespmem:$0x18A00] =	vst v63  }
0x12a: {  	_ =	swait.ge [sflag:s17], $0x1000  }
0x12b: {  	[sflag:s17] =	ssyncset.done $0x0  }
0x12c: {  	[sflag:s17] =	ssyncadd.s32 $0xFFFFF000  }
0x12d: {  	s20 =	sand.u32 $0x7F, s20;
	_ =	swait.ge [sflag:s17], $0x1000  }
0x12e: {  	s4 =	sand.u32 $0x7F, s4;
	v37 =	vor.u32 s20, v4;
	(v2sf) =	vpush v11, $0xE  }
0x12f: {  	v38 =	vor.u32 s4, v4;
	(v2sf) =	vpush v10, $0xE  }
0x130: {  	v39 =	vor.u32 s20, v5  }
0x131: {  	v40 =	vor.u32 s4, v5;
	[sflag:s17] =	ssyncset.done $0x0  }
0x132: {  	[sflag:s17] =	ssyncadd.s32 $0xFFFFF000  }
0x133: {  	v12 =	vld.idx.msk [tilespmem:v37+s29+$0x0], $0xffff  }
0x134: {  	v13 =	vld.idx.msk [tilespmem:v38+s30+$0x0], $0xffff  }
0x135: {  	v14 =	vld.idx.msk [tilespmem:v39+s29+$0x0], $0xffff  }
0x136: {  	v15 =	vld.idx.msk [tilespmem:v40+s30+$0x0], $0xffff;
	_ =	sdelay $0x2  }
0x137: {  	v12 =	vmul.f32 v13, v12;
	_ =	sdelay $0x1  }
0x138: {  	v41 =	vmul.f32 v15, v14;
	v12 =	vadd.f32 $0.0e+00, v12;
	_ =	sdelay $0x1  }
0x139: {  	v12 =	vadd.f32 v41, v12;
	s20 =	spop (v2sf)  }
0x13a: {  	s7 =	sand.u32 $0xFFFFF80, s20;
	s12 =	spop (v2sf)  }
0x13b: {  	[tilespmem:s22+$0x100] =	vst v12;
	s3 =	sadd.s32 s1, s7;
	s4 =	sand.u32 $0xFFFFF80, s12  }
0x13c: {  	[tilespmem:s5], [sflag:$0x1] =	stream.strided.gather [hbm4b:s3+s29], $0x1000, s28, s29, $0x38;
	[tilespmem:$0x18A00] =	vst v63  }
0x13d: {  	s3 =	sadd.s32 s2, s4  }
0x13e: {  	[tilespmem:s14], [sflag:$0x1] =	stream.strided.gather [hbm4b:s3+s29], $0x1000, s28, s29, $0x38;
	[tilespmem:$0x18A00] =	vst v63  }
0x13f: {  	_ =	swait.ge [sflag:s17], $0x1000  }
0x140: {  	[sflag:s17] =	ssyncset.done $0x0  }
0x141: {  	[sflag:s17] =	ssyncadd.s32 $0xFFFFF000  }
0x142: {  	s7 =	sand.u32 $0x7F, s25;
	_ =	swait.ge [sflag:s17], $0x1000  }
0x143: {  	s25 =	sand.u32 $0x7F, s6;
	v42 =	vor.u32 s7, v6;
	(v2sf) =	vpush v11, $0xF  }
0x144: {  	v43 =	vor.u32 s25, v6;
	(v2sf) =	vpush v10, $0xF  }
0x145: {  	v44 =	vor.u32 s7, v7  }
0x146: {  	v45 =	vor.u32 s25, v7;
	[sflag:s17] =	ssyncset.done $0x0  }
0x147: {  	[sflag:s17] =	ssyncadd.s32 $0xFFFFF000  }
0x148: {  	v12 =	vld.idx.msk [tilespmem:v42+s29+$0x0], $0xffff  }
0x149: {  	v11 =	vld.idx.msk [tilespmem:v43+s30+$0x0], $0xffff  }
0x14a: {  	v13 =	vld.idx.msk [tilespmem:v44+s29+$0x0], $0xffff  }
0x14b: {  	v10 =	vld.idx.msk [tilespmem:v45+s30+$0x0], $0xffff;
	_ =	sdelay $0x2  }
0x14c: {  	v11 =	vmul.f32 v11, v12;
	_ =	sdelay $0x1  }
0x14d: {  	v10 =	vmul.f32 v10, v13;
	v11 =	vadd.f32 $0.0e+00, v11;
	_ =	sdelay $0x1  }
0x14e: {  	v10 =	vadd.f32 v10, v11;
	s25 =	spop (v2sf)  }
0x14f: {  	s4 =	sand.u32 $0xFFFFF80, s25;
	s7 =	spop (v2sf)  }
0x150: {  	[tilespmem:s22+$0x180] =	vst v10;
	s3 =	sadd.s32 s1, s4;
	s6 =	sand.u32 $0xFFFFF80, s7  }
0x151: {  	[tilespmem:s15], [sflag:$0x1] =	stream.strided.gather [hbm4b:s3+s29], $0x1000, s28, s29, $0x38;
	[tilespmem:$0x18A00] =	vst v63  }
0x152: {  	s3 =	sadd.s32 s2, s6  }
0x153: {  	[tilespmem:s16], [sflag:$0x1] =	stream.strided.gather [hbm4b:s3+s29], $0x1000, s28, s29, $0x38;
	[tilespmem:$0x18A00] =	vst v63  }
0x154: {  	_ =	swait.ge [sflag:s17], $0x1000  }
0x155: {  	[sflag:s17] =	ssyncset.done $0x0  }
0x156: {  	[sflag:s17] =	ssyncadd.s32 $0xFFFFF000  }
0x157: {  	p0 =	seq.s32 s24, $0x7C0;
	_ =	swait.ge [sflag:s17], $0x1000  }
0x158: {  	s4 =	sand.u32 $0x7F, s9;
	(v2sf) =	vpush @!p0 v9, $0x0  }
0x159: {  	s6 =	sand.u32 $0x7F, s10;
	v46 =	vor.u32 s4, v0;
	(v2sf) =	vpush @!p0 v8, $0x0  }
0x15a: {  	v47 =	vor.u32 s6, v0  }
0x15b: {  	v48 =	vor.u32 s4, v1  }
0x15c: {  	v49 =	vor.u32 s6, v1;
	[sflag:s17] =	ssyncset.done $0x0  }
0x15d: {  	[sflag:s17] =	ssyncadd.s32 $0xFFFFF000  }
0x15e: {  	v10 =	vld.idx.msk [tilespmem:v46+s29+$0x0], $0xffff  }
0x15f: {  	v11 =	vld.idx.msk [tilespmem:v47+s30+$0x0], $0xffff  }
0x160: {  	v12 =	vld.idx.msk [tilespmem:v48+s29+$0x0], $0xffff  }
0x161: {  	v13 =	vld.idx.msk [tilespmem:v49+s30+$0x0], $0xffff;
	_ =	sdelay $0x2  }
0x162: {  	v10 =	vmul.f32 v11, v10;
	_ =	sdelay $0x1  }
0x163: {  	v50 =	vmul.f32 v13, v12;
	v10 =	vadd.f32 $0.0e+00, v10  }
0x164: {  	s6 =	spop @!p0 (v2sf)  }
0x165: {  	v10 =	vadd.f32 v50, v10;
	s3 =	spop @!p0 (v2sf)  }
0x166: {  	s4 =	simm.s32 @!p0 $0x400;
	s3 =	sand.u32 @!p0 $0xFFFFF80, s3  }
0x167: {  	[tilespmem:s22+$0x200] =	vst v10;
	s6 =	sand.u32 @!p0 $0xFFFFF80, s6;
	s9 =	sadd.s32 @!p0 s1, s3;
	s3 =	simm.s32 @!p0 $0x7A1400  }
0x168: {  	[tilespmem:s4], [sflag:$0x1] =	stream.strided.gather @!p0 [hbm4b:s9+s4], $0x1000, s3, s4, $0x38;
	[tilespmem:$0x18A00] =	vst v63  }
0x169: {  	s6 =	sadd.s32 @!p0 s2, s6;
	s9 =	simm.s32 @!p0 $0x4400  }
0x16a: {  	[tilespmem:s9], [sflag:$0x1] =	stream.strided.gather @!p0 [hbm4b:s6+s4], $0x1000, s3, s4, $0x38;
	[tilespmem:$0x18A00] =	vst v63  }
0x16b: {  	_ =	swait.ge [sflag:s17], $0x1000  }
0x16c: {  	[sflag:s17] =	ssyncset.done $0x0  }
0x16d: {  	[sflag:s17] =	ssyncadd.s32 $0xFFFFF000  }
0x16e: {  	_ =	swait.ge [sflag:s17], $0x1000  }
0x16f: {  	s9 =	sand.u32 $0x7F, s26;
	(v2sf) =	vpush @!p0 v9, $0x1  }
0x170: {  	s8 =	sand.u32 $0x7F, s8;
	v51 =	vor.u32 s9, v2;
	(v2sf) =	vpush @!p0 v8, $0x1  }
0x171: {  	v52 =	vor.u32 s8, v2  }
0x172: {  	v53 =	vor.u32 s9, v3  }
0x173: {  	v54 =	vor.u32 s8, v3;
	[sflag:s17] =	ssyncset.done $0x0  }
0x174: {  	[sflag:s17] =	ssyncadd.s32 $0xFFFFF000  }
0x175: {  	v10 =	vld.idx.msk [tilespmem:v51+s29+$0x0], $0xffff  }
0x176: {  	v11 =	vld.idx.msk [tilespmem:v52+s30+$0x0], $0xffff  }
0x177: {  	v12 =	vld.idx.msk [tilespmem:v53+s29+$0x0], $0xffff  }
0x178: {  	v13 =	vld.idx.msk [tilespmem:v54+s30+$0x0], $0xffff;
	_ =	sdelay $0x2  }
0x179: {  	v10 =	vmul.f32 v11, v10;
	_ =	sdelay $0x1  }
0x17a: {  	v55 =	vmul.f32 v13, v12;
	v10 =	vadd.f32 $0.0e+00, v10  }
0x17b: {  	s6 =	spop @!p0 (v2sf)  }
0x17c: {  	v10 =	vadd.f32 v55, v10;
	s8 =	spop @!p0 (v2sf)  }
0x17d: {  	s8 =	sand.u32 @!p0 $0xFFFFF80, s8  }
0x17e: {  	s9 =	simm.s32 @!p0 $0x1400;
	[tilespmem:s22+$0x280] =	vst v10;
	s6 =	sand.u32 @!p0 $0xFFFFF80, s6;
	s8 =	sadd.s32 @!p0 s1, s8  }
0x17f: {  	[tilespmem:s9], [sflag:$0x1] =	stream.strided.gather @!p0 [hbm4b:s8+s4], $0x1000, s3, s4, $0x38;
	[tilespmem:$0x18A00] =	vst v63  }
0x180: {  	s6 =	sadd.s32 @!p0 s2, s6;
	s8 =	simm.s32 @!p0 $0x5400  }
0x181: {  	[tilespmem:s8], [sflag:$0x1] =	stream.strided.gather @!p0 [hbm4b:s6+s4], $0x1000, s3, s4, $0x38;
	[tilespmem:$0x18A00] =	vst v63  }
0x182: {  	_ =	swait.ge [sflag:s17], $0x1000  }
0x183: {  	[sflag:s17] =	ssyncset.done $0x0  }
0x184: {  	[sflag:s17] =	ssyncadd.s32 $0xFFFFF000  }
0x185: {  	_ =	swait.ge [sflag:s17], $0x1000  }
0x186: {  	s10 =	sand.u32 $0x7F, s20;
	(v2sf) =	vpush @!p0 v9, $0x2  }
0x187: {  	s20 =	sand.u32 $0x7F, s12;
	v56 =	vor.u32 s10, v4;
	(v2sf) =	vpush @!p0 v8, $0x2  }
0x188: {  	v8 =	vor.u32 s20, v4  }
0x189: {  	v57 =	vor.u32 s10, v5  }
0x18a: {  	v58 =	vor.u32 s20, v5;
	[sflag:s17] =	ssyncset.done $0x0  }
0x18b: {  	[sflag:s17] =	ssyncadd.s32 $0xFFFFF000  }
0x18c: {  	v9 =	vld.idx.msk [tilespmem:v56+s29+$0x0], $0xffff  }
0x18d: {  	v8 =	vld.idx.msk [tilespmem:v8+s30+$0x0], $0xffff  }
0x18e: {  	v10 =	vld.idx.msk [tilespmem:v57+s29+$0x0], $0xffff  }
0x18f: {  	v11 =	vld.idx.msk [tilespmem:v58+s30+$0x0], $0xffff;
	_ =	sdelay $0x2  }
0x190: {  	v8 =	vmul.f32 v8, v9;
	_ =	sdelay $0x1  }
0x191: {  	v59 =	vmul.f32 v11, v10;
	v8 =	vadd.f32 $0.0e+00, v8  }
0x192: {  	s6 =	spop @!p0 (v2sf)  }
0x193: {  	v8 =	vadd.f32 v59, v8;
	s8 =	spop @!p0 (v2sf)  }
0x194: {  	s8 =	sand.u32 @!p0 $0xFFFFF80, s8  }
0x195: {  	s9 =	simm.s32 @!p0 $0x2400;
	s6 =	sand.u32 @!p0 $0xFFFFF80, s6;
	[tilespmem:s22+$0x300] =	vst v8;
	s8 =	sadd.s32 @!p0 s1, s8  }
0x196: {  	[tilespmem:s9], [sflag:$0x1] =	stream.strided.gather @!p0 [hbm4b:s8+s4], $0x1000, s3, s4, $0x38;
	[tilespmem:$0x18A00] =	vst v63  }
0x197: {  	s6 =	sadd.s32 @!p0 s2, s6;
	s8 =	simm.s32 @!p0 $0x6400  }
0x198: {  	[tilespmem:s8], [sflag:$0x1] =	stream.strided.gather @!p0 [hbm4b:s6+s4], $0x1000, s3, s4, $0x38;
	[tilespmem:$0x18A00] =	vst v63  }
0x199: {  	s25 =	sand.u32 $0x7F, s25;
	_ =	swait.ge [sflag:s17], $0x1000  }
0x19a: {  	s26 =	sand.u32 $0x7F, s7;
	v8 =	vor.u32 s25, v6;
	[sflag:s17] =	ssyncset.done $0x0  }
0x19b: {  	v60 =	vor.u32 s26, v6;
	[sflag:s17] =	ssyncadd.s32 $0xFFFFF000  }
0x19c: {  	v61 =	vor.u32 s25, v7;
	_ =	swait.ge [sflag:s17], $0x1000  }
0x19d: {  	v62 =	vor.u32 s26, v7;
	[sflag:s17] =	ssyncset.done $0x0  }
0x19e: {  	[sflag:s17] =	ssyncadd.s32 $0xFFFFF000  }
0x19f: {  	v8 =	vld.idx.msk [tilespmem:v8+s29+$0x0], $0xffff  }
0x1a0: {  	v9 =	vld.idx.msk [tilespmem:v60+s30+$0x0], $0xffff  }
0x1a1: {  	v10 =	vld.idx.msk [tilespmem:v61+s29+$0x0], $0xffff  }
0x1a2: {  	v11 =	vld.idx.msk [tilespmem:v62+s30+$0x0], $0xffff;
	_ =	sdelay $0x2  }
0x1a3: {  	s24 =	sadd.s32 $0x40, s24;
	v8 =	vmul.f32 v9, v8  }
0x1a4: {  	p0 =	sne.s32 s24, $0x800  }
.Ltmp0:
0x1a5: {  	v63 =	vmul.f32 v11, v10;
	v8 =	vadd.f32 $0.0e+00, v8;
	(pc) =	sbr.rel @p0 .LBB2_2-.Ltmp0, $3  }
0x1a6: {  	_ = 	snop  }
0x1a7: {  	v8 =	vadd.f32 v63, v8;
	_ =	sdelay $0x1  }
0x1a8: {  	s23 =	sadd.s32 $0x10, s23;
	[tilespmem:s22+$0x380] =	vst v8;
	s22 =	sadd.s32 $0x800, s22  }
0x1a9: {  	_ =	swait.ge [sflag:s18], $0x80  }
0x1aa: {  	[sflag:s18] =	ssyncset.done $0x0  }
0x1ab: {  	[sflag:s18] =	ssyncadd.s32 $0xFFFFFF80  }
0x1ac: {  	_ =	swait.ge [sflag:s18], $0x80  }
0x1ad: {  	[sflag:s18] =	ssyncset.done $0x0  }
0x1ae: {  	[sflag:s18] =	ssyncadd.s32 $0xFFFFFF80  }
0x1af: {  	_ =	swait.ge [sflag:s18], $0x80  }
0x1b0: {  	[sflag:s18] =	ssyncset.done $0x0  }
0x1b1: {  	[sflag:s18] =	ssyncadd.s32 $0xFFFFFF80  }
0x1b2: {  	_ =	swait.ge [sflag:s18], $0x80  }
0x1b3: {  	[sflag:s18] =	ssyncset.done $0x0  }
0x1b4: {  	[sflag:s18] =	ssyncadd.s32 $0xFFFFFF80  }
0x1b5: {  	_ =	swait.ge [sflag:s18], $0x80  }
0x1b6: {  	[sflag:s18] =	ssyncset.done $0x0  }
0x1b7: {  	[sflag:s18] =	ssyncadd.s32 $0xFFFFFF80  }
0x1b8: {  	_ =	swait.ge [sflag:s18], $0x80  }
0x1b9: {  	[sflag:s18] =	ssyncset.done $0x0  }
0x1ba: {  	[sflag:s18] =	ssyncadd.s32 $0xFFFFFF80  }
0x1bb: {  	_ =	swait.ge [sflag:s18], $0x80  }
0x1bc: {  	s3 =	simm.s32 $0x0;
	[sflag:s18] =	ssyncset.done $0x0  }
0x1bd: {  	v8 =	vmov s3;
	[sflag:s18] =	ssyncadd.s32 $0xFFFFFF80  }
0x1be: {  	v8 =	vshll.u32 v8, $0x7;
	_ =	swait.ge [sflag:s18], $0x80  }
0x1bf: {  	v8 =	vor.u32 v0, v8;
	[sflag:s18] =	ssyncset.done $0x0  }
0x1c0: {  	s24 =	simm.s32 $0x8600;
	[sflag:s18] =	ssyncadd.s32 $0xFFFFFF80  }
0x1c1: {  	s4 =	simm.s32 $0x8400;
	v9 =	vor.u32 $0x1, v8;
	v10 =	vld [tilespmem:s24+$0x0]  }
0x1c2: {  	v11 =	vld [tilespmem:s4+$0x0]  }
0x1c3: {  	v12 =	vor.u32 $0x2, v8  }
0x1c4: {  	v13 =	vld.idx.msk [tilespmem:v8+s19+$0x0], $0xffff  }
0x1c5: {  	v14 =	vor.u32 $0x3, v8  }
0x1c6: {  	v9 =	vld.idx.msk [tilespmem:v9+s19+$0x0], $0xffff  }
0x1c7: {  	v15 =	vor.u32 $0x4, v8;
	v10 =	vadd.f32 v10, v11  }
0x1c8: {  	v11 =	vld.idx.msk [tilespmem:v12+s19+$0x0], $0xffff  }
0x1c9: {  	v32 =	vor.u32 $0x5, v8;
	v10 =	vadd.f32 v13, v10  }
0x1ca: {  	v33 =	vld.idx.msk [tilespmem:v14+s19+$0x0], $0xffff  }
0x1cb: {  	v34 =	vor.u32 $0x6, v8;
	v9 =	vadd.f32 v9, v10  }
0x1cc: {  	v10 =	vld.idx.msk [tilespmem:v15+s19+$0x0], $0xffff  }
0x1cd: {  	v35 =	vor.u32 $0x7, v8;
	v9 =	vadd.f32 v11, v9  }
0x1ce: {  	v11 =	vld.idx.msk [tilespmem:v32+s19+$0x0], $0xffff  }
0x1cf: {  	v36 =	vor.u32 $0x8, v8;
	v9 =	vadd.f32 v33, v9  }
0x1d0: {  	v37 =	vld.idx.msk [tilespmem:v34+s19+$0x0], $0xffff  }
0x1d1: {  	v38 =	vor.u32 $0x9, v8;
	v9 =	vadd.f32 v10, v9  }
0x1d2: {  	v10 =	vld.idx.msk [tilespmem:v35+s19+$0x0], $0xffff  }
0x1d3: {  	v39 =	vor.u32 $0xA, v8;
	v9 =	vadd.f32 v11, v9  }
0x1d4: {  	v11 =	vld.idx.msk [tilespmem:v36+s19+$0x0], $0xffff  }
0x1d5: {  	v40 =	vor.u32 $0xB, v8;
	v9 =	vadd.f32 v37, v9  }
0x1d6: {  	v41 =	vld.idx.msk [tilespmem:v38+s19+$0x0], $0xffff  }
0x1d7: {  	v42 =	vor.u32 $0xC, v8;
	v9 =	vadd.f32 v10, v9  }
0x1d8: {  	v10 =	vld.idx.msk [tilespmem:v39+s19+$0x0], $0xffff  }
0x1d9: {  	v43 =	vor.u32 $0xD, v8;
	v9 =	vadd.f32 v11, v9  }
0x1da: {  	v11 =	vld.idx.msk [tilespmem:v40+s19+$0x0], $0xffff  }
0x1db: {  	v44 =	vor.u32 $0xE, v8;
	v9 =	vadd.f32 v41, v9  }
0x1dc: {  	v45 =	vld.idx.msk [tilespmem:v42+s19+$0x0], $0xffff  }
0x1dd: {  	v8 =	vor.u32 $0xF, v8;
	v9 =	vadd.f32 v10, v9  }
0x1de: {  	v10 =	vld.idx.msk [tilespmem:v43+s19+$0x0], $0xffff  }
0x1df: {  	v9 =	vadd.f32 v11, v9  }
0x1e0: {  	v11 =	vld.idx.msk [tilespmem:v44+s19+$0x0], $0xffff  }
0x1e1: {  	v9 =	vadd.f32 v45, v9  }
0x1e2: {  	v8 =	vld.idx.msk [tilespmem:v8+s19+$0x0], $0xffff  }
0x1e3: {  	v9 =	vadd.f32 v10, v9;
	_ =	sdelay $0x1  }
0x1e4: {  	s25 =	simm.s32 $0x10;
	v9 =	vadd.f32 v11, v9  }
0x1e5: {  	v10 =	vmov s25  }
0x1e6: {  	v10 =	vshll.u32 v10, $0x7;
	v8 =	vadd.f32 v8, v9  }
0x1e7: {  	s22 =	simm.s32 $0x18800;
	v9 =	vor.u32 v0, v10  }
0x1e8: {  	s23 =	simm.s32 $0x8610;
	[tilespmem:s22+$0x0] =	vst v8  }
0x1e9: {  	s24 =	simm.s32 $0x8410;
	v8 =	vor.u32 $0x1, v9;
	v10 =	vld [tilespmem:s23+$0x0]  }
0x1ea: {  	v11 =	vld [tilespmem:s24+$0x0]  }
0x1eb: {  	v46 =	vor.u32 $0x2, v9  }
0x1ec: {  	v47 =	vld.idx.msk [tilespmem:v9+s19+$0x0], $0xffff  }
0x1ed: {  	v48 =	vor.u32 $0x3, v9  }
0x1ee: {  	v8 =	vld.idx.msk [tilespmem:v8+s19+$0x0], $0xffff  }
0x1ef: {  	v49 =	vor.u32 $0x4, v9;
	v10 =	vadd.f32 v10, v11  }
0x1f0: {  	v11 =	vld.idx.msk [tilespmem:v46+s19+$0x0], $0xffff  }
0x1f1: {  	v50 =	vor.u32 $0x5, v9;
	v10 =	vadd.f32 v47, v10  }
0x1f2: {  	v51 =	vld.idx.msk [tilespmem:v48+s19+$0x0], $0xffff  }
0x1f3: {  	v52 =	vor.u32 $0x6, v9;
	v8 =	vadd.f32 v8, v10  }
0x1f4: {  	v10 =	vld.idx.msk [tilespmem:v49+s19+$0x0], $0xffff  }
0x1f5: {  	v53 =	vor.u32 $0x7, v9;
	v8 =	vadd.f32 v11, v8  }
0x1f6: {  	v11 =	vld.idx.msk [tilespmem:v50+s19+$0x0], $0xffff  }
0x1f7: {  	v54 =	vor.u32 $0x8, v9;
	v8 =	vadd.f32 v51, v8  }
0x1f8: {  	v55 =	vld.idx.msk [tilespmem:v52+s19+$0x0], $0xffff  }
0x1f9: {  	v56 =	vor.u32 $0x9, v9;
	v8 =	vadd.f32 v10, v8  }
0x1fa: {  	v10 =	vld.idx.msk [tilespmem:v53+s19+$0x0], $0xffff  }
0x1fb: {  	v57 =	vor.u32 $0xA, v9;
	v8 =	vadd.f32 v11, v8  }
0x1fc: {  	v11 =	vld.idx.msk [tilespmem:v54+s19+$0x0], $0xffff  }
0x1fd: {  	v58 =	vor.u32 $0xB, v9;
	v8 =	vadd.f32 v55, v8  }
0x1fe: {  	v59 =	vld.idx.msk [tilespmem:v56+s19+$0x0], $0xffff  }
0x1ff: {  	v60 =	vor.u32 $0xC, v9;
	v8 =	vadd.f32 v10, v8  }
0x200: {  	v10 =	vld.idx.msk [tilespmem:v57+s19+$0x0], $0xffff  }
0x201: {  	v61 =	vor.u32 $0xD, v9;
	v8 =	vadd.f32 v11, v8  }
0x202: {  	v11 =	vld.idx.msk [tilespmem:v58+s19+$0x0], $0xffff  }
0x203: {  	v8 =	vadd.f32 v59, v8  }
0x204: {  	v62 =	vor.u32 $0xE, v9;
	v63 =	vld.idx.msk [tilespmem:v60+s19+$0x0], $0xffff  }
0x205: {  	v8 =	vadd.f32 v10, v8  }
0x206: {  	v9 =	vor.u32 $0xF, v9;
	v10 =	vld.idx.msk [tilespmem:v61+s19+$0x0], $0xffff  }
0x207: {  	v8 =	vadd.f32 v11, v8;
	_ =	sdelay $0x1  }
0x208: {  	v11 =	vld.idx.msk [tilespmem:v62+s19+$0x0], $0xffff;
	v8 =	vadd.f32 v63, v8;
	_ =	sdelay $0x1  }
0x209: {  	v10 =	vadd.f32 v10, v8;
	v8 =	vld.idx.msk [tilespmem:v9+s19+$0x0], $0xffff;
	_ =	sdelay $0x1  }
0x20a: {  	s26 =	simm.s32 $0x20  }
0x20b: {  	s7 =	simm.s32 $0x30;
	v9 =	vmov s26;
	v10 =	vadd.f32 v11, v10  }
.LBB2_4:
0x20c: {  	p0 =	sne.s32 s7, $0x1F0;
	v9 =	vshll.u32 v9, $0x7  }
0x20d: {  	v9 =	vor.u32 v0, v9;
	v8 =	vadd.f32 v8, v10  }
0x20e: {  	s22 =	sadd.s32 $0x10, s22  }
0x20f: {  	s23 =	sadd.s32 $0x10, s23;
	v10 =	vor.u32 $0x1, v9;
	[tilespmem:s22+$0x0] =	vst v8  }
0x210: {  	s24 =	sadd.s32 $0x10, s24;
	v8 =	vld [tilespmem:s23+$0x0]  }
0x211: {  	v12 =	vor.u32 $0x2, v9;
	v11 =	vld [tilespmem:s24+$0x0]  }
0x212: {  	v13 =	vld.idx.msk [tilespmem:v9+s19+$0x0], $0xffff  }
0x213: {  	v14 =	vor.u32 $0x3, v9  }
0x214: {  	v10 =	vld.idx.msk [tilespmem:v10+s19+$0x0], $0xffff  }
0x215: {  	v15 =	vor.u32 $0x4, v9  }
0x216: {  	v8 =	vadd.f32 v8, v11;
	v11 =	vld.idx.msk [tilespmem:v12+s19+$0x0], $0xffff  }
0x217: {  	v12 =	vor.u32 $0x5, v9  }
0x218: {  	v8 =	vadd.f32 v13, v8;
	v13 =	vld.idx.msk [tilespmem:v14+s19+$0x0], $0xffff  }
0x219: {  	v14 =	vor.u32 $0x6, v9  }
0x21a: {  	v8 =	vadd.f32 v10, v8;
	v10 =	vld.idx.msk [tilespmem:v15+s19+$0x0], $0xffff  }
0x21b: {  	v15 =	vor.u32 $0x7, v9  }
0x21c: {  	v8 =	vadd.f32 v11, v8;
	v11 =	vld.idx.msk [tilespmem:v12+s19+$0x0], $0xffff  }
0x21d: {  	v12 =	vor.u32 $0x8, v9  }
0x21e: {  	v8 =	vadd.f32 v13, v8;
	v13 =	vld.idx.msk [tilespmem:v14+s19+$0x0], $0xffff  }
0x21f: {  	v14 =	vor.u32 $0x9, v9  }
0x220: {  	v8 =	vadd.f32 v10, v8;
	v10 =	vld.idx.msk [tilespmem:v15+s19+$0x0], $0xffff  }
0x221: {  	v15 =	vor.u32 $0xA, v9  }
0x222: {  	v8 =	vadd.f32 v11, v8;
	v11 =	vld.idx.msk [tilespmem:v12+s19+$0x0], $0xffff  }
0x223: {  	v12 =	vor.u32 $0xB, v9  }
0x224: {  	v8 =	vadd.f32 v13, v8;
	v13 =	vld.idx.msk [tilespmem:v14+s19+$0x0], $0xffff  }
0x225: {  	v14 =	vor.u32 $0xC, v9  }
0x226: {  	v8 =	vadd.f32 v10, v8;
	v10 =	vld.idx.msk [tilespmem:v15+s19+$0x0], $0xffff  }
0x227: {  	v15 =	vor.u32 $0xD, v9  }
0x228: {  	v8 =	vadd.f32 v11, v8;
	v11 =	vld.idx.msk [tilespmem:v12+s19+$0x0], $0xffff  }
0x229: {  	v12 =	vor.u32 $0xE, v9  }
0x22a: {  	v8 =	vadd.f32 v13, v8;
	v13 =	vld.idx.msk [tilespmem:v14+s19+$0x0], $0xffff  }
0x22b: {  	v9 =	vor.u32 $0xF, v9  }
0x22c: {  	v8 =	vadd.f32 v10, v8;
	v10 =	vld.idx.msk [tilespmem:v15+s19+$0x0], $0xffff;
	_ =	sdelay $0x1  }
0x22d: {  	v8 =	vadd.f32 v11, v8;
	v11 =	vld.idx.msk [tilespmem:v12+s19+$0x0], $0xffff;
	_ =	sdelay $0x1  }
.Ltmp1:
0x22e: {  	v12 =	vadd.f32 v13, v8;
	v8 =	vld.idx.msk [tilespmem:v9+s19+$0x0], $0xffff;
	(pc) =	sbr.rel @p0 .LBB2_4-.Ltmp1, $3  }
0x22f: {  	_ = 	snop  }
0x230: {  	v10 =	vadd.f32 v10, v12;
	_ =	sdelay $0x1  }
0x231: {  	v9 =	vmov s7;
	s7 =	sadd.s32 $0x10, s7;
	v10 =	vadd.f32 v11, v10  }
0x232: {  	_ = 	snop  }
0x233: {  	v9 =	vshll.u32 v9, $0x7;
	v8 =	vadd.f32 v8, v10  }
0x234: {  	s3 =	sadd.s32 $0x10, s22;
	v9 =	vor.u32 v0, v9  }
0x235: {  	s4 =	sadd.s32 $0x10, s23;
	[tilespmem:s3+$0x0] =	vst v8  }
0x236: {  	s23 =	sadd.s32 $0x10, s24;
	v8 =	vor.u32 $0x1, v9;
	v40 =	vld [tilespmem:s4+$0x0]  }
0x237: {  	v11 =	vld [tilespmem:s23+$0x0]  }
0x238: {  	v12 =	vor.u32 $0x2, v9  }
0x239: {  	v13 =	vld.idx.msk [tilespmem:v9+s19+$0x0], $0xffff  }
0x23a: {  	v14 =	vor.u32 $0x3, v9  }
0x23b: {  	v8 =	vld.idx.msk [tilespmem:v8+s19+$0x0], $0xffff  }
0x23c: {  	v15 =	vor.u32 $0x4, v9;
	v10 =	vadd.f32 v40, v11  }
0x23d: {  	v41 =	vld.idx.msk [tilespmem:v12+s19+$0x0], $0xffff  }
0x23e: {  	v42 =	vor.u32 $0x5, v9;
	v10 =	vadd.f32 v13, v10  }
0x23f: {  	v43 =	vld.idx.msk [tilespmem:v14+s19+$0x0], $0xffff  }
0x240: {  	v44 =	vor.u32 $0x6, v9;
	v8 =	vadd.f32 v8, v10  }
0x241: {  	v45 =	vld.idx.msk [tilespmem:v15+s19+$0x0], $0xffff  }
0x242: {  	v46 =	vor.u32 $0x7, v9;
	v8 =	vadd.f32 v41, v8  }
0x243: {  	v47 =	vld.idx.msk [tilespmem:v42+s19+$0x0], $0xffff  }
0x244: {  	v48 =	vor.u32 $0x8, v9;
	v8 =	vadd.f32 v43, v8  }
0x245: {  	v49 =	vld.idx.msk [tilespmem:v44+s19+$0x0], $0xffff  }
0x246: {  	v50 =	vor.u32 $0x9, v9;
	v8 =	vadd.f32 v45, v8  }
0x247: {  	v51 =	vld.idx.msk [tilespmem:v46+s19+$0x0], $0xffff  }
0x248: {  	v52 =	vor.u32 $0xA, v9;
	v8 =	vadd.f32 v47, v8  }
0x249: {  	v53 =	vld.idx.msk [tilespmem:v48+s19+$0x0], $0xffff  }
0x24a: {  	v54 =	vor.u32 $0xB, v9;
	v8 =	vadd.f32 v49, v8  }
0x24b: {  	v55 =	vld.idx.msk [tilespmem:v50+s19+$0x0], $0xffff  }
0x24c: {  	v56 =	vor.u32 $0xC, v9;
	v8 =	vadd.f32 v51, v8  }
0x24d: {  	v57 =	vld.idx.msk [tilespmem:v52+s19+$0x0], $0xffff  }
0x24e: {  	v58 =	vor.u32 $0xD, v9;
	v8 =	vadd.f32 v53, v8  }
0x24f: {  	v59 =	vld.idx.msk [tilespmem:v54+s19+$0x0], $0xffff  }
0x250: {  	v60 =	vor.u32 $0xE, v9;
	v8 =	vadd.f32 v55, v8  }
0x251: {  	v61 =	vld.idx.msk [tilespmem:v56+s19+$0x0], $0xffff  }
0x252: {  	v9 =	vor.u32 $0xF, v9;
	v8 =	vadd.f32 v57, v8  }
0x253: {  	v62 =	vld.idx.msk [tilespmem:v58+s19+$0x0], $0xffff  }
0x254: {  	v8 =	vadd.f32 v59, v8  }
0x255: {  	v63 =	vld.idx.msk [tilespmem:v60+s19+$0x0], $0xffff  }
0x256: {  	v8 =	vadd.f32 v61, v8  }
0x257: {  	v9 =	vld.idx.msk [tilespmem:v9+s19+$0x0], $0xffff  }
0x258: {  	v8 =	vadd.f32 v62, v8;
	_ =	sdelay $0x1  }
0x259: {  	v8 =	vadd.f32 v63, v8;
	_ =	sdelay $0x1  }
0x25a: {  	v8 =	vadd.f32 v9, v8  }
0x25b: {  	s3 =	sadd.s32 $0x10, s3  }
0x25c: {  	s9 =	simm.s32 $0x0;
	s24 =	rddreg [dreg:$0xa];
	s25 =	simm.s32 $0x18800;
	[tilespmem:s3+$0x0] =	vst v8  }
0x25d: {  	[hbm4b:s24+s9] =	stream.linear.scatter [tilespmem:s25], [sflag:$0x3], $0x200, $0x38;
	[tilespmem:$0x18A00] =	vst v63  }
0x25e: {  	_ =	swait.ge [sflag:s11], $0x200  }
0x25f: {  	s21 =	sadd.s32 $0x1, s21;
	s26 =	rddreg [dreg:$0xb]  }
0x260: {  	p0 =	sne.s32 s21, s26  }
.Ltmp2:
0x261: {  	_ = 	snop;
	(pc) =	sbr.rel @p0 .LBB2_1-.Ltmp2, $3  }
0x262: {  	_ =	sdelay $0x1  }
0x263: {  	[sflag:s11] =	ssyncset.done $0x0  }
0x264: {  	[sflag:s11] =	ssyncadd.s32 $0xFFFFFE00  }
0x265: {  	_ =	sfence.sel $0x180000  }
0x266: {  	[bflag:$0x0] =	sbarrier.arrive $0xFFFF  }
0x267: {  	_ =	strace $0x90000047  }
0x268: {  	s0 =	stileid.u32;
	[bflag:$0x2] =	sbarrier.arrive $0xFFFF  }
0x269: {  	p0 =	sne.s32 s0, $0x0;
	s0 =	rddreg [dreg:$0x7]  }
0x26a: {  	s0 =	sadd.s32 @!p0 $0x100000, s0  }
0x26b: {  	[sflag:s0] =	ssyncadd.tile.s32 @!p0 $0x1;
	_ =	shalt  }
.Lfunc_end2:
_tile_overlayer_lowered:
.L_overlay_start_2:
0x26c: {  	(tag) =	ssettag $0x2  }
0x26d: {  	s0 =	rddreg [dreg:$0x0];
	s2 =	stileid.u32  }
0x26e: {  	s1 =	rddreg [dreg:$0x1];
	p0 =	sne.s32 s2, $0x0  }
0x26f: {  	s3 =	rddreg [dreg:$0x2];
	[bflag:$0x3] =	sbarrier.arrive $0xFFFF;
	s2 =	simm.s32 @!p0 $0x1C03  }
0x270: {  	[timem:s3], [sflag:s2] =	dma.local @!p0 [hbm:s0], s1  }
0x271: {  	s0 =	simm.s32 @!p0 $0x3  }
0x272: {  	_ =	swait.ge @!p0 [sflag:s0], s1  }
0x273: {  	s1 =	ssub.s32 @!p0 $0x0, s1;
	[sflag:s0] =	ssyncset.done @!p0 $0x0  }
0x274: {  	[sflag:s0] =	ssyncadd.s32 @!p0 s1  }
0x275: {  	[bflag:$0x3] =	sbarrier.arrive $0xFFFF  }
0x276: {  	_ =	shalt  }

</sc_bundles>
